<compile_context>
chip_gen: v7x
topology: tpu7x:2x2x1
jax: 0.10.2.dev20260603
libtpu: 0.0.44.dev20260713+nightly
codegen_flags: <defaults>
</compile_context>

<pallas_src>
import functools

import jax
import jax.numpy as jnp
from jax import lax
from jax.experimental import pallas as pl
from jax.experimental.pallas import tpu as pltpu
from jax.experimental.pallas import tpu_sc as plsc

_NC = 2
_NS = 16
_K = 128
_NB = 2


def _ceil_to(a, m):
    return (a + m - 1) // m * m


def _gcd(a, b):
    while b:
        a, b = b, a % b
    return a



def _sc_degree(n_pad, e_pad, d):
    nw = _NC * _NS
    per_w = e_pad // nw
    iters = per_w // _K
    nblocks = iters // _NB
    rows_per_tile = n_pad // _NS
    mesh = plsc.VectorSubcoreMesh(core_axis_name="c", subcore_axis_name="s")

    scratch = (
        [pltpu.VMEM((_K, d), jnp.float32)] * 2
        + [pltpu.VMEM((_K,), jnp.int32)] * _NB
        + [pltpu.VMEM_SHARED((n_pad, d), jnp.float32)]
        + [pltpu.SemaphoreType.DMA] * _NB
    )

    @functools.partial(
        pl.kernel,
        out_type=jax.ShapeDtypeStruct((_NC, n_pad, d), jnp.float32),
        mesh=mesh,
        scratch_types=scratch,
    )
    def k(ones_hbm, dst_hbm, zrows_hbm, out_hbm, ones_v, zb, *rest):
        dvecs = rest[:_NB]
        deg_sh = rest[_NB]
        sem_i = rest[_NB + 1:2 * _NB + 1]
        c = lax.axis_index("c")
        s = lax.axis_index("s")
        w = c * _NS + s
        row0 = s * rows_per_tile
        pltpu.sync_copy(ones_hbm, ones_v)
        pltpu.sync_copy(zrows_hbm, zb)
        for t in range(rows_per_tile // _K):
            pltpu.sync_copy(zb, deg_sh.at[pl.ds(row0 + t * _K, _K), :])
        zrem = rows_per_tile % _K
        if zrem:
            pltpu.sync_copy(
                zb.at[pl.ds(0, zrem), :],
                deg_sh.at[pl.ds(row0 + rows_per_tile - zrem, zrem), :])
        for b_ in range(_NB):
            pltpu.async_copy(dst_hbm.at[w * iters + b_], dvecs[b_], sem_i[b_])
        plsc.subcore_barrier()

        def body(j, carry):
            for b_ in range(_NB):
                i_ = j * _NB + b_
                pltpu.make_async_copy(
                    dst_hbm.at[w * iters + i_], dvecs[b_], sem_i[b_]).wait()
                pltpu.sync_copy(ones_v, deg_sh.at[dvecs[b_]], add=True)

                @pl.when(j + 1 < nblocks)
                def _():
                    pltpu.async_copy(
                        dst_hbm.at[w * iters + i_ + _NB], dvecs[b_], sem_i[b_])
            return carry
        lax.fori_loop(0, nblocks, body, 0)
        plsc.subcore_barrier()
        pltpu.sync_copy(
            deg_sh.at[pl.ds(row0, rows_per_tile), :],
            out_hbm.at[c, pl.ds(row0, rows_per_tile), :],
        )

    return k


def _sc_aggregate(n_pad, e_pad, d):
    nw = _NC * _NS
    per_w = e_pad // nw
    iters = per_w // _K
    nblocks = iters // _NB
    rows_per_tile = n_pad // _NS
    mesh = plsc.VectorSubcoreMesh(core_axis_name="c", subcore_axis_name="s")

    scratch = (
        [pltpu.VMEM((iters, _K), jnp.int32)]
        + [pltpu.VMEM((_K, d), jnp.float32)] * _NB
        + [pltpu.VMEM((_K,), jnp.int32)] * _NB
        + [pltpu.VMEM_SHARED((n_pad, d), jnp.float32)]
        + [pltpu.SemaphoreType.DMA] * (2 * _NB)
    )

    @functools.partial(
        pl.kernel,
        out_type=jax.ShapeDtypeStruct((_NC, n_pad, d), jnp.float32),
        mesh=mesh,
        scratch_types=scratch,
    )
    def k(hls_hbm, src_hbm, dst_hbm, zrows_hbm, out_hbm, src_all, *rest):
        bufs = rest[:_NB]
        dvecs = rest[_NB:2 * _NB]
        agg_sh = rest[2 * _NB]
        sem_g = rest[2 * _NB + 1:3 * _NB + 1]
        sem_i = rest[3 * _NB + 1:4 * _NB + 1]
        c = lax.axis_index("c")
        s = lax.axis_index("s")
        w = c * _NS + s
        row0 = s * rows_per_tile
        pltpu.sync_copy(src_hbm.at[pl.ds(w * iters, iters), :], src_all)
        zb = bufs[0]
        pltpu.sync_copy(zrows_hbm, zb)

        def zbody(t, carry):
            pltpu.sync_copy(zb, agg_sh.at[pl.ds(row0 + t * _K, _K), :])
            return carry
        lax.fori_loop(0, rows_per_tile // _K, zbody, 0)
        zrem = rows_per_tile % _K
        if zrem:
            pltpu.sync_copy(
                zb.at[pl.ds(0, zrem), :],
                agg_sh.at[pl.ds(row0 + rows_per_tile - zrem, zrem), :])
        for b_ in range(_NB):
            pltpu.async_copy(hls_hbm.at[src_all.at[b_]], bufs[b_], sem_g[b_])
            pltpu.async_copy(dst_hbm.at[w * iters + b_], dvecs[b_], sem_i[b_])
        plsc.subcore_barrier()

        def body(j, carry):
            for b_ in range(_NB):
                i_ = j * _NB + b_
                pltpu.make_async_copy(
                    hls_hbm.at[src_all.at[i_]], bufs[b_], sem_g[b_]).wait()
                pltpu.make_async_copy(
                    dst_hbm.at[w * iters + i_], dvecs[b_], sem_i[b_]).wait()
                pltpu.sync_copy(bufs[b_], agg_sh.at[dvecs[b_]], add=True)

                @pl.when(j + 1 < nblocks)
                def _():
                    pltpu.async_copy(
                        hls_hbm.at[src_all.at[i_ + _NB]], bufs[b_], sem_g[b_])
                    pltpu.async_copy(
                        dst_hbm.at[w * iters + i_ + _NB], dvecs[b_], sem_i[b_])
            return carry
        lax.fori_loop(0, nblocks, body, 0)
        plsc.subcore_barrier()
        pltpu.sync_copy(
            agg_sh.at[pl.ds(row0, rows_per_tile), :],
            out_hbm.at[c, pl.ds(row0, rows_per_tile), :],
        )

    return k



def _rsqrt(x):
    y = lax.rsqrt(x)
    y = y * (1.5 - 0.5 * x * y * y)
    y = y * (1.5 - 0.5 * x * y * y)
    return y


def _kdinv_body(p0_ref, p1_ref, dinv_ref):
    deg = p0_ref[:, 0:1] + p1_ref[:, 0:1] + 2.0
    dinv_ref[...] = _rsqrt(deg)


def _k1_body(h_ref, w_ref, pw_ref, dinv_ref, hls_ref, hl2_ref, r_ref):
    h = h_ref[...]
    hl = jnp.dot(h, w_ref[...], preferred_element_type=jnp.float32,
                 precision=lax.Precision.DEFAULT)
    r = jnp.dot(h, pw_ref[...], preferred_element_type=jnp.float32,
                precision=lax.Precision.DEFAULT)
    dinv = dinv_ref[...]
    hls_ref[...] = hl * dinv
    hl2_ref[...] = hl * (2.0 * dinv * dinv)
    r_ref[...] = r


def _k2a_body(n_real, blk, p0_ref, p1_ref, hl2_ref, b_ref, dinv_ref,
              agg_ref, stats_ref):
    i = pl.program_id(0)
    agg = dinv_ref[...] * (p0_ref[...] + p1_ref[...]) + hl2_ref[...] + b_ref[...]
    agg_ref[...] = agg
    rows = lax.broadcasted_iota(jnp.int32, (blk, 1), 0) + i * blk
    mask = (rows < n_real).astype(jnp.float32)
    am = agg * mask

    @pl.when(i == 0)
    def _():
        stats_ref[...] = jnp.zeros_like(stats_ref)

    stats_ref[0:1, :] = stats_ref[0:1, :] + jnp.sum(am, axis=0, keepdims=True)
    stats_ref[1:2, :] = stats_ref[1:2, :] + jnp.sum(agg * am, axis=0, keepdims=True)


def _k2b_body(n_real, agg_ref, stats_ref, r_ref, g_ref, be_ref, pb_ref,
              lng_ref, lnb_ref, out_ref):
    inv_n = 1.0 / n_real
    mu = stats_ref[0:1, :] * inv_n
    var = stats_ref[1:2, :] * inv_n - mu * mu
    hb = (agg_ref[...] - mu) * _rsqrt(var + 1e-5) * g_ref[...] + be_ref[...]
    hb = hb + r_ref[...] + pb_ref[...]
    hr = jnp.maximum(hb, 0.0)
    m2 = jnp.mean(hr, axis=1, keepdims=True)
    v2 = jnp.mean(hr * hr, axis=1, keepdims=True) - m2 * m2
    out_ref[...] = (hr - m2) * _rsqrt(v2 + 1e-5) * lng_ref[...] + lnb_ref[...]


def kernel(x, edge_index, W, b, bn_gamma, bn_beta, Pw, Pb, ln_g, ln_b):
    n, d = x.shape
    num_layers = W.shape[0]
    e = edge_index.shape[1]

    n_pad = _ceil_to(n + 1, 128)
    chunk_mult = _NB * 8 // _gcd(_NB, 8)
    e_pad = _ceil_to(e, _NC * _NS * _K * chunk_mult)
    grid_n = 8
    blk = n_pad // grid_n

    x_p = jnp.pad(x, ((0, n_pad - n), (0, 0)))
    if e_pad > e:
        pidx = n + (jnp.arange(e_pad - e, dtype=edge_index.dtype)
                    % (n_pad - n))
        ei = jnp.concatenate([edge_index, jnp.stack([pidx, pidx])], axis=1)
    else:
        ei = edge_index
    src = ei[0].reshape(e_pad // _K, _K)
    dst = ei[1].reshape(e_pad // _K, _K)

    ones_blk = jnp.ones((_K, d), jnp.float32)
    zrows = jnp.zeros((_K, d), jnp.float32)
    deg_p = _sc_degree(n_pad, e_pad, d)(ones_blk, dst, zrows)

    row_spec = pl.BlockSpec((blk, d), lambda i: (i, 0))
    col1_spec = pl.BlockSpec((blk, 1), lambda i: (i, 0))
    deg_spec = row_spec
    full_spec = pl.BlockSpec((d, d), lambda i: (0, 0))
    vec_spec = pl.BlockSpec((1, d), lambda i: (0, 0))
    stats_spec = pl.BlockSpec((8, d), lambda i: (0, 0))

    dinv = pl.pallas_call(
        _kdinv_body,
        grid=(grid_n,),
        in_specs=[deg_spec, deg_spec],
        out_specs=col1_spec,
        out_shape=jax.ShapeDtypeStruct((n_pad, 1), jnp.float32),
    )(deg_p[0], deg_p[1])

    sc_agg = _sc_aggregate(n_pad, e_pad, d)

    h = x_p
    for i in range(num_layers):
        hls, hl2, r = pl.pallas_call(
            _k1_body,
            grid=(grid_n,),
            in_specs=[row_spec, full_spec, full_spec, col1_spec],
            out_specs=[row_spec, row_spec, row_spec],
            out_shape=[jax.ShapeDtypeStruct((n_pad, d), jnp.float32)] * 3,
        )(h, W[i], Pw[i], dinv)

        agg_p = sc_agg(hls, src, dst, zrows)

        agg, stats = pl.pallas_call(
            functools.partial(_k2a_body, n, blk),
            grid=(grid_n,),
            in_specs=[row_spec, row_spec, row_spec, vec_spec, col1_spec],
            out_specs=[row_spec, stats_spec],
            out_shape=[
                jax.ShapeDtypeStruct((n_pad, d), jnp.float32),
                jax.ShapeDtypeStruct((8, d), jnp.float32),
            ],
        )(agg_p[0], agg_p[1], hl2, b[i][None, :], dinv)

        h = pl.pallas_call(
            functools.partial(_k2b_body, float(n)),
            grid=(grid_n,),
            in_specs=[row_spec, stats_spec, row_spec, vec_spec, vec_spec,
                      vec_spec, vec_spec, vec_spec],
            out_specs=row_spec,
            out_shape=jax.ShapeDtypeStruct((n_pad, d), jnp.float32),
        )(agg, stats, r, bn_gamma[i][None, :], bn_beta[i][None, :],
          Pb[i][None, :], ln_g[None, :], ln_b[None, :])

    return h[:n]

# --- scband reference (transcript-rebuilt; emitter-appended) ---
"""Pipeline reference for scband-gcnwith-residual-43052752175807 (READ-ONLY COPY).

The authoritative reference and input builder live on the scoring server;
editing this copy changes nothing except your own understanding.
"""

import jax, jax.numpy as jnp
import numpy as np

N = 10000
E = 320000
D = 128
L = 4


def setup_inputs(seed: int = 0) -> dict:
    key = jax.random.key(seed)
    ks = jax.random.split(key, 6)
    x = jax.random.normal(ks[0], (N, D), dtype=jnp.float32)
    edge_index = jax.random.randint(ks[1], (2, E), 0, N, dtype=jnp.int32)
    W = jax.random.normal(ks[2], (L, D, D), dtype=jnp.float32) * (1.0 / np.sqrt(D))
    b = jnp.zeros((L, D), dtype=jnp.float32)
    bn_gamma = jnp.ones((L, D), dtype=jnp.float32)
    bn_beta = jnp.zeros((L, D), dtype=jnp.float32)
    Pw = jax.random.normal(ks[3], (L, D, D), dtype=jnp.float32) * (1.0 / np.sqrt(D))
    Pb = jnp.zeros((L, D), dtype=jnp.float32)
    ln_g = jnp.ones((D,), dtype=jnp.float32)
    ln_b = jnp.zeros((D,), dtype=jnp.float32)
    return {"x": x, "edge_index": edge_index, "W": W, "b": b,
            "bn_gamma": bn_gamma, "bn_beta": bn_beta, "Pw": Pw, "Pb": Pb,
            "ln_g": ln_g, "ln_b": ln_b}


def reference(x, edge_index, W, b, bn_gamma, bn_beta, Pw, Pb, ln_g, ln_b):
    # GCNConv (PyG, improved=True): add self-loops with weight 2.0, symmetric norm.
    n = x.shape[0]
    src = edge_index[0]
    dst = edge_index[1]
    deg = jnp.zeros((n,), dtype=x.dtype).at[dst].add(1.0) + 2.0  # improved self-loop weight 2
    dinv = jax.lax.rsqrt(deg)
    norm_e = dinv[src] * dinv[dst]
    self_norm = dinv * dinv * 2.0

    h = x
    num_layers = W.shape[0]
    for i in range(num_layers):
        h_res = h
        # GCNConv: linear then normalized scatter-add aggregation + bias
        hl = h @ W[i]
        msgs = hl[src] * norm_e[:, None]
        agg = jnp.zeros_like(hl).at[dst].add(msgs) + hl * self_norm[:, None]
        agg = agg + b[i]
        # BatchNorm1d (training-mode batch statistics, deterministic)
        mu = jnp.mean(agg, axis=0)
        var = jnp.var(agg, axis=0)
        hb = (agg - mu) * jax.lax.rsqrt(var + 1e-5) * bn_gamma[i] + bn_beta[i]
        # residual projection
        hb = hb + h_res @ Pw[i] + Pb[i]
        hr = jax.nn.relu(hb)
        # LayerNorm
        m2 = jnp.mean(hr, axis=-1, keepdims=True)
        v2 = jnp.var(hr, axis=-1, keepdims=True)
        h = (hr - m2) * jax.lax.rsqrt(v2 + 1e-5) * ln_g + ln_b
        # dropout: identity in eval/deterministic mode
    return h

if __name__ == "__main__":
    import jax
    _d = setup_inputs()
    print(jax.jit(kernel)(*tuple(_d.values())))

</pallas_src>

<mosaic_0001>
#map = affine_map<(d0, d1) -> (0, 0)>
#map1 = affine_map<(d0, d1) -> (0, 0, 0)>
module attributes {stable_mosaic.version = 14 : i64} {
  func.func @k(%arg0: i32, %arg1: i32, %arg2: memref<10112x128xf32, #tpu.memory_space<hbm>>, %arg3: memref<2560x128xi32, #tpu.memory_space<hbm>>, %arg4: memref<2560x128xi32, #tpu.memory_space<hbm>>, %arg5: memref<128x128xf32, #tpu.memory_space<hbm>>, %arg6: memref<2x10112x128xf32, #tpu.memory_space<hbm>>, %arg7: memref<80x128xi32, #tpu.memory_space<vmem>>, %arg8: memref<128x128xf32, #tpu.memory_space<vmem>>, %arg9: memref<128x128xf32, #tpu.memory_space<vmem>>, %arg10: memref<128xi32, #tpu.memory_space<vmem>>, %arg11: memref<128xi32, #tpu.memory_space<vmem>>, %arg12: memref<10112x128xf32, #tpu.memory_space<vmem_shared>>, %arg13: memref<!tpu.dma_semaphore, #tpu.memory_space<semaphore_mem>>, %arg14: memref<!tpu.dma_semaphore, #tpu.memory_space<semaphore_mem>>, %arg15: memref<!tpu.dma_semaphore, #tpu.memory_space<semaphore_mem>>, %arg16: memref<!tpu.dma_semaphore, #tpu.memory_space<semaphore_mem>>) attributes {dimension_semantics = [#tpu.dimension_semantics<core_parallel>, #tpu.dimension_semantics<subcore_parallel>], iteration_bounds = array<i64: 2, 16>, scalar_prefetch = 0 : i64, scratch_operands = 10 : i64, tpu.core_type = #tpu.core_type<sc_vector_subcore>, window_params = [{transform_indices = #map}, {transform_indices = #map}, {transform_indices = #map}, {transform_indices = #map}, {transform_indices = #map1}]} {
    %mul3A = arith.constant 16 : i32
    %mul3A_0 = arith.muli %arg0, %mul3A : i32
    %add3A = arith.addi %mul3A_0, %arg1 : i32
    %mul3A_1 = arith.constant 632 : i32
    %mul3A_2 = arith.muli %arg1, %mul3A_1 : i32
    %mul3A_3 = arith.constant 80 : i32
    %mul3A_4 = arith.muli %add3A, %mul3A_3 : i32
    "tpu.region"() ({
      %run_scoped3A = tpu.sem_alloc : memref<!tpu.dma_semaphore, #tpu.memory_space<semaphore_mem>>
      %dma_start3A_53 = arith.constant 0 : i32
      %dma_start3A_54 = tpu.memref_slice %arg3[%mul3A_4, %dma_start3A_53] : memref<2560x128xi32, #tpu.memory_space<hbm>> -> memref<80x128xi32, #tpu.memory_space<hbm>>
      %dma_start3A_55 = arith.constant 0 : i32
      %dma_start3A_56 = tpu.memref_slice %arg3[%mul3A_4, %dma_start3A_55] : memref<2560x128xi32, #tpu.memory_space<hbm>> -> memref<80x128xi32, #tpu.memory_space<hbm>>
      tpu.enqueue_dma source(%dma_start3A_56 : memref<80x128xi32, #tpu.memory_space<hbm>>) target(%arg7 : memref<80x128xi32, #tpu.memory_space<vmem>>) target_semaphore(%run_scoped3A : memref<!tpu.dma_semaphore, #tpu.memory_space<semaphore_mem>>)
      %dma_wait3A = arith.constant 0 : i32
      %dma_wait3A_57 = tpu.memref_slice %arg3[%mul3A_4, %dma_wait3A] : memref<2560x128xi32, #tpu.memory_space<hbm>> -> memref<80x128xi32, #tpu.memory_space<hbm>>
      %dma_wait3A_58 = arith.constant 0 : i32
      %dma_wait3A_59 = tpu.memref_slice %arg3[%mul3A_4, %dma_wait3A_58] : memref<2560x128xi32, #tpu.memory_space<hbm>> -> memref<80x128xi32, #tpu.memory_space<hbm>>
      tpu.wait_dma2 semaphore(%run_scoped3A : memref<!tpu.dma_semaphore, #tpu.memory_space<semaphore_mem>>) src(%dma_wait3A_59 : memref<80x128xi32, #tpu.memory_space<hbm>>) dst(%arg7 : memref<80x128xi32, #tpu.memory_space<vmem>>)
      tpu.yield
    }) : () -> ()
    "tpu.region"() ({
      %run_scoped3A = tpu.sem_alloc : memref<!tpu.dma_semaphore, #tpu.memory_space<semaphore_mem>>
      tpu.enqueue_dma source(%arg5 : memref<128x128xf32, #tpu.memory_space<hbm>>) target(%arg8 : memref<128x128xf32, #tpu.memory_space<vmem>>) target_semaphore(%run_scoped3A : memref<!tpu.dma_semaphore, #tpu.memory_space<semaphore_mem>>)
      tpu.wait_dma2 semaphore(%run_scoped3A : memref<!tpu.dma_semaphore, #tpu.memory_space<semaphore_mem>>) src(%arg5 : memref<128x128xf32, #tpu.memory_space<hbm>>) dst(%arg8 : memref<128x128xf32, #tpu.memory_space<vmem>>)
      tpu.yield
    }) : () -> ()
    %scan3A = arith.constant 0 : i32
    %scan3A_5 = arith.constant 0 : i32
    %scan3A_6 = arith.constant 4 : i32
    %scan3A_7 = arith.addi %scan3A_5, %scan3A_6 : i32
    %scan3A_8 = arith.constant 1 : i32
    scf.for %scan3A_53 = %scan3A_5 to %scan3A_7 step %scan3A_8  : i32 {
      %mul3A_54 = arith.constant 128 : i32
      %mul3A_55 = arith.muli %scan3A_53, %mul3A_54 : i32
      %add3A_56 = arith.addi %mul3A_2, %mul3A_55 : i32
      "tpu.region"() ({
        %run_scoped3A = tpu.sem_alloc : memref<!tpu.dma_semaphore, #tpu.memory_space<semaphore_mem>>
        %dma_start3A_57 = arith.constant 0 : i32
        %dma_start3A_58 = tpu.memref_slice %arg12[%add3A_56, %dma_start3A_57] : memref<10112x128xf32, #tpu.memory_space<vmem_shared>> -> memref<128x128xf32, #tpu.memory_space<vmem_shared>>
        %dma_start3A_59 = arith.constant 0 : i32
        %dma_start3A_60 = tpu.memref_slice %arg12[%add3A_56, %dma_start3A_59] : memref<10112x128xf32, #tpu.memory_space<vmem_shared>> -> memref<128x128xf32, #tpu.memory_space<vmem_shared>>
        tpu.enqueue_dma source(%arg8 : memref<128x128xf32, #tpu.memory_space<vmem>>) target(%dma_start3A_60 : memref<128x128xf32, #tpu.memory_space<vmem_shared>>) target_semaphore(%run_scoped3A : memref<!tpu.dma_semaphore, #tpu.memory_space<semaphore_mem>>)
        %dma_wait3A = arith.constant 0 : i32
        %dma_wait3A_61 = tpu.memref_slice %arg12[%add3A_56, %dma_wait3A] : memref<10112x128xf32, #tpu.memory_space<vmem_shared>> -> memref<128x128xf32, #tpu.memory_space<vmem_shared>>
        %dma_wait3A_62 = arith.constant 0 : i32
        %dma_wait3A_63 = tpu.memref_slice %arg12[%add3A_56, %dma_wait3A_62] : memref<10112x128xf32, #tpu.memory_space<vmem_shared>> -> memref<128x128xf32, #tpu.memory_space<vmem_shared>>
        tpu.wait_dma2 semaphore(%run_scoped3A : memref<!tpu.dma_semaphore, #tpu.memory_space<semaphore_mem>>) src(%arg8 : memref<128x128xf32, #tpu.memory_space<vmem>>) dst(%dma_wait3A_63 : memref<128x128xf32, #tpu.memory_space<vmem_shared>>)
        tpu.yield
      }) : () -> ()
    }
    %scan3A_9 = arith.constant 4 : i32
    %add3A_10 = arith.constant 632 : i32
    %add3A_11 = arith.addi %mul3A_2, %add3A_10 : i32
    %sub3A = arith.constant 120 : i32
    %sub3A_12 = arith.subi %add3A_11, %sub3A : i32
    "tpu.region"() ({
      %run_scoped3A = tpu.sem_alloc : memref<!tpu.dma_semaphore, #tpu.memory_space<semaphore_mem>>
      %dma_start3A_53 = arith.constant 0 : i32
      %dma_start3A_54 = arith.constant 0 : i32
      %dma_start3A_55 = tpu.memref_slice %arg8[%dma_start3A_53, %dma_start3A_54] : memref<128x128xf32, #tpu.memory_space<vmem>> -> memref<120x128xf32, #tpu.memory_space<vmem>>
      %dma_start3A_56 = arith.constant 0 : i32
      %dma_start3A_57 = tpu.memref_slice %arg12[%sub3A_12, %dma_start3A_56] : memref<10112x128xf32, #tpu.memory_space<vmem_shared>> -> memref<120x128xf32, #tpu.memory_space<vmem_shared>>
      %dma_start3A_58 = arith.constant 0 : i32
      %dma_start3A_59 = tpu.memref_slice %arg12[%sub3A_12, %dma_start3A_58] : memref<10112x128xf32, #tpu.memory_space<vmem_shared>> -> memref<120x128xf32, #tpu.memory_space<vmem_shared>>
      %dma_start3A_60 = arith.constant 0 : i32
      %dma_start3A_61 = arith.constant 0 : i32
      %dma_start3A_62 = tpu.memref_slice %arg8[%dma_start3A_60, %dma_start3A_61] : memref<128x128xf32, #tpu.memory_space<vmem>> -> memref<120x128xf32, #tpu.memory_space<vmem>>
      tpu.enqueue_dma source(%dma_start3A_62 : memref<120x128xf32, #tpu.memory_space<vmem>>) target(%dma_start3A_59 : memref<120x128xf32, #tpu.memory_space<vmem_shared>>) target_semaphore(%run_scoped3A : memref<!tpu.dma_semaphore, #tpu.memory_space<semaphore_mem>>)
      %dma_wait3A = arith.constant 0 : i32
      %dma_wait3A_63 = arith.constant 0 : i32
      %dma_wait3A_64 = tpu.memref_slice %arg8[%dma_wait3A, %dma_wait3A_63] : memref<128x128xf32, #tpu.memory_space<vmem>> -> memref<120x128xf32, #tpu.memory_space<vmem>>
      %dma_wait3A_65 = arith.constant 0 : i32
      %dma_wait3A_66 = tpu.memref_slice %arg12[%sub3A_12, %dma_wait3A_65] : memref<10112x128xf32, #tpu.memory_space<vmem_shared>> -> memref<120x128xf32, #tpu.memory_space<vmem_shared>>
      %dma_wait3A_67 = arith.constant 0 : i32
      %dma_wait3A_68 = tpu.memref_slice %arg12[%sub3A_12, %dma_wait3A_67] : memref<10112x128xf32, #tpu.memory_space<vmem_shared>> -> memref<120x128xf32, #tpu.memory_space<vmem_shared>>
      %dma_wait3A_69 = arith.constant 0 : i32
      %dma_wait3A_70 = arith.constant 0 : i32
      %dma_wait3A_71 = tpu.memref_slice %arg8[%dma_wait3A_69, %dma_wait3A_70] : memref<128x128xf32, #tpu.memory_space<vmem>> -> memref<120x128xf32, #tpu.memory_space<vmem>>
      tpu.wait_dma2 semaphore(%run_scoped3A : memref<!tpu.dma_semaphore, #tpu.memory_space<semaphore_mem>>) src(%dma_wait3A_71 : memref<120x128xf32, #tpu.memory_space<vmem>>) dst(%dma_wait3A_68 : memref<120x128xf32, #tpu.memory_space<vmem_shared>>)
      tpu.yield
    }) : () -> ()
    %dma_start3A = arith.constant 0 : i32
    %dma_start3A_13 = arith.constant 0 : i32
    %dma_start3A_14 = tpu.memref_slice %arg7[%dma_start3A, %dma_start3A_13] : memref<80x128xi32, #tpu.memory_space<vmem>> -> memref<1x128xi32, #tpu.memory_space<vmem>>
    %dma_start3A_15 = tpu.memref_squeeze %dma_start3A_14 : memref<1x128xi32, #tpu.memory_space<vmem>> -> memref<128xi32, #tpu.memory_space<vmem>>
    %dma_start3A_16 = arith.constant 0 : i32
    %dma_start3A_17 = arith.constant 0 : i32
    %dma_start3A_18 = tpu.memref_slice %arg2[%dma_start3A_16, %dma_start3A_17] : memref<10112x128xf32, #tpu.memory_space<hbm>> -> memref<10112x128xf32, #tpu.memory_space<hbm>>
    tpu.enqueue_indirect_dma source(%dma_start3A_18 : memref<10112x128xf32, #tpu.memory_space<hbm>>) target(%arg8 : memref<128x128xf32, #tpu.memory_space<vmem>>) offsets(%dma_start3A_15 : memref<128xi32, #tpu.memory_space<vmem>>) semaphore(%arg13 : memref<!tpu.dma_semaphore, #tpu.memory_space<semaphore_mem>>)
    %mul3A_19 = arith.constant 80 : i32
    %mul3A_20 = arith.muli %add3A, %mul3A_19 : i32
    %add3A_21 = arith.constant 0 : i32
    %add3A_22 = arith.addi %mul3A_20, %add3A_21 : i32
    %dma_start3A_23 = arith.constant 0 : i32
    %dma_start3A_24 = tpu.memref_slice %arg4[%add3A_22, %dma_start3A_23] : memref<2560x128xi32, #tpu.memory_space<hbm>> -> memref<1x128xi32, #tpu.memory_space<hbm>>
    %dma_start3A_25 = tpu.memref_squeeze %dma_start3A_24 : memref<1x128xi32, #tpu.memory_space<hbm>> -> memref<128xi32, #tpu.memory_space<hbm>>
    %dma_start3A_26 = arith.constant 0 : i32
    %dma_start3A_27 = tpu.memref_slice %arg4[%add3A_22, %dma_start3A_26] : memref<2560x128xi32, #tpu.memory_space<hbm>> -> memref<1x128xi32, #tpu.memory_space<hbm>>
    %dma_start3A_28 = tpu.memref_squeeze %dma_start3A_27 : memref<1x128xi32, #tpu.memory_space<hbm>> -> memref<128xi32, #tpu.memory_space<hbm>>
    tpu.enqueue_dma source(%dma_start3A_28 : memref<128xi32, #tpu.memory_space<hbm>>) target(%arg10 : memref<128xi32, #tpu.memory_space<vmem>>) target_semaphore(%arg15 : memref<!tpu.dma_semaphore, #tpu.memory_space<semaphore_mem>>)
    %dma_start3A_29 = arith.constant 1 : i32
    %dma_start3A_30 = arith.constant 0 : i32
    %dma_start3A_31 = tpu.memref_slice %arg7[%dma_start3A_29, %dma_start3A_30] : memref<80x128xi32, #tpu.memory_space<vmem>> -> memref<1x128xi32, #tpu.memory_space<vmem>>
    %dma_start3A_32 = tpu.memref_squeeze %dma_start3A_31 : memref<1x128xi32, #tpu.memory_space<vmem>> -> memref<128xi32, #tpu.memory_space<vmem>>
    %dma_start3A_33 = arith.constant 0 : i32
    %dma_start3A_34 = arith.constant 0 : i32
    %dma_start3A_35 = tpu.memref_slice %arg2[%dma_start3A_33, %dma_start3A_34] : memref<10112x128xf32, #tpu.memory_space<hbm>> -> memref<10112x128xf32, #tpu.memory_space<hbm>>
    tpu.enqueue_indirect_dma source(%dma_start3A_35 : memref<10112x128xf32, #tpu.memory_space<hbm>>) target(%arg9 : memref<128x128xf32, #tpu.memory_space<vmem>>) offsets(%dma_start3A_32 : memref<128xi32, #tpu.memory_space<vmem>>) semaphore(%arg14 : memref<!tpu.dma_semaphore, #tpu.memory_space<semaphore_mem>>)
    %mul3A_36 = arith.constant 80 : i32
    %mul3A_37 = arith.muli %add3A, %mul3A_36 : i32
    %add3A_38 = arith.constant 1 : i32
    %add3A_39 = arith.addi %mul3A_37, %add3A_38 : i32
    %dma_start3A_40 = arith.constant 0 : i32
    %dma_start3A_41 = tpu.memref_slice %arg4[%add3A_39, %dma_start3A_40] : memref<2560x128xi32, #tpu.memory_space<hbm>> -> memref<1x128xi32, #tpu.memory_space<hbm>>
    %dma_start3A_42 = tpu.memref_squeeze %dma_start3A_41 : memref<1x128xi32, #tpu.memory_space<hbm>> -> memref<128xi32, #tpu.memory_space<hbm>>
    %dma_start3A_43 = arith.constant 0 : i32
    %dma_start3A_44 = tpu.memref_slice %arg4[%add3A_39, %dma_start3A_43] : memref<2560x128xi32, #tpu.memory_space<hbm>> -> memref<1x128xi32, #tpu.memory_space<hbm>>
    %dma_start3A_45 = tpu.memref_squeeze %dma_start3A_44 : memref<1x128xi32, #tpu.memory_space<hbm>> -> memref<128xi32, #tpu.memory_space<hbm>>
    tpu.enqueue_dma source(%dma_start3A_45 : memref<128xi32, #tpu.memory_space<hbm>>) target(%arg11 : memref<128xi32, #tpu.memory_space<vmem>>) target_semaphore(%arg16 : memref<!tpu.dma_semaphore, #tpu.memory_space<semaphore_mem>>)
    %barrier3A = arith.constant 0 : index
    tpu.barrier barrier_id(%barrier3A)
    %scan3A_46 = arith.constant 0 : i32
    %scan3A_47 = arith.constant 0 : i32
    %scan3A_48 = arith.constant 40 : i32
    %scan3A_49 = arith.addi %scan3A_47, %scan3A_48 : i32
    %scan3A_50 = arith.constant 1 : i32
    scf.for %scan3A_53 = %scan3A_47 to %scan3A_49 step %scan3A_50  : i32 {
      %mul3A_54 = arith.constant 2 : i32
      %mul3A_55 = arith.muli %scan3A_53, %mul3A_54 : i32
      %add3A_56 = arith.constant 0 : i32
      %add3A_57 = arith.addi %mul3A_55, %add3A_56 : i32
      %dma_wait3A = arith.constant 0 : i32
      %dma_wait3A_58 = tpu.memref_slice %arg7[%add3A_57, %dma_wait3A] : memref<80x128xi32, #tpu.memory_space<vmem>> -> memref<1x128xi32, #tpu.memory_space<vmem>>
      %dma_wait3A_59 = tpu.memref_squeeze %dma_wait3A_58 : memref<1x128xi32, #tpu.memory_space<vmem>> -> memref<128xi32, #tpu.memory_space<vmem>>
      %dma_wait3A_60 = arith.constant 0 : i32
      %dma_wait3A_61 = arith.constant 0 : i32
      %dma_wait3A_62 = tpu.memref_slice %arg2[%dma_wait3A_60, %dma_wait3A_61] : memref<10112x128xf32, #tpu.memory_space<hbm>> -> memref<10112x128xf32, #tpu.memory_space<hbm>>
      tpu.wait_indirect_dma semaphore(%arg13 : memref<!tpu.dma_semaphore, #tpu.memory_space<semaphore_mem>>) src(%dma_wait3A_62 : memref<10112x128xf32, #tpu.memory_space<hbm>>) dst(%arg8 : memref<128x128xf32, #tpu.memory_space<vmem>>)
      %mul3A_63 = arith.constant 80 : i32
      %mul3A_64 = arith.muli %add3A, %mul3A_63 : i32
      %add3A_65 = arith.addi %mul3A_64, %add3A_57 : i32
      %dma_wait3A_66 = arith.constant 0 : i32
      %dma_wait3A_67 = tpu.memref_slice %arg4[%add3A_65, %dma_wait3A_66] : memref<2560x128xi32, #tpu.memory_space<hbm>> -> memref<1x128xi32, #tpu.memory_space<hbm>>
      %dma_wait3A_68 = tpu.memref_squeeze %dma_wait3A_67 : memref<1x128xi32, #tpu.memory_space<hbm>> -> memref<128xi32, #tpu.memory_space<hbm>>
      %dma_wait3A_69 = arith.constant 0 : i32
      %dma_wait3A_70 = tpu.memref_slice %arg4[%add3A_65, %dma_wait3A_69] : memref<2560x128xi32, #tpu.memory_space<hbm>> -> memref<1x128xi32, #tpu.memory_space<hbm>>
      %dma_wait3A_71 = tpu.memref_squeeze %dma_wait3A_70 : memref<1x128xi32, #tpu.memory_space<hbm>> -> memref<128xi32, #tpu.memory_space<hbm>>
      tpu.wait_dma2 semaphore(%arg15 : memref<!tpu.dma_semaphore, #tpu.memory_space<semaphore_mem>>) src(%dma_wait3A_71 : memref<128xi32, #tpu.memory_space<hbm>>) dst(%arg10 : memref<128xi32, #tpu.memory_space<vmem>>)
      "tpu.region"() ({
        %run_scoped3A = tpu.sem_alloc : memref<!tpu.dma_semaphore, #tpu.memory_space<semaphore_mem>>
        %dma_start3A_102 = arith.constant 0 : i32
        %dma_start3A_103 = arith.constant 0 : i32
        %dma_start3A_104 = tpu.memref_slice %arg12[%dma_start3A_102, %dma_start3A_103] : memref<10112x128xf32, #tpu.memory_space<vmem_shared>> -> memref<10112x128xf32, #tpu.memory_space<vmem_shared>>
        tpu.enqueue_indirect_dma source(%arg8 : memref<128x128xf32, #tpu.memory_space<vmem>>) target(%dma_start3A_104 : memref<10112x128xf32, #tpu.memory_space<vmem_shared>>) offsets(%arg10 : memref<128xi32, #tpu.memory_space<vmem>>) semaphore(%run_scoped3A : memref<!tpu.dma_semaphore, #tpu.memory_space<semaphore_mem>>) {add = true}
        %dma_wait3A_105 = arith.constant 0 : i32
        %dma_wait3A_106 = arith.constant 0 : i32
        %dma_wait3A_107 = tpu.memref_slice %arg12[%dma_wait3A_105, %dma_wait3A_106] : memref<10112x128xf32, #tpu.memory_space<vmem_shared>> -> memref<10112x128xf32, #tpu.memory_space<vmem_shared>>
        tpu.wait_indirect_dma semaphore(%run_scoped3A : memref<!tpu.dma_semaphore, #tpu.memory_space<semaphore_mem>>) src(%arg8 : memref<128x128xf32, #tpu.memory_space<vmem>>) dst(%dma_wait3A_107 : memref<10112x128xf32, #tpu.memory_space<vmem_shared>>)
        tpu.yield
      }) : () -> ()
      %add3A_72 = arith.constant 1 : i32
      %add3A_73 = arith.addi %scan3A_53, %add3A_72 : i32
      %lt3A = arith.constant 40 : i32
      %lt3A_74 = arith.cmpi slt, %add3A_73, %lt3A : i32
      %convert_element_type3A = arith.extui %lt3A_74 : i1 to i32
      %cond3A = arith.constant 0 : i32
      %cond3A_75 = arith.cmpi ne, %convert_element_type3A, %cond3A : i32
      scf.if %cond3A_75 {
        %add3A_102 = arith.constant 2 : i32
        %add3A_103 = arith.addi %add3A_57, %add3A_102 : i32
        %dma_start3A_104 = arith.constant 0 : i32
        %dma_start3A_105 = tpu.memref_slice %arg7[%add3A_103, %dma_start3A_104] : memref<80x128xi32, #tpu.memory_space<vmem>> -> memref<1x128xi32, #tpu.memory_space<vmem>>
        %dma_start3A_106 = tpu.memref_squeeze %dma_start3A_105 : memref<1x128xi32, #tpu.memory_space<vmem>> -> memref<128xi32, #tpu.memory_space<vmem>>
        %dma_start3A_107 = arith.constant 0 : i32
        %dma_start3A_108 = arith.constant 0 : i32
        %dma_start3A_109 = tpu.memref_slice %arg2[%dma_start3A_107, %dma_start3A_108] : memref<10112x128xf32, #tpu.memory_space<hbm>> -> memref<10112x128xf32, #tpu.memory_space<hbm>>
        tpu.enqueue_indirect_dma source(%dma_start3A_109 : memref<10112x128xf32, #tpu.memory_space<hbm>>) target(%arg8 : memref<128x128xf32, #tpu.memory_space<vmem>>) offsets(%dma_start3A_106 : memref<128xi32, #tpu.memory_space<vmem>>) semaphore(%arg13 : memref<!tpu.dma_semaphore, #tpu.memory_space<semaphore_mem>>)
        %mul3A_110 = arith.constant 80 : i32
        %mul3A_111 = arith.muli %add3A, %mul3A_110 : i32
        %add3A_112 = arith.addi %mul3A_111, %add3A_57 : i32
        %add3A_113 = arith.constant 2 : i32
        %add3A_114 = arith.addi %add3A_112, %add3A_113 : i32
        %dma_start3A_115 = arith.constant 0 : i32
        %dma_start3A_116 = tpu.memref_slice %arg4[%add3A_114, %dma_start3A_115] : memref<2560x128xi32, #tpu.memory_space<hbm>> -> memref<1x128xi32, #tpu.memory_space<hbm>>
        %dma_start3A_117 = tpu.memref_squeeze %dma_start3A_116 : memref<1x128xi32, #tpu.memory_space<hbm>> -> memref<128xi32, #tpu.memory_space<hbm>>
        %dma_start3A_118 = arith.constant 0 : i32
        %dma_start3A_119 = tpu.memref_slice %arg4[%add3A_114, %dma_start3A_118] : memref<2560x128xi32, #tpu.memory_space<hbm>> -> memref<1x128xi32, #tpu.memory_space<hbm>>
        %dma_start3A_120 = tpu.memref_squeeze %dma_start3A_119 : memref<1x128xi32, #tpu.memory_space<hbm>> -> memref<128xi32, #tpu.memory_space<hbm>>
        tpu.enqueue_dma source(%dma_start3A_120 : memref<128xi32, #tpu.memory_space<hbm>>) target(%arg10 : memref<128xi32, #tpu.memory_space<vmem>>) target_semaphore(%arg15 : memref<!tpu.dma_semaphore, #tpu.memory_space<semaphore_mem>>)
      } else {
      }
      %mul3A_76 = arith.constant 2 : i32
      %mul3A_77 = arith.muli %scan3A_53, %mul3A_76 : i32
      %add3A_78 = arith.constant 1 : i32
      %add3A_79 = arith.addi %mul3A_77, %add3A_78 : i32
      %dma_wait3A_80 = arith.constant 0 : i32
      %dma_wait3A_81 = tpu.memref_slice %arg7[%add3A_79, %dma_wait3A_80] : memref<80x128xi32, #tpu.memory_space<vmem>> -> memref<1x128xi32, #tpu.memory_space<vmem>>
      %dma_wait3A_82 = tpu.memref_squeeze %dma_wait3A_81 : memref<1x128xi32, #tpu.memory_space<vmem>> -> memref<128xi32, #tpu.memory_space<vmem>>
      %dma_wait3A_83 = arith.constant 0 : i32
      %dma_wait3A_84 = arith.constant 0 : i32
      %dma_wait3A_85 = tpu.memref_slice %arg2[%dma_wait3A_83, %dma_wait3A_84] : memref<10112x128xf32, #tpu.memory_space<hbm>> -> memref<10112x128xf32, #tpu.memory_space<hbm>>
      tpu.wait_indirect_dma semaphore(%arg14 : memref<!tpu.dma_semaphore, #tpu.memory_space<semaphore_mem>>) src(%dma_wait3A_85 : memref<10112x128xf32, #tpu.memory_space<hbm>>) dst(%arg9 : memref<128x128xf32, #tpu.memory_space<vmem>>)
      %mul3A_86 = arith.constant 80 : i32
      %mul3A_87 = arith.muli %add3A, %mul3A_86 : i32
      %add3A_88 = arith.addi %mul3A_87, %add3A_79 : i32
      %dma_wait3A_89 = arith.constant 0 : i32
      %dma_wait3A_90 = tpu.memref_slice %arg4[%add3A_88, %dma_wait3A_89] : memref<2560x128xi32, #tpu.memory_space<hbm>> -> memref<1x128xi32, #tpu.memory_space<hbm>>
      %dma_wait3A_91 = tpu.memref_squeeze %dma_wait3A_90 : memref<1x128xi32, #tpu.memory_space<hbm>> -> memref<128xi32, #tpu.memory_space<hbm>>
      %dma_wait3A_92 = arith.constant 0 : i32
      %dma_wait3A_93 = tpu.memref_slice %arg4[%add3A_88, %dma_wait3A_92] : memref<2560x128xi32, #tpu.memory_space<hbm>> -> memref<1x128xi32, #tpu.memory_space<hbm>>
      %dma_wait3A_94 = tpu.memref_squeeze %dma_wait3A_93 : memref<1x128xi32, #tpu.memory_space<hbm>> -> memref<128xi32, #tpu.memory_space<hbm>>
      tpu.wait_dma2 semaphore(%arg16 : memref<!tpu.dma_semaphore, #tpu.memory_space<semaphore_mem>>) src(%dma_wait3A_94 : memref<128xi32, #tpu.memory_space<hbm>>) dst(%arg11 : memref<128xi32, #tpu.memory_space<vmem>>)
      "tpu.region"() ({
        %run_scoped3A = tpu.sem_alloc : memref<!tpu.dma_semaphore, #tpu.memory_space<semaphore_mem>>
        %dma_start3A_102 = arith.constant 0 : i32
        %dma_start3A_103 = arith.constant 0 : i32
        %dma_start3A_104 = tpu.memref_slice %arg12[%dma_start3A_102, %dma_start3A_103] : memref<10112x128xf32, #tpu.memory_space<vmem_shared>> -> memref<10112x128xf32, #tpu.memory_space<vmem_shared>>
        tpu.enqueue_indirect_dma source(%arg9 : memref<128x128xf32, #tpu.memory_space<vmem>>) target(%dma_start3A_104 : memref<10112x128xf32, #tpu.memory_space<vmem_shared>>) offsets(%arg11 : memref<128xi32, #tpu.memory_space<vmem>>) semaphore(%run_scoped3A : memref<!tpu.dma_semaphore, #tpu.memory_space<semaphore_mem>>) {add = true}
        %dma_wait3A_105 = arith.constant 0 : i32
        %dma_wait3A_106 = arith.constant 0 : i32
        %dma_wait3A_107 = tpu.memref_slice %arg12[%dma_wait3A_105, %dma_wait3A_106] : memref<10112x128xf32, #tpu.memory_space<vmem_shared>> -> memref<10112x128xf32, #tpu.memory_space<vmem_shared>>
        tpu.wait_indirect_dma semaphore(%run_scoped3A : memref<!tpu.dma_semaphore, #tpu.memory_space<semaphore_mem>>) src(%arg9 : memref<128x128xf32, #tpu.memory_space<vmem>>) dst(%dma_wait3A_107 : memref<10112x128xf32, #tpu.memory_space<vmem_shared>>)
        tpu.yield
      }) : () -> ()
      %add3A_95 = arith.constant 1 : i32
      %add3A_96 = arith.addi %scan3A_53, %add3A_95 : i32
      %lt3A_97 = arith.constant 40 : i32
      %lt3A_98 = arith.cmpi slt, %add3A_96, %lt3A_97 : i32
      %convert_element_type3A_99 = arith.extui %lt3A_98 : i1 to i32
      %cond3A_100 = arith.constant 0 : i32
      %cond3A_101 = arith.cmpi ne, %convert_element_type3A_99, %cond3A_100 : i32
      scf.if %cond3A_101 {
        %add3A_102 = arith.constant 2 : i32
        %add3A_103 = arith.addi %add3A_79, %add3A_102 : i32
        %dma_start3A_104 = arith.constant 0 : i32
        %dma_start3A_105 = tpu.memref_slice %arg7[%add3A_103, %dma_start3A_104] : memref<80x128xi32, #tpu.memory_space<vmem>> -> memref<1x128xi32, #tpu.memory_space<vmem>>
        %dma_start3A_106 = tpu.memref_squeeze %dma_start3A_105 : memref<1x128xi32, #tpu.memory_space<vmem>> -> memref<128xi32, #tpu.memory_space<vmem>>
        %dma_start3A_107 = arith.constant 0 : i32
        %dma_start3A_108 = arith.constant 0 : i32
        %dma_start3A_109 = tpu.memref_slice %arg2[%dma_start3A_107, %dma_start3A_108] : memref<10112x128xf32, #tpu.memory_space<hbm>> -> memref<10112x128xf32, #tpu.memory_space<hbm>>
        tpu.enqueue_indirect_dma source(%dma_start3A_109 : memref<10112x128xf32, #tpu.memory_space<hbm>>) target(%arg9 : memref<128x128xf32, #tpu.memory_space<vmem>>) offsets(%dma_start3A_106 : memref<128xi32, #tpu.memory_space<vmem>>) semaphore(%arg14 : memref<!tpu.dma_semaphore, #tpu.memory_space<semaphore_mem>>)
        %mul3A_110 = arith.constant 80 : i32
        %mul3A_111 = arith.muli %add3A, %mul3A_110 : i32
        %add3A_112 = arith.addi %mul3A_111, %add3A_79 : i32
        %add3A_113 = arith.constant 2 : i32
        %add3A_114 = arith.addi %add3A_112, %add3A_113 : i32
        %dma_start3A_115 = arith.constant 0 : i32
        %dma_start3A_116 = tpu.memref_slice %arg4[%add3A_114, %dma_start3A_115] : memref<2560x128xi32, #tpu.memory_space<hbm>> -> memref<1x128xi32, #tpu.memory_space<hbm>>
        %dma_start3A_117 = tpu.memref_squeeze %dma_start3A_116 : memref<1x128xi32, #tpu.memory_space<hbm>> -> memref<128xi32, #tpu.memory_space<hbm>>
        %dma_start3A_118 = arith.constant 0 : i32
        %dma_start3A_119 = tpu.memref_slice %arg4[%add3A_114, %dma_start3A_118] : memref<2560x128xi32, #tpu.memory_space<hbm>> -> memref<1x128xi32, #tpu.memory_space<hbm>>
        %dma_start3A_120 = tpu.memref_squeeze %dma_start3A_119 : memref<1x128xi32, #tpu.memory_space<hbm>> -> memref<128xi32, #tpu.memory_space<hbm>>
        tpu.enqueue_dma source(%dma_start3A_120 : memref<128xi32, #tpu.memory_space<hbm>>) target(%arg11 : memref<128xi32, #tpu.memory_space<vmem>>) target_semaphore(%arg16 : memref<!tpu.dma_semaphore, #tpu.memory_space<semaphore_mem>>)
      } else {
      }
    }
    %scan3A_51 = arith.constant 40 : i32
    %barrier3A_52 = arith.constant 0 : index
    tpu.barrier barrier_id(%barrier3A_52)
    "tpu.region"() ({
      %run_scoped3A = tpu.sem_alloc : memref<!tpu.dma_semaphore, #tpu.memory_space<semaphore_mem>>
      %dma_start3A_53 = arith.constant 0 : i32
      %dma_start3A_54 = tpu.memref_slice %arg6[%arg0, %mul3A_2, %dma_start3A_53] : memref<2x10112x128xf32, #tpu.memory_space<hbm>> -> memref<1x632x128xf32, #tpu.memory_space<hbm>>
      %dma_start3A_55 = tpu.memref_squeeze %dma_start3A_54 : memref<1x632x128xf32, #tpu.memory_space<hbm>> -> memref<632x128xf32, #tpu.memory_space<hbm>>
      %dma_start3A_56 = arith.constant 0 : i32
      %dma_start3A_57 = tpu.memref_slice %arg12[%mul3A_2, %dma_start3A_56] : memref<10112x128xf32, #tpu.memory_space<vmem_shared>> -> memref<632x128xf32, #tpu.memory_space<vmem_shared>>
      tpu.enqueue_dma source(%dma_start3A_57 : memref<632x128xf32, #tpu.memory_space<vmem_shared>>) target(%dma_start3A_55 : memref<632x128xf32, #tpu.memory_space<hbm>>) target_semaphore(%run_scoped3A : memref<!tpu.dma_semaphore, #tpu.memory_space<semaphore_mem>>)
      %dma_wait3A = arith.constant 0 : i32
      %dma_wait3A_58 = tpu.memref_slice %arg6[%arg0, %mul3A_2, %dma_wait3A] : memref<2x10112x128xf32, #tpu.memory_space<hbm>> -> memref<1x632x128xf32, #tpu.memory_space<hbm>>
      %dma_wait3A_59 = tpu.memref_squeeze %dma_wait3A_58 : memref<1x632x128xf32, #tpu.memory_space<hbm>> -> memref<632x128xf32, #tpu.memory_space<hbm>>
      %dma_wait3A_60 = arith.constant 0 : i32
      %dma_wait3A_61 = tpu.memref_slice %arg12[%mul3A_2, %dma_wait3A_60] : memref<10112x128xf32, #tpu.memory_space<vmem_shared>> -> memref<632x128xf32, #tpu.memory_space<vmem_shared>>
      tpu.wait_dma2 semaphore(%run_scoped3A : memref<!tpu.dma_semaphore, #tpu.memory_space<semaphore_mem>>) src(%dma_wait3A_61 : memref<632x128xf32, #tpu.memory_space<vmem_shared>>) dst(%dma_wait3A_59 : memref<632x128xf32, #tpu.memory_space<hbm>>)
      tpu.yield
    }) : () -> ()
    return
  }
}

#map = affine_map<(d0, d1) -> (0, 0)>
#map1 = affine_map<(d0, d1) -> (0, 0, 0)>
module attributes {stable_mosaic.version = 14 : i64} {
  func.func @k(%arg0: i32, %arg1: i32, %arg2: memref<128x128xf32, #tpu.memory_space<hbm>>, %arg3: memref<2560x128xi32, #tpu.memory_space<hbm>>, %arg4: memref<128x128xf32, #tpu.memory_space<hbm>>, %arg5: memref<2x10112x128xf32, #tpu.memory_space<hbm>>, %arg6: memref<128x128xf32, #tpu.memory_space<vmem>>, %arg7: memref<128x128xf32, #tpu.memory_space<vmem>>, %arg8: memref<128xi32, #tpu.memory_space<vmem>>, %arg9: memref<128xi32, #tpu.memory_space<vmem>>, %arg10: memref<10112x128xf32, #tpu.memory_space<vmem_shared>>, %arg11: memref<!tpu.dma_semaphore, #tpu.memory_space<semaphore_mem>>, %arg12: memref<!tpu.dma_semaphore, #tpu.memory_space<semaphore_mem>>) attributes {dimension_semantics = [#tpu.dimension_semantics<core_parallel>, #tpu.dimension_semantics<subcore_parallel>], iteration_bounds = array<i64: 2, 16>, scalar_prefetch = 0 : i64, scratch_operands = 7 : i64, tpu.core_type = #tpu.core_type<sc_vector_subcore>, window_params = [{transform_indices = #map}, {transform_indices = #map}, {transform_indices = #map}, {transform_indices = #map1}]} {
    %mul3A = arith.constant 16 : i32
    %mul3A_0 = arith.muli %arg0, %mul3A : i32
    %add3A = arith.addi %mul3A_0, %arg1 : i32
    %mul3A_1 = arith.constant 632 : i32
    %mul3A_2 = arith.muli %arg1, %mul3A_1 : i32
    "tpu.region"() ({
      %run_scoped3A = tpu.sem_alloc : memref<!tpu.dma_semaphore, #tpu.memory_space<semaphore_mem>>
      tpu.enqueue_dma source(%arg2 : memref<128x128xf32, #tpu.memory_space<hbm>>) target(%arg6 : memref<128x128xf32, #tpu.memory_space<vmem>>) target_semaphore(%run_scoped3A : memref<!tpu.dma_semaphore, #tpu.memory_space<semaphore_mem>>)
      tpu.wait_dma2 semaphore(%run_scoped3A : memref<!tpu.dma_semaphore, #tpu.memory_space<semaphore_mem>>) src(%arg2 : memref<128x128xf32, #tpu.memory_space<hbm>>) dst(%arg6 : memref<128x128xf32, #tpu.memory_space<vmem>>)
      tpu.yield
    }) : () -> ()
    "tpu.region"() ({
      %run_scoped3A = tpu.sem_alloc : memref<!tpu.dma_semaphore, #tpu.memory_space<semaphore_mem>>
      tpu.enqueue_dma source(%arg4 : memref<128x128xf32, #tpu.memory_space<hbm>>) target(%arg7 : memref<128x128xf32, #tpu.memory_space<vmem>>) target_semaphore(%run_scoped3A : memref<!tpu.dma_semaphore, #tpu.memory_space<semaphore_mem>>)
      tpu.wait_dma2 semaphore(%run_scoped3A : memref<!tpu.dma_semaphore, #tpu.memory_space<semaphore_mem>>) src(%arg4 : memref<128x128xf32, #tpu.memory_space<hbm>>) dst(%arg7 : memref<128x128xf32, #tpu.memory_space<vmem>>)
      tpu.yield
    }) : () -> ()
    %add3A_3 = arith.constant 0 : i32
    %add3A_4 = arith.addi %mul3A_2, %add3A_3 : i32
    "tpu.region"() ({
      %run_scoped3A = tpu.sem_alloc : memref<!tpu.dma_semaphore, #tpu.memory_space<semaphore_mem>>
      %dma_start3A_39 = arith.constant 0 : i32
      %dma_start3A_40 = tpu.memref_slice %arg10[%add3A_4, %dma_start3A_39] : memref<10112x128xf32, #tpu.memory_space<vmem_shared>> -> memref<128x128xf32, #tpu.memory_space<vmem_shared>>
      %dma_start3A_41 = arith.constant 0 : i32
      %dma_start3A_42 = tpu.memref_slice %arg10[%add3A_4, %dma_start3A_41] : memref<10112x128xf32, #tpu.memory_space<vmem_shared>> -> memref<128x128xf32, #tpu.memory_space<vmem_shared>>
      tpu.enqueue_dma source(%arg7 : memref<128x128xf32, #tpu.memory_space<vmem>>) target(%dma_start3A_42 : memref<128x128xf32, #tpu.memory_space<vmem_shared>>) target_semaphore(%run_scoped3A : memref<!tpu.dma_semaphore, #tpu.memory_space<semaphore_mem>>)
      %dma_wait3A = arith.constant 0 : i32
      %dma_wait3A_43 = tpu.memref_slice %arg10[%add3A_4, %dma_wait3A] : memref<10112x128xf32, #tpu.memory_space<vmem_shared>> -> memref<128x128xf32, #tpu.memory_space<vmem_shared>>
      %dma_wait3A_44 = arith.constant 0 : i32
      %dma_wait3A_45 = tpu.memref_slice %arg10[%add3A_4, %dma_wait3A_44] : memref<10112x128xf32, #tpu.memory_space<vmem_shared>> -> memref<128x128xf32, #tpu.memory_space<vmem_shared>>
      tpu.wait_dma2 semaphore(%run_scoped3A : memref<!tpu.dma_semaphore, #tpu.memory_space<semaphore_mem>>) src(%arg7 : memref<128x128xf32, #tpu.memory_space<vmem>>) dst(%dma_wait3A_45 : memref<128x128xf32, #tpu.memory_space<vmem_shared>>)
      tpu.yield
    }) : () -> ()
    %add3A_5 = arith.constant 128 : i32
    %add3A_6 = arith.addi %mul3A_2, %add3A_5 : i32
    "tpu.region"() ({
      %run_scoped3A = tpu.sem_alloc : memref<!tpu.dma_semaphore, #tpu.memory_space<semaphore_mem>>
      %dma_start3A_39 = arith.constant 0 : i32
      %dma_start3A_40 = tpu.memref_slice %arg10[%add3A_6, %dma_start3A_39] : memref<10112x128xf32, #tpu.memory_space<vmem_shared>> -> memref<128x128xf32, #tpu.memory_space<vmem_shared>>
      %dma_start3A_41 = arith.constant 0 : i32
      %dma_start3A_42 = tpu.memref_slice %arg10[%add3A_6, %dma_start3A_41] : memref<10112x128xf32, #tpu.memory_space<vmem_shared>> -> memref<128x128xf32, #tpu.memory_space<vmem_shared>>
      tpu.enqueue_dma source(%arg7 : memref<128x128xf32, #tpu.memory_space<vmem>>) target(%dma_start3A_42 : memref<128x128xf32, #tpu.memory_space<vmem_shared>>) target_semaphore(%run_scoped3A : memref<!tpu.dma_semaphore, #tpu.memory_space<semaphore_mem>>)
      %dma_wait3A = arith.constant 0 : i32
      %dma_wait3A_43 = tpu.memref_slice %arg10[%add3A_6, %dma_wait3A] : memref<10112x128xf32, #tpu.memory_space<vmem_shared>> -> memref<128x128xf32, #tpu.memory_space<vmem_shared>>
      %dma_wait3A_44 = arith.constant 0 : i32
      %dma_wait3A_45 = tpu.memref_slice %arg10[%add3A_6, %dma_wait3A_44] : memref<10112x128xf32, #tpu.memory_space<vmem_shared>> -> memref<128x128xf32, #tpu.memory_space<vmem_shared>>
      tpu.wait_dma2 semaphore(%run_scoped3A : memref<!tpu.dma_semaphore, #tpu.memory_space<semaphore_mem>>) src(%arg7 : memref<128x128xf32, #tpu.memory_space<vmem>>) dst(%dma_wait3A_45 : memref<128x128xf32, #tpu.memory_space<vmem_shared>>)
      tpu.yield
    }) : () -> ()
    %add3A_7 = arith.constant 256 : i32
    %add3A_8 = arith.addi %mul3A_2, %add3A_7 : i32
    "tpu.region"() ({
      %run_scoped3A = tpu.sem_alloc : memref<!tpu.dma_semaphore, #tpu.memory_space<semaphore_mem>>
      %dma_start3A_39 = arith.constant 0 : i32
      %dma_start3A_40 = tpu.memref_slice %arg10[%add3A_8, %dma_start3A_39] : memref<10112x128xf32, #tpu.memory_space<vmem_shared>> -> memref<128x128xf32, #tpu.memory_space<vmem_shared>>
      %dma_start3A_41 = arith.constant 0 : i32
      %dma_start3A_42 = tpu.memref_slice %arg10[%add3A_8, %dma_start3A_41] : memref<10112x128xf32, #tpu.memory_space<vmem_shared>> -> memref<128x128xf32, #tpu.memory_space<vmem_shared>>
      tpu.enqueue_dma source(%arg7 : memref<128x128xf32, #tpu.memory_space<vmem>>) target(%dma_start3A_42 : memref<128x128xf32, #tpu.memory_space<vmem_shared>>) target_semaphore(%run_scoped3A : memref<!tpu.dma_semaphore, #tpu.memory_space<semaphore_mem>>)
      %dma_wait3A = arith.constant 0 : i32
      %dma_wait3A_43 = tpu.memref_slice %arg10[%add3A_8, %dma_wait3A] : memref<10112x128xf32, #tpu.memory_space<vmem_shared>> -> memref<128x128xf32, #tpu.memory_space<vmem_shared>>
      %dma_wait3A_44 = arith.constant 0 : i32
      %dma_wait3A_45 = tpu.memref_slice %arg10[%add3A_8, %dma_wait3A_44] : memref<10112x128xf32, #tpu.memory_space<vmem_shared>> -> memref<128x128xf32, #tpu.memory_space<vmem_shared>>
      tpu.wait_dma2 semaphore(%run_scoped3A : memref<!tpu.dma_semaphore, #tpu.memory_space<semaphore_mem>>) src(%arg7 : memref<128x128xf32, #tpu.memory_space<vmem>>) dst(%dma_wait3A_45 : memref<128x128xf32, #tpu.memory_space<vmem_shared>>)
      tpu.yield
    }) : () -> ()
    %add3A_9 = arith.constant 384 : i32
    %add3A_10 = arith.addi %mul3A_2, %add3A_9 : i32
    "tpu.region"() ({
      %run_scoped3A = tpu.sem_alloc : memref<!tpu.dma_semaphore, #tpu.memory_space<semaphore_mem>>
      %dma_start3A_39 = arith.constant 0 : i32
      %dma_start3A_40 = tpu.memref_slice %arg10[%add3A_10, %dma_start3A_39] : memref<10112x128xf32, #tpu.memory_space<vmem_shared>> -> memref<128x128xf32, #tpu.memory_space<vmem_shared>>
      %dma_start3A_41 = arith.constant 0 : i32
      %dma_start3A_42 = tpu.memref_slice %arg10[%add3A_10, %dma_start3A_41] : memref<10112x128xf32, #tpu.memory_space<vmem_shared>> -> memref<128x128xf32, #tpu.memory_space<vmem_shared>>
      tpu.enqueue_dma source(%arg7 : memref<128x128xf32, #tpu.memory_space<vmem>>) target(%dma_start3A_42 : memref<128x128xf32, #tpu.memory_space<vmem_shared>>) target_semaphore(%run_scoped3A : memref<!tpu.dma_semaphore, #tpu.memory_space<semaphore_mem>>)
      %dma_wait3A = arith.constant 0 : i32
      %dma_wait3A_43 = tpu.memref_slice %arg10[%add3A_10, %dma_wait3A] : memref<10112x128xf32, #tpu.memory_space<vmem_shared>> -> memref<128x128xf32, #tpu.memory_space<vmem_shared>>
      %dma_wait3A_44 = arith.constant 0 : i32
      %dma_wait3A_45 = tpu.memref_slice %arg10[%add3A_10, %dma_wait3A_44] : memref<10112x128xf32, #tpu.memory_space<vmem_shared>> -> memref<128x128xf32, #tpu.memory_space<vmem_shared>>
      tpu.wait_dma2 semaphore(%run_scoped3A : memref<!tpu.dma_semaphore, #tpu.memory_space<semaphore_mem>>) src(%arg7 : memref<128x128xf32, #tpu.memory_space<vmem>>) dst(%dma_wait3A_45 : memref<128x128xf32, #tpu.memory_space<vmem_shared>>)
      tpu.yield
    }) : () -> ()
    %add3A_11 = arith.constant 632 : i32
    %add3A_12 = arith.addi %mul3A_2, %add3A_11 : i32
    %sub3A = arith.constant 120 : i32
    %sub3A_13 = arith.subi %add3A_12, %sub3A : i32
    "tpu.region"() ({
      %run_scoped3A = tpu.sem_alloc : memref<!tpu.dma_semaphore, #tpu.memory_space<semaphore_mem>>
      %dma_start3A_39 = arith.constant 0 : i32
      %dma_start3A_40 = arith.constant 0 : i32
      %dma_start3A_41 = tpu.memref_slice %arg7[%dma_start3A_39, %dma_start3A_40] : memref<128x128xf32, #tpu.memory_space<vmem>> -> memref<120x128xf32, #tpu.memory_space<vmem>>
      %dma_start3A_42 = arith.constant 0 : i32
      %dma_start3A_43 = tpu.memref_slice %arg10[%sub3A_13, %dma_start3A_42] : memref<10112x128xf32, #tpu.memory_space<vmem_shared>> -> memref<120x128xf32, #tpu.memory_space<vmem_shared>>
      %dma_start3A_44 = arith.constant 0 : i32
      %dma_start3A_45 = tpu.memref_slice %arg10[%sub3A_13, %dma_start3A_44] : memref<10112x128xf32, #tpu.memory_space<vmem_shared>> -> memref<120x128xf32, #tpu.memory_space<vmem_shared>>
      %dma_start3A_46 = arith.constant 0 : i32
      %dma_start3A_47 = arith.constant 0 : i32
      %dma_start3A_48 = tpu.memref_slice %arg7[%dma_start3A_46, %dma_start3A_47] : memref<128x128xf32, #tpu.memory_space<vmem>> -> memref<120x128xf32, #tpu.memory_space<vmem>>
      tpu.enqueue_dma source(%dma_start3A_48 : memref<120x128xf32, #tpu.memory_space<vmem>>) target(%dma_start3A_45 : memref<120x128xf32, #tpu.memory_space<vmem_shared>>) target_semaphore(%run_scoped3A : memref<!tpu.dma_semaphore, #tpu.memory_space<semaphore_mem>>)
      %dma_wait3A = arith.constant 0 : i32
      %dma_wait3A_49 = arith.constant 0 : i32
      %dma_wait3A_50 = tpu.memref_slice %arg7[%dma_wait3A, %dma_wait3A_49] : memref<128x128xf32, #tpu.memory_space<vmem>> -> memref<120x128xf32, #tpu.memory_space<vmem>>
      %dma_wait3A_51 = arith.constant 0 : i32
      %dma_wait3A_52 = tpu.memref_slice %arg10[%sub3A_13, %dma_wait3A_51] : memref<10112x128xf32, #tpu.memory_space<vmem_shared>> -> memref<120x128xf32, #tpu.memory_space<vmem_shared>>
      %dma_wait3A_53 = arith.constant 0 : i32
      %dma_wait3A_54 = tpu.memref_slice %arg10[%sub3A_13, %dma_wait3A_53] : memref<10112x128xf32, #tpu.memory_space<vmem_shared>> -> memref<120x128xf32, #tpu.memory_space<vmem_shared>>
      %dma_wait3A_55 = arith.constant 0 : i32
      %dma_wait3A_56 = arith.constant 0 : i32
      %dma_wait3A_57 = tpu.memref_slice %arg7[%dma_wait3A_55, %dma_wait3A_56] : memref<128x128xf32, #tpu.memory_space<vmem>> -> memref<120x128xf32, #tpu.memory_space<vmem>>
      tpu.wait_dma2 semaphore(%run_scoped3A : memref<!tpu.dma_semaphore, #tpu.memory_space<semaphore_mem>>) src(%dma_wait3A_57 : memref<120x128xf32, #tpu.memory_space<vmem>>) dst(%dma_wait3A_54 : memref<120x128xf32, #tpu.memory_space<vmem_shared>>)
      tpu.yield
    }) : () -> ()
    %mul3A_14 = arith.constant 80 : i32
    %mul3A_15 = arith.muli %add3A, %mul3A_14 : i32
    %add3A_16 = arith.constant 0 : i32
    %add3A_17 = arith.addi %mul3A_15, %add3A_16 : i32
    %dma_start3A = arith.constant 0 : i32
    %dma_start3A_18 = tpu.memref_slice %arg3[%add3A_17, %dma_start3A] : memref<2560x128xi32, #tpu.memory_space<hbm>> -> memref<1x128xi32, #tpu.memory_space<hbm>>
    %dma_start3A_19 = tpu.memref_squeeze %dma_start3A_18 : memref<1x128xi32, #tpu.memory_space<hbm>> -> memref<128xi32, #tpu.memory_space<hbm>>
    %dma_start3A_20 = arith.constant 0 : i32
    %dma_start3A_21 = tpu.memref_slice %arg3[%add3A_17, %dma_start3A_20] : memref<2560x128xi32, #tpu.memory_space<hbm>> -> memref<1x128xi32, #tpu.memory_space<hbm>>
    %dma_start3A_22 = tpu.memref_squeeze %dma_start3A_21 : memref<1x128xi32, #tpu.memory_space<hbm>> -> memref<128xi32, #tpu.memory_space<hbm>>
    tpu.enqueue_dma source(%dma_start3A_22 : memref<128xi32, #tpu.memory_space<hbm>>) target(%arg8 : memref<128xi32, #tpu.memory_space<vmem>>) target_semaphore(%arg11 : memref<!tpu.dma_semaphore, #tpu.memory_space<semaphore_mem>>)
    %mul3A_23 = arith.constant 80 : i32
    %mul3A_24 = arith.muli %add3A, %mul3A_23 : i32
    %add3A_25 = arith.constant 1 : i32
    %add3A_26 = arith.addi %mul3A_24, %add3A_25 : i32
    %dma_start3A_27 = arith.constant 0 : i32
    %dma_start3A_28 = tpu.memref_slice %arg3[%add3A_26, %dma_start3A_27] : memref<2560x128xi32, #tpu.memory_space<hbm>> -> memref<1x128xi32, #tpu.memory_space<hbm>>
    %dma_start3A_29 = tpu.memref_squeeze %dma_start3A_28 : memref<1x128xi32, #tpu.memory_space<hbm>> -> memref<128xi32, #tpu.memory_space<hbm>>
    %dma_start3A_30 = arith.constant 0 : i32
    %dma_start3A_31 = tpu.memref_slice %arg3[%add3A_26, %dma_start3A_30] : memref<2560x128xi32, #tpu.memory_space<hbm>> -> memref<1x128xi32, #tpu.memory_space<hbm>>
    %dma_start3A_32 = tpu.memref_squeeze %dma_start3A_31 : memref<1x128xi32, #tpu.memory_space<hbm>> -> memref<128xi32, #tpu.memory_space<hbm>>
    tpu.enqueue_dma source(%dma_start3A_32 : memref<128xi32, #tpu.memory_space<hbm>>) target(%arg9 : memref<128xi32, #tpu.memory_space<vmem>>) target_semaphore(%arg12 : memref<!tpu.dma_semaphore, #tpu.memory_space<semaphore_mem>>)
    %barrier3A = arith.constant 0 : index
    tpu.barrier barrier_id(%barrier3A)
    %scan3A = arith.constant 0 : i32
    %scan3A_33 = arith.constant 0 : i32
    %scan3A_34 = arith.constant 40 : i32
    %scan3A_35 = arith.addi %scan3A_33, %scan3A_34 : i32
    %scan3A_36 = arith.constant 1 : i32
    scf.for %scan3A_39 = %scan3A_33 to %scan3A_35 step %scan3A_36  : i32 {
      %mul3A_40 = arith.constant 2 : i32
      %mul3A_41 = arith.muli %scan3A_39, %mul3A_40 : i32
      %add3A_42 = arith.constant 0 : i32
      %add3A_43 = arith.addi %mul3A_41, %add3A_42 : i32
      %mul3A_44 = arith.constant 80 : i32
      %mul3A_45 = arith.muli %add3A, %mul3A_44 : i32
      %add3A_46 = arith.addi %mul3A_45, %add3A_43 : i32
      %dma_wait3A = arith.constant 0 : i32
      %dma_wait3A_47 = tpu.memref_slice %arg3[%add3A_46, %dma_wait3A] : memref<2560x128xi32, #tpu.memory_space<hbm>> -> memref<1x128xi32, #tpu.memory_space<hbm>>
      %dma_wait3A_48 = tpu.memref_squeeze %dma_wait3A_47 : memref<1x128xi32, #tpu.memory_space<hbm>> -> memref<128xi32, #tpu.memory_space<hbm>>
      %dma_wait3A_49 = arith.constant 0 : i32
      %dma_wait3A_50 = tpu.memref_slice %arg3[%add3A_46, %dma_wait3A_49] : memref<2560x128xi32, #tpu.memory_space<hbm>> -> memref<1x128xi32, #tpu.memory_space<hbm>>
      %dma_wait3A_51 = tpu.memref_squeeze %dma_wait3A_50 : memref<1x128xi32, #tpu.memory_space<hbm>> -> memref<128xi32, #tpu.memory_space<hbm>>
      tpu.wait_dma2 semaphore(%arg11 : memref<!tpu.dma_semaphore, #tpu.memory_space<semaphore_mem>>) src(%dma_wait3A_51 : memref<128xi32, #tpu.memory_space<hbm>>) dst(%arg8 : memref<128xi32, #tpu.memory_space<vmem>>)
      "tpu.region"() ({
        %run_scoped3A = tpu.sem_alloc : memref<!tpu.dma_semaphore, #tpu.memory_space<semaphore_mem>>
        %dma_start3A_76 = arith.constant 0 : i32
        %dma_start3A_77 = arith.constant 0 : i32
        %dma_start3A_78 = tpu.memref_slice %arg10[%dma_start3A_76, %dma_start3A_77] : memref<10112x128xf32, #tpu.memory_space<vmem_shared>> -> memref<10112x128xf32, #tpu.memory_space<vmem_shared>>
        tpu.enqueue_indirect_dma source(%arg6 : memref<128x128xf32, #tpu.memory_space<vmem>>) target(%dma_start3A_78 : memref<10112x128xf32, #tpu.memory_space<vmem_shared>>) offsets(%arg8 : memref<128xi32, #tpu.memory_space<vmem>>) semaphore(%run_scoped3A : memref<!tpu.dma_semaphore, #tpu.memory_space<semaphore_mem>>) {add = true}
        %dma_wait3A_79 = arith.constant 0 : i32
        %dma_wait3A_80 = arith.constant 0 : i32
        %dma_wait3A_81 = tpu.memref_slice %arg10[%dma_wait3A_79, %dma_wait3A_80] : memref<10112x128xf32, #tpu.memory_space<vmem_shared>> -> memref<10112x128xf32, #tpu.memory_space<vmem_shared>>
        tpu.wait_indirect_dma semaphore(%run_scoped3A : memref<!tpu.dma_semaphore, #tpu.memory_space<semaphore_mem>>) src(%arg6 : memref<128x128xf32, #tpu.memory_space<vmem>>) dst(%dma_wait3A_81 : memref<10112x128xf32, #tpu.memory_space<vmem_shared>>)
        tpu.yield
      }) : () -> ()
      %add3A_52 = arith.constant 1 : i32
      %add3A_53 = arith.addi %scan3A_39, %add3A_52 : i32
      %lt3A = arith.constant 40 : i32
      %lt3A_54 = arith.cmpi slt, %add3A_53, %lt3A : i32
      %convert_element_type3A = arith.extui %lt3A_54 : i1 to i32
      %cond3A = arith.constant 0 : i32
      %cond3A_55 = arith.cmpi ne, %convert_element_type3A, %cond3A : i32
      scf.if %cond3A_55 {
        %mul3A_76 = arith.constant 80 : i32
        %mul3A_77 = arith.muli %add3A, %mul3A_76 : i32
        %add3A_78 = arith.addi %mul3A_77, %add3A_43 : i32
        %add3A_79 = arith.constant 2 : i32
        %add3A_80 = arith.addi %add3A_78, %add3A_79 : i32
        %dma_start3A_81 = arith.constant 0 : i32
        %dma_start3A_82 = tpu.memref_slice %arg3[%add3A_80, %dma_start3A_81] : memref<2560x128xi32, #tpu.memory_space<hbm>> -> memref<1x128xi32, #tpu.memory_space<hbm>>
        %dma_start3A_83 = tpu.memref_squeeze %dma_start3A_82 : memref<1x128xi32, #tpu.memory_space<hbm>> -> memref<128xi32, #tpu.memory_space<hbm>>
        %dma_start3A_84 = arith.constant 0 : i32
        %dma_start3A_85 = tpu.memref_slice %arg3[%add3A_80, %dma_start3A_84] : memref<2560x128xi32, #tpu.memory_space<hbm>> -> memref<1x128xi32, #tpu.memory_space<hbm>>
        %dma_start3A_86 = tpu.memref_squeeze %dma_start3A_85 : memref<1x128xi32, #tpu.memory_space<hbm>> -> memref<128xi32, #tpu.memory_space<hbm>>
        tpu.enqueue_dma source(%dma_start3A_86 : memref<128xi32, #tpu.memory_space<hbm>>) target(%arg8 : memref<128xi32, #tpu.memory_space<vmem>>) target_semaphore(%arg11 : memref<!tpu.dma_semaphore, #tpu.memory_space<semaphore_mem>>)
      } else {
      }
      %mul3A_56 = arith.constant 2 : i32
      %mul3A_57 = arith.muli %scan3A_39, %mul3A_56 : i32
      %add3A_58 = arith.constant 1 : i32
      %add3A_59 = arith.addi %mul3A_57, %add3A_58 : i32
      %mul3A_60 = arith.constant 80 : i32
      %mul3A_61 = arith.muli %add3A, %mul3A_60 : i32
      %add3A_62 = arith.addi %mul3A_61, %add3A_59 : i32
      %dma_wait3A_63 = arith.constant 0 : i32
      %dma_wait3A_64 = tpu.memref_slice %arg3[%add3A_62, %dma_wait3A_63] : memref<2560x128xi32, #tpu.memory_space<hbm>> -> memref<1x128xi32, #tpu.memory_space<hbm>>
      %dma_wait3A_65 = tpu.memref_squeeze %dma_wait3A_64 : memref<1x128xi32, #tpu.memory_space<hbm>> -> memref<128xi32, #tpu.memory_space<hbm>>
      %dma_wait3A_66 = arith.constant 0 : i32
      %dma_wait3A_67 = tpu.memref_slice %arg3[%add3A_62, %dma_wait3A_66] : memref<2560x128xi32, #tpu.memory_space<hbm>> -> memref<1x128xi32, #tpu.memory_space<hbm>>
      %dma_wait3A_68 = tpu.memref_squeeze %dma_wait3A_67 : memref<1x128xi32, #tpu.memory_space<hbm>> -> memref<128xi32, #tpu.memory_space<hbm>>
      tpu.wait_dma2 semaphore(%arg12 : memref<!tpu.dma_semaphore, #tpu.memory_space<semaphore_mem>>) src(%dma_wait3A_68 : memref<128xi32, #tpu.memory_space<hbm>>) dst(%arg9 : memref<128xi32, #tpu.memory_space<vmem>>)
      "tpu.region"() ({
        %run_scoped3A = tpu.sem_alloc : memref<!tpu.dma_semaphore, #tpu.memory_space<semaphore_mem>>
        %dma_start3A_76 = arith.constant 0 : i32
        %dma_start3A_77 = arith.constant 0 : i32
        %dma_start3A_78 = tpu.memref_slice %arg10[%dma_start3A_76, %dma_start3A_77] : memref<10112x128xf32, #tpu.memory_space<vmem_shared>> -> memref<10112x128xf32, #tpu.memory_space<vmem_shared>>
        tpu.enqueue_indirect_dma source(%arg6 : memref<128x128xf32, #tpu.memory_space<vmem>>) target(%dma_start3A_78 : memref<10112x128xf32, #tpu.memory_space<vmem_shared>>) offsets(%arg9 : memref<128xi32, #tpu.memory_space<vmem>>) semaphore(%run_scoped3A : memref<!tpu.dma_semaphore, #tpu.memory_space<semaphore_mem>>) {add = true}
        %dma_wait3A_79 = arith.constant 0 : i32
        %dma_wait3A_80 = arith.constant 0 : i32
        %dma_wait3A_81 = tpu.memref_slice %arg10[%dma_wait3A_79, %dma_wait3A_80] : memref<10112x128xf32, #tpu.memory_space<vmem_shared>> -> memref<10112x128xf32, #tpu.memory_space<vmem_shared>>
        tpu.wait_indirect_dma semaphore(%run_scoped3A : memref<!tpu.dma_semaphore, #tpu.memory_space<semaphore_mem>>) src(%arg6 : memref<128x128xf32, #tpu.memory_space<vmem>>) dst(%dma_wait3A_81 : memref<10112x128xf32, #tpu.memory_space<vmem_shared>>)
        tpu.yield
      }) : () -> ()
      %add3A_69 = arith.constant 1 : i32
      %add3A_70 = arith.addi %scan3A_39, %add3A_69 : i32
      %lt3A_71 = arith.constant 40 : i32
      %lt3A_72 = arith.cmpi slt, %add3A_70, %lt3A_71 : i32
      %convert_element_type3A_73 = arith.extui %lt3A_72 : i1 to i32
      %cond3A_74 = arith.constant 0 : i32
      %cond3A_75 = arith.cmpi ne, %convert_element_type3A_73, %cond3A_74 : i32
      scf.if %cond3A_75 {
        %mul3A_76 = arith.constant 80 : i32
        %mul3A_77 = arith.muli %add3A, %mul3A_76 : i32
        %add3A_78 = arith.addi %mul3A_77, %add3A_59 : i32
        %add3A_79 = arith.constant 2 : i32
        %add3A_80 = arith.addi %add3A_78, %add3A_79 : i32
        %dma_start3A_81 = arith.constant 0 : i32
        %dma_start3A_82 = tpu.memref_slice %arg3[%add3A_80, %dma_start3A_81] : memref<2560x128xi32, #tpu.memory_space<hbm>> -> memref<1x128xi32, #tpu.memory_space<hbm>>
        %dma_start3A_83 = tpu.memref_squeeze %dma_start3A_82 : memref<1x128xi32, #tpu.memory_space<hbm>> -> memref<128xi32, #tpu.memory_space<hbm>>
        %dma_start3A_84 = arith.constant 0 : i32
        %dma_start3A_85 = tpu.memref_slice %arg3[%add3A_80, %dma_start3A_84] : memref<2560x128xi32, #tpu.memory_space<hbm>> -> memref<1x128xi32, #tpu.memory_space<hbm>>
        %dma_start3A_86 = tpu.memref_squeeze %dma_start3A_85 : memref<1x128xi32, #tpu.memory_space<hbm>> -> memref<128xi32, #tpu.memory_space<hbm>>
        tpu.enqueue_dma source(%dma_start3A_86 : memref<128xi32, #tpu.memory_space<hbm>>) target(%arg9 : memref<128xi32, #tpu.memory_space<vmem>>) target_semaphore(%arg12 : memref<!tpu.dma_semaphore, #tpu.memory_space<semaphore_mem>>)
      } else {
      }
    }
    %scan3A_37 = arith.constant 40 : i32
    %barrier3A_38 = arith.constant 0 : index
    tpu.barrier barrier_id(%barrier3A_38)
    "tpu.region"() ({
      %run_scoped3A = tpu.sem_alloc : memref<!tpu.dma_semaphore, #tpu.memory_space<semaphore_mem>>
      %dma_start3A_39 = arith.constant 0 : i32
      %dma_start3A_40 = tpu.memref_slice %arg5[%arg0, %mul3A_2, %dma_start3A_39] : memref<2x10112x128xf32, #tpu.memory_space<hbm>> -> memref<1x632x128xf32, #tpu.memory_space<hbm>>
      %dma_start3A_41 = tpu.memref_squeeze %dma_start3A_40 : memref<1x632x128xf32, #tpu.memory_space<hbm>> -> memref<632x128xf32, #tpu.memory_space<hbm>>
      %dma_start3A_42 = arith.constant 0 : i32
      %dma_start3A_43 = tpu.memref_slice %arg10[%mul3A_2, %dma_start3A_42] : memref<10112x128xf32, #tpu.memory_space<vmem_shared>> -> memref<632x128xf32, #tpu.memory_space<vmem_shared>>
      tpu.enqueue_dma source(%dma_start3A_43 : memref<632x128xf32, #tpu.memory_space<vmem_shared>>) target(%dma_start3A_41 : memref<632x128xf32, #tpu.memory_space<hbm>>) target_semaphore(%run_scoped3A : memref<!tpu.dma_semaphore, #tpu.memory_space<semaphore_mem>>)
      %dma_wait3A = arith.constant 0 : i32
      %dma_wait3A_44 = tpu.memref_slice %arg5[%arg0, %mul3A_2, %dma_wait3A] : memref<2x10112x128xf32, #tpu.memory_space<hbm>> -> memref<1x632x128xf32, #tpu.memory_space<hbm>>
      %dma_wait3A_45 = tpu.memref_squeeze %dma_wait3A_44 : memref<1x632x128xf32, #tpu.memory_space<hbm>> -> memref<632x128xf32, #tpu.memory_space<hbm>>
      %dma_wait3A_46 = arith.constant 0 : i32
      %dma_wait3A_47 = tpu.memref_slice %arg10[%mul3A_2, %dma_wait3A_46] : memref<10112x128xf32, #tpu.memory_space<vmem_shared>> -> memref<632x128xf32, #tpu.memory_space<vmem_shared>>
      tpu.wait_dma2 semaphore(%run_scoped3A : memref<!tpu.dma_semaphore, #tpu.memory_space<semaphore_mem>>) src(%dma_wait3A_47 : memref<632x128xf32, #tpu.memory_space<vmem_shared>>) dst(%dma_wait3A_45 : memref<632x128xf32, #tpu.memory_space<hbm>>)
      tpu.yield
    }) : () -> ()
    return
  }
}

#map = affine_map<(d0, d1) -> (0, 0)>
#map1 = affine_map<(d0, d1) -> (0, 0, 0)>
module attributes {stable_mosaic.version = 14 : i64} {
  func.func @k(%arg0: i32, %arg1: i32, %arg2: memref<10112x128xf32, #tpu.memory_space<hbm>>, %arg3: memref<2560x128xi32, #tpu.memory_space<hbm>>, %arg4: memref<2560x128xi32, #tpu.memory_space<hbm>>, %arg5: memref<128x128xf32, #tpu.memory_space<hbm>>, %arg6: memref<2x10112x128xf32, #tpu.memory_space<hbm>>, %arg7: memref<80x128xi32, #tpu.memory_space<vmem>>, %arg8: memref<128x128xf32, #tpu.memory_space<vmem>>, %arg9: memref<128x128xf32, #tpu.memory_space<vmem>>, %arg10: memref<128xi32, #tpu.memory_space<vmem>>, %arg11: memref<128xi32, #tpu.memory_space<vmem>>, %arg12: memref<10112x128xf32, #tpu.memory_space<vmem_shared>>, %arg13: memref<!tpu.dma_semaphore, #tpu.memory_space<semaphore_mem>>, %arg14: memref<!tpu.dma_semaphore, #tpu.memory_space<semaphore_mem>>, %arg15: memref<!tpu.dma_semaphore, #tpu.memory_space<semaphore_mem>>, %arg16: memref<!tpu.dma_semaphore, #tpu.memory_space<semaphore_mem>>) attributes {dimension_semantics = [#tpu.dimension_semantics<core_parallel>, #tpu.dimension_semantics<subcore_parallel>], iteration_bounds = array<i64: 2, 16>, scalar_prefetch = 0 : i64, scratch_operands = 10 : i64, tpu.core_type = #tpu.core_type<sc_vector_subcore>, window_params = [{transform_indices = #map}, {transform_indices = #map}, {transform_indices = #map}, {transform_indices = #map}, {transform_indices = #map1}]} {
    %mul3A = arith.constant 16 : i32
    %mul3A_0 = arith.muli %arg0, %mul3A : i32
    %add3A = arith.addi %mul3A_0, %arg1 : i32
    %mul3A_1 = arith.constant 632 : i32
    %mul3A_2 = arith.muli %arg1, %mul3A_1 : i32
    %mul3A_3 = arith.constant 80 : i32
    %mul3A_4 = arith.muli %add3A, %mul3A_3 : i32
    "tpu.region"() ({
      %run_scoped3A = tpu.sem_alloc : memref<!tpu.dma_semaphore, #tpu.memory_space<semaphore_mem>>
      %dma_start3A_53 = arith.constant 0 : i32
      %dma_start3A_54 = tpu.memref_slice %arg3[%mul3A_4, %dma_start3A_53] : memref<2560x128xi32, #tpu.memory_space<hbm>> -> memref<80x128xi32, #tpu.memory_space<hbm>>
      %dma_start3A_55 = arith.constant 0 : i32
      %dma_start3A_56 = tpu.memref_slice %arg3[%mul3A_4, %dma_start3A_55] : memref<2560x128xi32, #tpu.memory_space<hbm>> -> memref<80x128xi32, #tpu.memory_space<hbm>>
      tpu.enqueue_dma source(%dma_start3A_56 : memref<80x128xi32, #tpu.memory_space<hbm>>) target(%arg7 : memref<80x128xi32, #tpu.memory_space<vmem>>) target_semaphore(%run_scoped3A : memref<!tpu.dma_semaphore, #tpu.memory_space<semaphore_mem>>)
      %dma_wait3A = arith.constant 0 : i32
      %dma_wait3A_57 = tpu.memref_slice %arg3[%mul3A_4, %dma_wait3A] : memref<2560x128xi32, #tpu.memory_space<hbm>> -> memref<80x128xi32, #tpu.memory_space<hbm>>
      %dma_wait3A_58 = arith.constant 0 : i32
      %dma_wait3A_59 = tpu.memref_slice %arg3[%mul3A_4, %dma_wait3A_58] : memref<2560x128xi32, #tpu.memory_space<hbm>> -> memref<80x128xi32, #tpu.memory_space<hbm>>
      tpu.wait_dma2 semaphore(%run_scoped3A : memref<!tpu.dma_semaphore, #tpu.memory_space<semaphore_mem>>) src(%dma_wait3A_59 : memref<80x128xi32, #tpu.memory_space<hbm>>) dst(%arg7 : memref<80x128xi32, #tpu.memory_space<vmem>>)
      tpu.yield
    }) : () -> ()
    "tpu.region"() ({
      %run_scoped3A = tpu.sem_alloc : memref<!tpu.dma_semaphore, #tpu.memory_space<semaphore_mem>>
      tpu.enqueue_dma source(%arg5 : memref<128x128xf32, #tpu.memory_space<hbm>>) target(%arg8 : memref<128x128xf32, #tpu.memory_space<vmem>>) target_semaphore(%run_scoped3A : memref<!tpu.dma_semaphore, #tpu.memory_space<semaphore_mem>>)
      tpu.wait_dma2 semaphore(%run_scoped3A : memref<!tpu.dma_semaphore, #tpu.memory_space<semaphore_mem>>) src(%arg5 : memref<128x128xf32, #tpu.memory_space<hbm>>) dst(%arg8 : memref<128x128xf32, #tpu.memory_space<vmem>>)
      tpu.yield
    }) : () -> ()
    %scan3A = arith.constant 0 : i32
    %scan3A_5 = arith.constant 0 : i32
    %scan3A_6 = arith.constant 4 : i32
    %scan3A_7 = arith.addi %scan3A_5, %scan3A_6 : i32
    %scan3A_8 = arith.constant 1 : i32
    scf.for %scan3A_53 = %scan3A_5 to %scan3A_7 step %scan3A_8  : i32 {
      %mul3A_54 = arith.constant 128 : i32
      %mul3A_55 = arith.muli %scan3A_53, %mul3A_54 : i32
      %add3A_56 = arith.addi %mul3A_2, %mul3A_55 : i32
      "tpu.region"() ({
        %run_scoped3A = tpu.sem_alloc : memref<!tpu.dma_semaphore, #tpu.memory_space<semaphore_mem>>
        %dma_start3A_57 = arith.constant 0 : i32
        %dma_start3A_58 = tpu.memref_slice %arg12[%add3A_56, %dma_start3A_57] : memref<10112x128xf32, #tpu.memory_space<vmem_shared>> -> memref<128x128xf32, #tpu.memory_space<vmem_shared>>
        %dma_start3A_59 = arith.constant 0 : i32
        %dma_start3A_60 = tpu.memref_slice %arg12[%add3A_56, %dma_start3A_59] : memref<10112x128xf32, #tpu.memory_space<vmem_shared>> -> memref<128x128xf32, #tpu.memory_space<vmem_shared>>
        tpu.enqueue_dma source(%arg8 : memref<128x128xf32, #tpu.memory_space<vmem>>) target(%dma_start3A_60 : memref<128x128xf32, #tpu.memory_space<vmem_shared>>) target_semaphore(%run_scoped3A : memref<!tpu.dma_semaphore, #tpu.memory_space<semaphore_mem>>)
        %dma_wait3A = arith.constant 0 : i32
        %dma_wait3A_61 = tpu.memref_slice %arg12[%add3A_56, %dma_wait3A] : memref<10112x128xf32, #tpu.memory_space<vmem_shared>> -> memref<128x128xf32, #tpu.memory_space<vmem_shared>>
        %dma_wait3A_62 = arith.constant 0 : i32
        %dma_wait3A_63 = tpu.memref_slice %arg12[%add3A_56, %dma_wait3A_62] : memref<10112x128xf32, #tpu.memory_space<vmem_shared>> -> memref<128x128xf32, #tpu.memory_space<vmem_shared>>
        tpu.wait_dma2 semaphore(%run_scoped3A : memref<!tpu.dma_semaphore, #tpu.memory_space<semaphore_mem>>) src(%arg8 : memref<128x128xf32, #tpu.memory_space<vmem>>) dst(%dma_wait3A_63 : memref<128x128xf32, #tpu.memory_space<vmem_shared>>)
        tpu.yield
      }) : () -> ()
    }
    %scan3A_9 = arith.constant 4 : i32
    %add3A_10 = arith.constant 632 : i32
    %add3A_11 = arith.addi %mul3A_2, %add3A_10 : i32
    %sub3A = arith.constant 120 : i32
    %sub3A_12 = arith.subi %add3A_11, %sub3A : i32
    "tpu.region"() ({
      %run_scoped3A = tpu.sem_alloc : memref<!tpu.dma_semaphore, #tpu.memory_space<semaphore_mem>>
      %dma_start3A_53 = arith.constant 0 : i32
      %dma_start3A_54 = arith.constant 0 : i32
      %dma_start3A_55 = tpu.memref_slice %arg8[%dma_start3A_53, %dma_start3A_54] : memref<128x128xf32, #tpu.memory_space<vmem>> -> memref<120x128xf32, #tpu.memory_space<vmem>>
      %dma_start3A_56 = arith.constant 0 : i32
      %dma_start3A_57 = tpu.memref_slice %arg12[%sub3A_12, %dma_start3A_56] : memref<10112x128xf32, #tpu.memory_space<vmem_shared>> -> memref<120x128xf32, #tpu.memory_space<vmem_shared>>
      %dma_start3A_58 = arith.constant 0 : i32
      %dma_start3A_59 = tpu.memref_slice %arg12[%sub3A_12, %dma_start3A_58] : memref<10112x128xf32, #tpu.memory_space<vmem_shared>> -> memref<120x128xf32, #tpu.memory_space<vmem_shared>>
      %dma_start3A_60 = arith.constant 0 : i32
      %dma_start3A_61 = arith.constant 0 : i32
      %dma_start3A_62 = tpu.memref_slice %arg8[%dma_start3A_60, %dma_start3A_61] : memref<128x128xf32, #tpu.memory_space<vmem>> -> memref<120x128xf32, #tpu.memory_space<vmem>>
      tpu.enqueue_dma source(%dma_start3A_62 : memref<120x128xf32, #tpu.memory_space<vmem>>) target(%dma_start3A_59 : memref<120x128xf32, #tpu.memory_space<vmem_shared>>) target_semaphore(%run_scoped3A : memref<!tpu.dma_semaphore, #tpu.memory_space<semaphore_mem>>)
      %dma_wait3A = arith.constant 0 : i32
      %dma_wait3A_63 = arith.constant 0 : i32
      %dma_wait3A_64 = tpu.memref_slice %arg8[%dma_wait3A, %dma_wait3A_63] : memref<128x128xf32, #tpu.memory_space<vmem>> -> memref<120x128xf32, #tpu.memory_space<vmem>>
      %dma_wait3A_65 = arith.constant 0 : i32
      %dma_wait3A_66 = tpu.memref_slice %arg12[%sub3A_12, %dma_wait3A_65] : memref<10112x128xf32, #tpu.memory_space<vmem_shared>> -> memref<120x128xf32, #tpu.memory_space<vmem_shared>>
      %dma_wait3A_67 = arith.constant 0 : i32
      %dma_wait3A_68 = tpu.memref_slice %arg12[%sub3A_12, %dma_wait3A_67] : memref<10112x128xf32, #tpu.memory_space<vmem_shared>> -> memref<120x128xf32, #tpu.memory_space<vmem_shared>>
      %dma_wait3A_69 = arith.constant 0 : i32
      %dma_wait3A_70 = arith.constant 0 : i32
      %dma_wait3A_71 = tpu.memref_slice %arg8[%dma_wait3A_69, %dma_wait3A_70] : memref<128x128xf32, #tpu.memory_space<vmem>> -> memref<120x128xf32, #tpu.memory_space<vmem>>
      tpu.wait_dma2 semaphore(%run_scoped3A : memref<!tpu.dma_semaphore, #tpu.memory_space<semaphore_mem>>) src(%dma_wait3A_71 : memref<120x128xf32, #tpu.memory_space<vmem>>) dst(%dma_wait3A_68 : memref<120x128xf32, #tpu.memory_space<vmem_shared>>)
      tpu.yield
    }) : () -> ()
    %dma_start3A = arith.constant 0 : i32
    %dma_start3A_13 = arith.constant 0 : i32
    %dma_start3A_14 = tpu.memref_slice %arg7[%dma_start3A, %dma_start3A_13] : memref<80x128xi32, #tpu.memory_space<vmem>> -> memref<1x128xi32, #tpu.memory_space<vmem>>
    %dma_start3A_15 = tpu.memref_squeeze %dma_start3A_14 : memref<1x128xi32, #tpu.memory_space<vmem>> -> memref<128xi32, #tpu.memory_space<vmem>>
    %dma_start3A_16 = arith.constant 0 : i32
    %dma_start3A_17 = arith.constant 0 : i32
    %dma_start3A_18 = tpu.memref_slice %arg2[%dma_start3A_16, %dma_start3A_17] : memref<10112x128xf32, #tpu.memory_space<hbm>> -> memref<10112x128xf32, #tpu.memory_space<hbm>>
    tpu.enqueue_indirect_dma source(%dma_start3A_18 : memref<10112x128xf32, #tpu.memory_space<hbm>>) target(%arg8 : memref<128x128xf32, #tpu.memory_space<vmem>>) offsets(%dma_start3A_15 : memref<128xi32, #tpu.memory_space<vmem>>) semaphore(%arg13 : memref<!tpu.dma_semaphore, #tpu.memory_space<semaphore_mem>>)
    %mul3A_19 = arith.constant 80 : i32
    %mul3A_20 = arith.muli %add3A, %mul3A_19 : i32
    %add3A_21 = arith.constant 0 : i32
    %add3A_22 = arith.addi %mul3A_20, %add3A_21 : i32
    %dma_start3A_23 = arith.constant 0 : i32
    %dma_start3A_24 = tpu.memref_slice %arg4[%add3A_22, %dma_start3A_23] : memref<2560x128xi32, #tpu.memory_space<hbm>> -> memref<1x128xi32, #tpu.memory_space<hbm>>
    %dma_start3A_25 = tpu.memref_squeeze %dma_start3A_24 : memref<1x128xi32, #tpu.memory_space<hbm>> -> memref<128xi32, #tpu.memory_space<hbm>>
    %dma_start3A_26 = arith.constant 0 : i32
    %dma_start3A_27 = tpu.memref_slice %arg4[%add3A_22, %dma_start3A_26] : memref<2560x128xi32, #tpu.memory_space<hbm>> -> memref<1x128xi32, #tpu.memory_space<hbm>>
    %dma_start3A_28 = tpu.memref_squeeze %dma_start3A_27 : memref<1x128xi32, #tpu.memory_space<hbm>> -> memref<128xi32, #tpu.memory_space<hbm>>
    tpu.enqueue_dma source(%dma_start3A_28 : memref<128xi32, #tpu.memory_space<hbm>>) target(%arg10 : memref<128xi32, #tpu.memory_space<vmem>>) target_semaphore(%arg15 : memref<!tpu.dma_semaphore, #tpu.memory_space<semaphore_mem>>)
    %dma_start3A_29 = arith.constant 1 : i32
    %dma_start3A_30 = arith.constant 0 : i32
    %dma_start3A_31 = tpu.memref_slice %arg7[%dma_start3A_29, %dma_start3A_30] : memref<80x128xi32, #tpu.memory_space<vmem>> -> memref<1x128xi32, #tpu.memory_space<vmem>>
    %dma_start3A_32 = tpu.memref_squeeze %dma_start3A_31 : memref<1x128xi32, #tpu.memory_space<vmem>> -> memref<128xi32, #tpu.memory_space<vmem>>
    %dma_start3A_33 = arith.constant 0 : i32
    %dma_start3A_34 = arith.constant 0 : i32
    %dma_start3A_35 = tpu.memref_slice %arg2[%dma_start3A_33, %dma_start3A_34] : memref<10112x128xf32, #tpu.memory_space<hbm>> -> memref<10112x128xf32, #tpu.memory_space<hbm>>
    tpu.enqueue_indirect_dma source(%dma_start3A_35 : memref<10112x128xf32, #tpu.memory_space<hbm>>) target(%arg9 : memref<128x128xf32, #tpu.memory_space<vmem>>) offsets(%dma_start3A_32 : memref<128xi32, #tpu.memory_space<vmem>>) semaphore(%arg14 : memref<!tpu.dma_semaphore, #tpu.memory_space<semaphore_mem>>)
    %mul3A_36 = arith.constant 80 : i32
    %mul3A_37 = arith.muli %add3A, %mul3A_36 : i32
    %add3A_38 = arith.constant 1 : i32
    %add3A_39 = arith.addi %mul3A_37, %add3A_38 : i32
    %dma_start3A_40 = arith.constant 0 : i32
    %dma_start3A_41 = tpu.memref_slice %arg4[%add3A_39, %dma_start3A_40] : memref<2560x128xi32, #tpu.memory_space<hbm>> -> memref<1x128xi32, #tpu.memory_space<hbm>>
    %dma_start3A_42 = tpu.memref_squeeze %dma_start3A_41 : memref<1x128xi32, #tpu.memory_space<hbm>> -> memref<128xi32, #tpu.memory_space<hbm>>
    %dma_start3A_43 = arith.constant 0 : i32
    %dma_start3A_44 = tpu.memref_slice %arg4[%add3A_39, %dma_start3A_43] : memref<2560x128xi32, #tpu.memory_space<hbm>> -> memref<1x128xi32, #tpu.memory_space<hbm>>
    %dma_start3A_45 = tpu.memref_squeeze %dma_start3A_44 : memref<1x128xi32, #tpu.memory_space<hbm>> -> memref<128xi32, #tpu.memory_space<hbm>>
    tpu.enqueue_dma source(%dma_start3A_45 : memref<128xi32, #tpu.memory_space<hbm>>) target(%arg11 : memref<128xi32, #tpu.memory_space<vmem>>) target_semaphore(%arg16 : memref<!tpu.dma_semaphore, #tpu.memory_space<semaphore_mem>>)
    %barrier3A = arith.constant 0 : index
    tpu.barrier barrier_id(%barrier3A)
    %scan3A_46 = arith.constant 0 : i32
    %scan3A_47 = arith.constant 0 : i32
    %scan3A_48 = arith.constant 40 : i32
    %scan3A_49 = arith.addi %scan3A_47, %scan3A_48 : i32
    %scan3A_50 = arith.constant 1 : i32
    scf.for %scan3A_53 = %scan3A_47 to %scan3A_49 step %scan3A_50  : i32 {
      %mul3A_54 = arith.constant 2 : i32
      %mul3A_55 = arith.muli %scan3A_53, %mul3A_54 : i32
      %add3A_56 = arith.constant 0 : i32
      %add3A_57 = arith.addi %mul3A_55, %add3A_56 : i32
      %dma_wait3A = arith.constant 0 : i32
      %dma_wait3A_58 = tpu.memref_slice %arg7[%add3A_57, %dma_wait3A] : memref<80x128xi32, #tpu.memory_space<vmem>> -> memref<1x128xi32, #tpu.memory_space<vmem>>
      %dma_wait3A_59 = tpu.memref_squeeze %dma_wait3A_58 : memref<1x128xi32, #tpu.memory_space<vmem>> -> memref<128xi32, #tpu.memory_space<vmem>>
      %dma_wait3A_60 = arith.constant 0 : i32
      %dma_wait3A_61 = arith.constant 0 : i32
      %dma_wait3A_62 = tpu.memref_slice %arg2[%dma_wait3A_60, %dma_wait3A_61] : memref<10112x128xf32, #tpu.memory_space<hbm>> -> memref<10112x128xf32, #tpu.memory_space<hbm>>
      tpu.wait_indirect_dma semaphore(%arg13 : memref<!tpu.dma_semaphore, #tpu.memory_space<semaphore_mem>>) src(%dma_wait3A_62 : memref<10112x128xf32, #tpu.memory_space<hbm>>) dst(%arg8 : memref<128x128xf32, #tpu.memory_space<vmem>>)
      %mul3A_63 = arith.constant 80 : i32
      %mul3A_64 = arith.muli %add3A, %mul3A_63 : i32
      %add3A_65 = arith.addi %mul3A_64, %add3A_57 : i32
      %dma_wait3A_66 = arith.constant 0 : i32
      %dma_wait3A_67 = tpu.memref_slice %arg4[%add3A_65, %dma_wait3A_66] : memref<2560x128xi32, #tpu.memory_space<hbm>> -> memref<1x128xi32, #tpu.memory_space<hbm>>
      %dma_wait3A_68 = tpu.memref_squeeze %dma_wait3A_67 : memref<1x128xi32, #tpu.memory_space<hbm>> -> memref<128xi32, #tpu.memory_space<hbm>>
      %dma_wait3A_69 = arith.constant 0 : i32
      %dma_wait3A_70 = tpu.memref_slice %arg4[%add3A_65, %dma_wait3A_69] : memref<2560x128xi32, #tpu.memory_space<hbm>> -> memref<1x128xi32, #tpu.memory_space<hbm>>
      %dma_wait3A_71 = tpu.memref_squeeze %dma_wait3A_70 : memref<1x128xi32, #tpu.memory_space<hbm>> -> memref<128xi32, #tpu.memory_space<hbm>>
      tpu.wait_dma2 semaphore(%arg15 : memref<!tpu.dma_semaphore, #tpu.memory_space<semaphore_mem>>) src(%dma_wait3A_71 : memref<128xi32, #tpu.memory_space<hbm>>) dst(%arg10 : memref<128xi32, #tpu.memory_space<vmem>>)
      "tpu.region"() ({
        %run_scoped3A = tpu.sem_alloc : memref<!tpu.dma_semaphore, #tpu.memory_space<semaphore_mem>>
        %dma_start3A_102 = arith.constant 0 : i32
        %dma_start3A_103 = arith.constant 0 : i32
        %dma_start3A_104 = tpu.memref_slice %arg12[%dma_start3A_102, %dma_start3A_103] : memref<10112x128xf32, #tpu.memory_space<vmem_shared>> -> memref<10112x128xf32, #tpu.memory_space<vmem_shared>>
        tpu.enqueue_indirect_dma source(%arg8 : memref<128x128xf32, #tpu.memory_space<vmem>>) target(%dma_start3A_104 : memref<10112x128xf32, #tpu.memory_space<vmem_shared>>) offsets(%arg10 : memref<128xi32, #tpu.memory_space<vmem>>) semaphore(%run_scoped3A : memref<!tpu.dma_semaphore, #tpu.memory_space<semaphore_mem>>) {add = true}
        %dma_wait3A_105 = arith.constant 0 : i32
        %dma_wait3A_106 = arith.constant 0 : i32
        %dma_wait3A_107 = tpu.memref_slice %arg12[%dma_wait3A_105, %dma_wait3A_106] : memref<10112x128xf32, #tpu.memory_space<vmem_shared>> -> memref<10112x128xf32, #tpu.memory_space<vmem_shared>>
        tpu.wait_indirect_dma semaphore(%run_scoped3A : memref<!tpu.dma_semaphore, #tpu.memory_space<semaphore_mem>>) src(%arg8 : memref<128x128xf32, #tpu.memory_space<vmem>>) dst(%dma_wait3A_107 : memref<10112x128xf32, #tpu.memory_space<vmem_shared>>)
        tpu.yield
      }) : () -> ()
      %add3A_72 = arith.constant 1 : i32
      %add3A_73 = arith.addi %scan3A_53, %add3A_72 : i32
      %lt3A = arith.constant 40 : i32
      %lt3A_74 = arith.cmpi slt, %add3A_73, %lt3A : i32
      %convert_element_type3A = arith.extui %lt3A_74 : i1 to i32
      %cond3A = arith.constant 0 : i32
      %cond3A_75 = arith.cmpi ne, %convert_element_type3A, %cond3A : i32
      scf.if %cond3A_75 {
        %add3A_102 = arith.constant 2 : i32
        %add3A_103 = arith.addi %add3A_57, %add3A_102 : i32
        %dma_start3A_104 = arith.constant 0 : i32
        %dma_start3A_105 = tpu.memref_slice %arg7[%add3A_103, %dma_start3A_104] : memref<80x128xi32, #tpu.memory_space<vmem>> -> memref<1x128xi32, #tpu.memory_space<vmem>>
        %dma_start3A_106 = tpu.memref_squeeze %dma_start3A_105 : memref<1x128xi32, #tpu.memory_space<vmem>> -> memref<128xi32, #tpu.memory_space<vmem>>
        %dma_start3A_107 = arith.constant 0 : i32
        %dma_start3A_108 = arith.constant 0 : i32
        %dma_start3A_109 = tpu.memref_slice %arg2[%dma_start3A_107, %dma_start3A_108] : memref<10112x128xf32, #tpu.memory_space<hbm>> -> memref<10112x128xf32, #tpu.memory_space<hbm>>
        tpu.enqueue_indirect_dma source(%dma_start3A_109 : memref<10112x128xf32, #tpu.memory_space<hbm>>) target(%arg8 : memref<128x128xf32, #tpu.memory_space<vmem>>) offsets(%dma_start3A_106 : memref<128xi32, #tpu.memory_space<vmem>>) semaphore(%arg13 : memref<!tpu.dma_semaphore, #tpu.memory_space<semaphore_mem>>)
        %mul3A_110 = arith.constant 80 : i32
        %mul3A_111 = arith.muli %add3A, %mul3A_110 : i32
        %add3A_112 = arith.addi %mul3A_111, %add3A_57 : i32
        %add3A_113 = arith.constant 2 : i32
        %add3A_114 = arith.addi %add3A_112, %add3A_113 : i32
        %dma_start3A_115 = arith.constant 0 : i32
        %dma_start3A_116 = tpu.memref_slice %arg4[%add3A_114, %dma_start3A_115] : memref<2560x128xi32, #tpu.memory_space<hbm>> -> memref<1x128xi32, #tpu.memory_space<hbm>>
        %dma_start3A_117 = tpu.memref_squeeze %dma_start3A_116 : memref<1x128xi32, #tpu.memory_space<hbm>> -> memref<128xi32, #tpu.memory_space<hbm>>
        %dma_start3A_118 = arith.constant 0 : i32
        %dma_start3A_119 = tpu.memref_slice %arg4[%add3A_114, %dma_start3A_118] : memref<2560x128xi32, #tpu.memory_space<hbm>> -> memref<1x128xi32, #tpu.memory_space<hbm>>
        %dma_start3A_120 = tpu.memref_squeeze %dma_start3A_119 : memref<1x128xi32, #tpu.memory_space<hbm>> -> memref<128xi32, #tpu.memory_space<hbm>>
        tpu.enqueue_dma source(%dma_start3A_120 : memref<128xi32, #tpu.memory_space<hbm>>) target(%arg10 : memref<128xi32, #tpu.memory_space<vmem>>) target_semaphore(%arg15 : memref<!tpu.dma_semaphore, #tpu.memory_space<semaphore_mem>>)
      } else {
      }
      %mul3A_76 = arith.constant 2 : i32
      %mul3A_77 = arith.muli %scan3A_53, %mul3A_76 : i32
      %add3A_78 = arith.constant 1 : i32
      %add3A_79 = arith.addi %mul3A_77, %add3A_78 : i32
      %dma_wait3A_80 = arith.constant 0 : i32
      %dma_wait3A_81 = tpu.memref_slice %arg7[%add3A_79, %dma_wait3A_80] : memref<80x128xi32, #tpu.memory_space<vmem>> -> memref<1x128xi32, #tpu.memory_space<vmem>>
      %dma_wait3A_82 = tpu.memref_squeeze %dma_wait3A_81 : memref<1x128xi32, #tpu.memory_space<vmem>> -> memref<128xi32, #tpu.memory_space<vmem>>
      %dma_wait3A_83 = arith.constant 0 : i32
      %dma_wait3A_84 = arith.constant 0 : i32
      %dma_wait3A_85 = tpu.memref_slice %arg2[%dma_wait3A_83, %dma_wait3A_84] : memref<10112x128xf32, #tpu.memory_space<hbm>> -> memref<10112x128xf32, #tpu.memory_space<hbm>>
      tpu.wait_indirect_dma semaphore(%arg14 : memref<!tpu.dma_semaphore, #tpu.memory_space<semaphore_mem>>) src(%dma_wait3A_85 : memref<10112x128xf32, #tpu.memory_space<hbm>>) dst(%arg9 : memref<128x128xf32, #tpu.memory_space<vmem>>)
      %mul3A_86 = arith.constant 80 : i32
      %mul3A_87 = arith.muli %add3A, %mul3A_86 : i32
      %add3A_88 = arith.addi %mul3A_87, %add3A_79 : i32
      %dma_wait3A_89 = arith.constant 0 : i32
      %dma_wait3A_90 = tpu.memref_slice %arg4[%add3A_88, %dma_wait3A_89] : memref<2560x128xi32, #tpu.memory_space<hbm>> -> memref<1x128xi32, #tpu.memory_space<hbm>>
      %dma_wait3A_91 = tpu.memref_squeeze %dma_wait3A_90 : memref<1x128xi32, #tpu.memory_space<hbm>> -> memref<128xi32, #tpu.memory_space<hbm>>
      %dma_wait3A_92 = arith.constant 0 : i32
      %dma_wait3A_93 = tpu.memref_slice %arg4[%add3A_88, %dma_wait3A_92] : memref<2560x128xi32, #tpu.memory_space<hbm>> -> memref<1x128xi32, #tpu.memory_space<hbm>>
      %dma_wait3A_94 = tpu.memref_squeeze %dma_wait3A_93 : memref<1x128xi32, #tpu.memory_space<hbm>> -> memref<128xi32, #tpu.memory_space<hbm>>
      tpu.wait_dma2 semaphore(%arg16 : memref<!tpu.dma_semaphore, #tpu.memory_space<semaphore_mem>>) src(%dma_wait3A_94 : memref<128xi32, #tpu.memory_space<hbm>>) dst(%arg11 : memref<128xi32, #tpu.memory_space<vmem>>)
      "tpu.region"() ({
        %run_scoped3A = tpu.sem_alloc : memref<!tpu.dma_semaphore, #tpu.memory_space<semaphore_mem>>
        %dma_start3A_102 = arith.constant 0 : i32
        %dma_start3A_103 = arith.constant 0 : i32
        %dma_start3A_104 = tpu.memref_slice %arg12[%dma_start3A_102, %dma_start3A_103] : memref<10112x128xf32, #tpu.memory_space<vmem_shared>> -> memref<10112x128xf32, #tpu.memory_space<vmem_shared>>
        tpu.enqueue_indirect_dma source(%arg9 : memref<128x128xf32, #tpu.memory_space<vmem>>) target(%dma_start3A_104 : memref<10112x128xf32, #tpu.memory_space<vmem_shared>>) offsets(%arg11 : memref<128xi32, #tpu.memory_space<vmem>>) semaphore(%run_scoped3A : memref<!tpu.dma_semaphore, #tpu.memory_space<semaphore_mem>>) {add = true}
        %dma_wait3A_105 = arith.constant 0 : i32
        %dma_wait3A_106 = arith.constant 0 : i32
        %dma_wait3A_107 = tpu.memref_slice %arg12[%dma_wait3A_105, %dma_wait3A_106] : memref<10112x128xf32, #tpu.memory_space<vmem_shared>> -> memref<10112x128xf32, #tpu.memory_space<vmem_shared>>
        tpu.wait_indirect_dma semaphore(%run_scoped3A : memref<!tpu.dma_semaphore, #tpu.memory_space<semaphore_mem>>) src(%arg9 : memref<128x128xf32, #tpu.memory_space<vmem>>) dst(%dma_wait3A_107 : memref<10112x128xf32, #tpu.memory_space<vmem_shared>>)
        tpu.yield
      }) : () -> ()
      %add3A_95 = arith.constant 1 : i32
      %add3A_96 = arith.addi %scan3A_53, %add3A_95 : i32
      %lt3A_97 = arith.constant 40 : i32
      %lt3A_98 = arith.cmpi slt, %add3A_96, %lt3A_97 : i32
      %convert_element_type3A_99 = arith.extui %lt3A_98 : i1 to i32
      %cond3A_100 = arith.constant 0 : i32
      %cond3A_101 = arith.cmpi ne, %convert_element_type3A_99, %cond3A_100 : i32
      scf.if %cond3A_101 {
        %add3A_102 = arith.constant 2 : i32
        %add3A_103 = arith.addi %add3A_79, %add3A_102 : i32
        %dma_start3A_104 = arith.constant 0 : i32
        %dma_start3A_105 = tpu.memref_slice %arg7[%add3A_103, %dma_start3A_104] : memref<80x128xi32, #tpu.memory_space<vmem>> -> memref<1x128xi32, #tpu.memory_space<vmem>>
        %dma_start3A_106 = tpu.memref_squeeze %dma_start3A_105 : memref<1x128xi32, #tpu.memory_space<vmem>> -> memref<128xi32, #tpu.memory_space<vmem>>
        %dma_start3A_107 = arith.constant 0 : i32
        %dma_start3A_108 = arith.constant 0 : i32
        %dma_start3A_109 = tpu.memref_slice %arg2[%dma_start3A_107, %dma_start3A_108] : memref<10112x128xf32, #tpu.memory_space<hbm>> -> memref<10112x128xf32, #tpu.memory_space<hbm>>
        tpu.enqueue_indirect_dma source(%dma_start3A_109 : memref<10112x128xf32, #tpu.memory_space<hbm>>) target(%arg9 : memref<128x128xf32, #tpu.memory_space<vmem>>) offsets(%dma_start3A_106 : memref<128xi32, #tpu.memory_space<vmem>>) semaphore(%arg14 : memref<!tpu.dma_semaphore, #tpu.memory_space<semaphore_mem>>)
        %mul3A_110 = arith.constant 80 : i32
        %mul3A_111 = arith.muli %add3A, %mul3A_110 : i32
        %add3A_112 = arith.addi %mul3A_111, %add3A_79 : i32
        %add3A_113 = arith.constant 2 : i32
        %add3A_114 = arith.addi %add3A_112, %add3A_113 : i32
        %dma_start3A_115 = arith.constant 0 : i32
        %dma_start3A_116 = tpu.memref_slice %arg4[%add3A_114, %dma_start3A_115] : memref<2560x128xi32, #tpu.memory_space<hbm>> -> memref<1x128xi32, #tpu.memory_space<hbm>>
        %dma_start3A_117 = tpu.memref_squeeze %dma_start3A_116 : memref<1x128xi32, #tpu.memory_space<hbm>> -> memref<128xi32, #tpu.memory_space<hbm>>
        %dma_start3A_118 = arith.constant 0 : i32
        %dma_start3A_119 = tpu.memref_slice %arg4[%add3A_114, %dma_start3A_118] : memref<2560x128xi32, #tpu.memory_space<hbm>> -> memref<1x128xi32, #tpu.memory_space<hbm>>
        %dma_start3A_120 = tpu.memref_squeeze %dma_start3A_119 : memref<1x128xi32, #tpu.memory_space<hbm>> -> memref<128xi32, #tpu.memory_space<hbm>>
        tpu.enqueue_dma source(%dma_start3A_120 : memref<128xi32, #tpu.memory_space<hbm>>) target(%arg11 : memref<128xi32, #tpu.memory_space<vmem>>) target_semaphore(%arg16 : memref<!tpu.dma_semaphore, #tpu.memory_space<semaphore_mem>>)
      } else {
      }
    }
    %scan3A_51 = arith.constant 40 : i32
    %barrier3A_52 = arith.constant 0 : index
    tpu.barrier barrier_id(%barrier3A_52)
    "tpu.region"() ({
      %run_scoped3A = tpu.sem_alloc : memref<!tpu.dma_semaphore, #tpu.memory_space<semaphore_mem>>
      %dma_start3A_53 = arith.constant 0 : i32
      %dma_start3A_54 = tpu.memref_slice %arg6[%arg0, %mul3A_2, %dma_start3A_53] : memref<2x10112x128xf32, #tpu.memory_space<hbm>> -> memref<1x632x128xf32, #tpu.memory_space<hbm>>
      %dma_start3A_55 = tpu.memref_squeeze %dma_start3A_54 : memref<1x632x128xf32, #tpu.memory_space<hbm>> -> memref<632x128xf32, #tpu.memory_space<hbm>>
      %dma_start3A_56 = arith.constant 0 : i32
      %dma_start3A_57 = tpu.memref_slice %arg12[%mul3A_2, %dma_start3A_56] : memref<10112x128xf32, #tpu.memory_space<vmem_shared>> -> memref<632x128xf32, #tpu.memory_space<vmem_shared>>
      tpu.enqueue_dma source(%dma_start3A_57 : memref<632x128xf32, #tpu.memory_space<vmem_shared>>) target(%dma_start3A_55 : memref<632x128xf32, #tpu.memory_space<hbm>>) target_semaphore(%run_scoped3A : memref<!tpu.dma_semaphore, #tpu.memory_space<semaphore_mem>>)
      %dma_wait3A = arith.constant 0 : i32
      %dma_wait3A_58 = tpu.memref_slice %arg6[%arg0, %mul3A_2, %dma_wait3A] : memref<2x10112x128xf32, #tpu.memory_space<hbm>> -> memref<1x632x128xf32, #tpu.memory_space<hbm>>
      %dma_wait3A_59 = tpu.memref_squeeze %dma_wait3A_58 : memref<1x632x128xf32, #tpu.memory_space<hbm>> -> memref<632x128xf32, #tpu.memory_space<hbm>>
      %dma_wait3A_60 = arith.constant 0 : i32
      %dma_wait3A_61 = tpu.memref_slice %arg12[%mul3A_2, %dma_wait3A_60] : memref<10112x128xf32, #tpu.memory_space<vmem_shared>> -> memref<632x128xf32, #tpu.memory_space<vmem_shared>>
      tpu.wait_dma2 semaphore(%run_scoped3A : memref<!tpu.dma_semaphore, #tpu.memory_space<semaphore_mem>>) src(%dma_wait3A_61 : memref<632x128xf32, #tpu.memory_space<vmem_shared>>) dst(%dma_wait3A_59 : memref<632x128xf32, #tpu.memory_space<hbm>>)
      tpu.yield
    }) : () -> ()
    return
  }
}

#map = affine_map<(d0, d1) -> (0, 0)>
#map1 = affine_map<(d0, d1) -> (0, 0, 0)>
module attributes {stable_mosaic.version = 14 : i64} {
  func.func @k(%arg0: i32, %arg1: i32, %arg2: memref<10112x128xf32, #tpu.memory_space<hbm>>, %arg3: memref<2560x128xi32, #tpu.memory_space<hbm>>, %arg4: memref<2560x128xi32, #tpu.memory_space<hbm>>, %arg5: memref<128x128xf32, #tpu.memory_space<hbm>>, %arg6: memref<2x10112x128xf32, #tpu.memory_space<hbm>>, %arg7: memref<80x128xi32, #tpu.memory_space<vmem>>, %arg8: memref<128x128xf32, #tpu.memory_space<vmem>>, %arg9: memref<128x128xf32, #tpu.memory_space<vmem>>, %arg10: memref<128xi32, #tpu.memory_space<vmem>>, %arg11: memref<128xi32, #tpu.memory_space<vmem>>, %arg12: memref<10112x128xf32, #tpu.memory_space<vmem_shared>>, %arg13: memref<!tpu.dma_semaphore, #tpu.memory_space<semaphore_mem>>, %arg14: memref<!tpu.dma_semaphore, #tpu.memory_space<semaphore_mem>>, %arg15: memref<!tpu.dma_semaphore, #tpu.memory_space<semaphore_mem>>, %arg16: memref<!tpu.dma_semaphore, #tpu.memory_space<semaphore_mem>>) attributes {dimension_semantics = [#tpu.dimension_semantics<core_parallel>, #tpu.dimension_semantics<subcore_parallel>], iteration_bounds = array<i64: 2, 16>, scalar_prefetch = 0 : i64, scratch_operands = 10 : i64, tpu.core_type = #tpu.core_type<sc_vector_subcore>, window_params = [{transform_indices = #map}, {transform_indices = #map}, {transform_indices = #map}, {transform_indices = #map}, {transform_indices = #map1}]} {
    %mul3A = arith.constant 16 : i32
    %mul3A_0 = arith.muli %arg0, %mul3A : i32
    %add3A = arith.addi %mul3A_0, %arg1 : i32
    %mul3A_1 = arith.constant 632 : i32
    %mul3A_2 = arith.muli %arg1, %mul3A_1 : i32
    %mul3A_3 = arith.constant 80 : i32
    %mul3A_4 = arith.muli %add3A, %mul3A_3 : i32
    "tpu.region"() ({
      %run_scoped3A = tpu.sem_alloc : memref<!tpu.dma_semaphore, #tpu.memory_space<semaphore_mem>>
      %dma_start3A_53 = arith.constant 0 : i32
      %dma_start3A_54 = tpu.memref_slice %arg3[%mul3A_4, %dma_start3A_53] : memref<2560x128xi32, #tpu.memory_space<hbm>> -> memref<80x128xi32, #tpu.memory_space<hbm>>
      %dma_start3A_55 = arith.constant 0 : i32
      %dma_start3A_56 = tpu.memref_slice %arg3[%mul3A_4, %dma_start3A_55] : memref<2560x128xi32, #tpu.memory_space<hbm>> -> memref<80x128xi32, #tpu.memory_space<hbm>>
      tpu.enqueue_dma source(%dma_start3A_56 : memref<80x128xi32, #tpu.memory_space<hbm>>) target(%arg7 : memref<80x128xi32, #tpu.memory_space<vmem>>) target_semaphore(%run_scoped3A : memref<!tpu.dma_semaphore, #tpu.memory_space<semaphore_mem>>)
      %dma_wait3A = arith.constant 0 : i32
      %dma_wait3A_57 = tpu.memref_slice %arg3[%mul3A_4, %dma_wait3A] : memref<2560x128xi32, #tpu.memory_space<hbm>> -> memref<80x128xi32, #tpu.memory_space<hbm>>
      %dma_wait3A_58 = arith.constant 0 : i32
      %dma_wait3A_59 = tpu.memref_slice %arg3[%mul3A_4, %dma_wait3A_58] : memref<2560x128xi32, #tpu.memory_space<hbm>> -> memref<80x128xi32, #tpu.memory_space<hbm>>
      tpu.wait_dma2 semaphore(%run_scoped3A : memref<!tpu.dma_semaphore, #tpu.memory_space<semaphore_mem>>) src(%dma_wait3A_59 : memref<80x128xi32, #tpu.memory_space<hbm>>) dst(%arg7 : memref<80x128xi32, #tpu.memory_space<vmem>>)
      tpu.yield
    }) : () -> ()
    "tpu.region"() ({
      %run_scoped3A = tpu.sem_alloc : memref<!tpu.dma_semaphore, #tpu.memory_space<semaphore_mem>>
      tpu.enqueue_dma source(%arg5 : memref<128x128xf32, #tpu.memory_space<hbm>>) target(%arg8 : memref<128x128xf32, #tpu.memory_space<vmem>>) target_semaphore(%run_scoped3A : memref<!tpu.dma_semaphore, #tpu.memory_space<semaphore_mem>>)
      tpu.wait_dma2 semaphore(%run_scoped3A : memref<!tpu.dma_semaphore, #tpu.memory_space<semaphore_mem>>) src(%arg5 : memref<128x128xf32, #tpu.memory_space<hbm>>) dst(%arg8 : memref<128x128xf32, #tpu.memory_space<vmem>>)
      tpu.yield
    }) : () -> ()
    %scan3A = arith.constant 0 : i32
    %scan3A_5 = arith.constant 0 : i32
    %scan3A_6 = arith.constant 4 : i32
    %scan3A_7 = arith.addi %scan3A_5, %scan3A_6 : i32
    %scan3A_8 = arith.constant 1 : i32
    scf.for %scan3A_53 = %scan3A_5 to %scan3A_7 step %scan3A_8  : i32 {
      %mul3A_54 = arith.constant 128 : i32
      %mul3A_55 = arith.muli %scan3A_53, %mul3A_54 : i32
      %add3A_56 = arith.addi %mul3A_2, %mul3A_55 : i32
      "tpu.region"() ({
        %run_scoped3A = tpu.sem_alloc : memref<!tpu.dma_semaphore, #tpu.memory_space<semaphore_mem>>
        %dma_start3A_57 = arith.constant 0 : i32
        %dma_start3A_58 = tpu.memref_slice %arg12[%add3A_56, %dma_start3A_57] : memref<10112x128xf32, #tpu.memory_space<vmem_shared>> -> memref<128x128xf32, #tpu.memory_space<vmem_shared>>
        %dma_start3A_59 = arith.constant 0 : i32
        %dma_start3A_60 = tpu.memref_slice %arg12[%add3A_56, %dma_start3A_59] : memref<10112x128xf32, #tpu.memory_space<vmem_shared>> -> memref<128x128xf32, #tpu.memory_space<vmem_shared>>
        tpu.enqueue_dma source(%arg8 : memref<128x128xf32, #tpu.memory_space<vmem>>) target(%dma_start3A_60 : memref<128x128xf32, #tpu.memory_space<vmem_shared>>) target_semaphore(%run_scoped3A : memref<!tpu.dma_semaphore, #tpu.memory_space<semaphore_mem>>)
        %dma_wait3A = arith.constant 0 : i32
        %dma_wait3A_61 = tpu.memref_slice %arg12[%add3A_56, %dma_wait3A] : memref<10112x128xf32, #tpu.memory_space<vmem_shared>> -> memref<128x128xf32, #tpu.memory_space<vmem_shared>>
        %dma_wait3A_62 = arith.constant 0 : i32
        %dma_wait3A_63 = tpu.memref_slice %arg12[%add3A_56, %dma_wait3A_62] : memref<10112x128xf32, #tpu.memory_space<vmem_shared>> -> memref<128x128xf32, #tpu.memory_space<vmem_shared>>
        tpu.wait_dma2 semaphore(%run_scoped3A : memref<!tpu.dma_semaphore, #tpu.memory_space<semaphore_mem>>) src(%arg8 : memref<128x128xf32, #tpu.memory_space<vmem>>) dst(%dma_wait3A_63 : memref<128x128xf32, #tpu.memory_space<vmem_shared>>)
        tpu.yield
      }) : () -> ()
    }
    %scan3A_9 = arith.constant 4 : i32
    %add3A_10 = arith.constant 632 : i32
    %add3A_11 = arith.addi %mul3A_2, %add3A_10 : i32
    %sub3A = arith.constant 120 : i32
    %sub3A_12 = arith.subi %add3A_11, %sub3A : i32
    "tpu.region"() ({
      %run_scoped3A = tpu.sem_alloc : memref<!tpu.dma_semaphore, #tpu.memory_space<semaphore_mem>>
      %dma_start3A_53 = arith.constant 0 : i32
      %dma_start3A_54 = arith.constant 0 : i32
      %dma_start3A_55 = tpu.memref_slice %arg8[%dma_start3A_53, %dma_start3A_54] : memref<128x128xf32, #tpu.memory_space<vmem>> -> memref<120x128xf32, #tpu.memory_space<vmem>>
      %dma_start3A_56 = arith.constant 0 : i32
      %dma_start3A_57 = tpu.memref_slice %arg12[%sub3A_12, %dma_start3A_56] : memref<10112x128xf32, #tpu.memory_space<vmem_shared>> -> memref<120x128xf32, #tpu.memory_space<vmem_shared>>
      %dma_start3A_58 = arith.constant 0 : i32
      %dma_start3A_59 = tpu.memref_slice %arg12[%sub3A_12, %dma_start3A_58] : memref<10112x128xf32, #tpu.memory_space<vmem_shared>> -> memref<120x128xf32, #tpu.memory_space<vmem_shared>>
      %dma_start3A_60 = arith.constant 0 : i32
      %dma_start3A_61 = arith.constant 0 : i32
      %dma_start3A_62 = tpu.memref_slice %arg8[%dma_start3A_60, %dma_start3A_61] : memref<128x128xf32, #tpu.memory_space<vmem>> -> memref<120x128xf32, #tpu.memory_space<vmem>>
      tpu.enqueue_dma source(%dma_start3A_62 : memref<120x128xf32, #tpu.memory_space<vmem>>) target(%dma_start3A_59 : memref<120x128xf32, #tpu.memory_space<vmem_shared>>) target_semaphore(%run_scoped3A : memref<!tpu.dma_semaphore, #tpu.memory_space<semaphore_mem>>)
      %dma_wait3A = arith.constant 0 : i32
      %dma_wait3A_63 = arith.constant 0 : i32
      %dma_wait3A_64 = tpu.memref_slice %arg8[%dma_wait3A, %dma_wait3A_63] : memref<128x128xf32, #tpu.memory_space<vmem>> -> memref<120x128xf32, #tpu.memory_space<vmem>>
      %dma_wait3A_65 = arith.constant 0 : i32
      %dma_wait3A_66 = tpu.memref_slice %arg12[%sub3A_12, %dma_wait3A_65] : memref<10112x128xf32, #tpu.memory_space<vmem_shared>> -> memref<120x128xf32, #tpu.memory_space<vmem_shared>>
      %dma_wait3A_67 = arith.constant 0 : i32
      %dma_wait3A_68 = tpu.memref_slice %arg12[%sub3A_12, %dma_wait3A_67] : memref<10112x128xf32, #tpu.memory_space<vmem_shared>> -> memref<120x128xf32, #tpu.memory_space<vmem_shared>>
      %dma_wait3A_69 = arith.constant 0 : i32
      %dma_wait3A_70 = arith.constant 0 : i32
      %dma_wait3A_71 = tpu.memref_slice %arg8[%dma_wait3A_69, %dma_wait3A_70] : memref<128x128xf32, #tpu.memory_space<vmem>> -> memref<120x128xf32, #tpu.memory_space<vmem>>
      tpu.wait_dma2 semaphore(%run_scoped3A : memref<!tpu.dma_semaphore, #tpu.memory_space<semaphore_mem>>) src(%dma_wait3A_71 : memref<120x128xf32, #tpu.memory_space<vmem>>) dst(%dma_wait3A_68 : memref<120x128xf32, #tpu.memory_space<vmem_shared>>)
      tpu.yield
    }) : () -> ()
    %dma_start3A = arith.constant 0 : i32
    %dma_start3A_13 = arith.constant 0 : i32
    %dma_start3A_14 = tpu.memref_slice %arg7[%dma_start3A, %dma_start3A_13] : memref<80x128xi32, #tpu.memory_space<vmem>> -> memref<1x128xi32, #tpu.memory_space<vmem>>
    %dma_start3A_15 = tpu.memref_squeeze %dma_start3A_14 : memref<1x128xi32, #tpu.memory_space<vmem>> -> memref<128xi32, #tpu.memory_space<vmem>>
    %dma_start3A_16 = arith.constant 0 : i32
    %dma_start3A_17 = arith.constant 0 : i32
    %dma_start3A_18 = tpu.memref_slice %arg2[%dma_start3A_16, %dma_start3A_17] : memref<10112x128xf32, #tpu.memory_space<hbm>> -> memref<10112x128xf32, #tpu.memory_space<hbm>>
    tpu.enqueue_indirect_dma source(%dma_start3A_18 : memref<10112x128xf32, #tpu.memory_space<hbm>>) target(%arg8 : memref<128x128xf32, #tpu.memory_space<vmem>>) offsets(%dma_start3A_15 : memref<128xi32, #tpu.memory_space<vmem>>) semaphore(%arg13 : memref<!tpu.dma_semaphore, #tpu.memory_space<semaphore_mem>>)
    %mul3A_19 = arith.constant 80 : i32
    %mul3A_20 = arith.muli %add3A, %mul3A_19 : i32
    %add3A_21 = arith.constant 0 : i32
    %add3A_22 = arith.addi %mul3A_20, %add3A_21 : i32
    %dma_start3A_23 = arith.constant 0 : i32
    %dma_start3A_24 = tpu.memref_slice %arg4[%add3A_22, %dma_start3A_23] : memref<2560x128xi32, #tpu.memory_space<hbm>> -> memref<1x128xi32, #tpu.memory_space<hbm>>
    %dma_start3A_25 = tpu.memref_squeeze %dma_start3A_24 : memref<1x128xi32, #tpu.memory_space<hbm>> -> memref<128xi32, #tpu.memory_space<hbm>>
    %dma_start3A_26 = arith.constant 0 : i32
    %dma_start3A_27 = tpu.memref_slice %arg4[%add3A_22, %dma_start3A_26] : memref<2560x128xi32, #tpu.memory_space<hbm>> -> memref<1x128xi32, #tpu.memory_space<hbm>>
    %dma_start3A_28 = tpu.memref_squeeze %dma_start3A_27 : memref<1x128xi32, #tpu.memory_space<hbm>> -> memref<128xi32, #tpu.memory_space<hbm>>
    tpu.enqueue_dma source(%dma_start3A_28 : memref<128xi32, #tpu.memory_space<hbm>>) target(%arg10 : memref<128xi32, #tpu.memory_space<vmem>>) target_semaphore(%arg15 : memref<!tpu.dma_semaphore, #tpu.memory_space<semaphore_mem>>)
    %dma_start3A_29 = arith.constant 1 : i32
    %dma_start3A_30 = arith.constant 0 : i32
    %dma_start3A_31 = tpu.memref_slice %arg7[%dma_start3A_29, %dma_start3A_30] : memref<80x128xi32, #tpu.memory_space<vmem>> -> memref<1x128xi32, #tpu.memory_space<vmem>>
    %dma_start3A_32 = tpu.memref_squeeze %dma_start3A_31 : memref<1x128xi32, #tpu.memory_space<vmem>> -> memref<128xi32, #tpu.memory_space<vmem>>
    %dma_start3A_33 = arith.constant 0 : i32
    %dma_start3A_34 = arith.constant 0 : i32
    %dma_start3A_35 = tpu.memref_slice %arg2[%dma_start3A_33, %dma_start3A_34] : memref<10112x128xf32, #tpu.memory_space<hbm>> -> memref<10112x128xf32, #tpu.memory_space<hbm>>
    tpu.enqueue_indirect_dma source(%dma_start3A_35 : memref<10112x128xf32, #tpu.memory_space<hbm>>) target(%arg9 : memref<128x128xf32, #tpu.memory_space<vmem>>) offsets(%dma_start3A_32 : memref<128xi32, #tpu.memory_space<vmem>>) semaphore(%arg14 : memref<!tpu.dma_semaphore, #tpu.memory_space<semaphore_mem>>)
    %mul3A_36 = arith.constant 80 : i32
    %mul3A_37 = arith.muli %add3A, %mul3A_36 : i32
    %add3A_38 = arith.constant 1 : i32
    %add3A_39 = arith.addi %mul3A_37, %add3A_38 : i32
    %dma_start3A_40 = arith.constant 0 : i32
    %dma_start3A_41 = tpu.memref_slice %arg4[%add3A_39, %dma_start3A_40] : memref<2560x128xi32, #tpu.memory_space<hbm>> -> memref<1x128xi32, #tpu.memory_space<hbm>>
    %dma_start3A_42 = tpu.memref_squeeze %dma_start3A_41 : memref<1x128xi32, #tpu.memory_space<hbm>> -> memref<128xi32, #tpu.memory_space<hbm>>
    %dma_start3A_43 = arith.constant 0 : i32
    %dma_start3A_44 = tpu.memref_slice %arg4[%add3A_39, %dma_start3A_43] : memref<2560x128xi32, #tpu.memory_space<hbm>> -> memref<1x128xi32, #tpu.memory_space<hbm>>
    %dma_start3A_45 = tpu.memref_squeeze %dma_start3A_44 : memref<1x128xi32, #tpu.memory_space<hbm>> -> memref<128xi32, #tpu.memory_space<hbm>>
    tpu.enqueue_dma source(%dma_start3A_45 : memref<128xi32, #tpu.memory_space<hbm>>) target(%arg11 : memref<128xi32, #tpu.memory_space<vmem>>) target_semaphore(%arg16 : memref<!tpu.dma_semaphore, #tpu.memory_space<semaphore_mem>>)
    %barrier3A = arith.constant 0 : index
    tpu.barrier barrier_id(%barrier3A)
    %scan3A_46 = arith.constant 0 : i32
    %scan3A_47 = arith.constant 0 : i32
    %scan3A_48 = arith.constant 40 : i32
    %scan3A_49 = arith.addi %scan3A_47, %scan3A_48 : i32
    %scan3A_50 = arith.constant 1 : i32
    scf.for %scan3A_53 = %scan3A_47 to %scan3A_49 step %scan3A_50  : i32 {
      %mul3A_54 = arith.constant 2 : i32
      %mul3A_55 = arith.muli %scan3A_53, %mul3A_54 : i32
      %add3A_56 = arith.constant 0 : i32
      %add3A_57 = arith.addi %mul3A_55, %add3A_56 : i32
      %dma_wait3A = arith.constant 0 : i32
      %dma_wait3A_58 = tpu.memref_slice %arg7[%add3A_57, %dma_wait3A] : memref<80x128xi32, #tpu.memory_space<vmem>> -> memref<1x128xi32, #tpu.memory_space<vmem>>
      %dma_wait3A_59 = tpu.memref_squeeze %dma_wait3A_58 : memref<1x128xi32, #tpu.memory_space<vmem>> -> memref<128xi32, #tpu.memory_space<vmem>>
      %dma_wait3A_60 = arith.constant 0 : i32
      %dma_wait3A_61 = arith.constant 0 : i32
      %dma_wait3A_62 = tpu.memref_slice %arg2[%dma_wait3A_60, %dma_wait3A_61] : memref<10112x128xf32, #tpu.memory_space<hbm>> -> memref<10112x128xf32, #tpu.memory_space<hbm>>
      tpu.wait_indirect_dma semaphore(%arg13 : memref<!tpu.dma_semaphore, #tpu.memory_space<semaphore_mem>>) src(%dma_wait3A_62 : memref<10112x128xf32, #tpu.memory_space<hbm>>) dst(%arg8 : memref<128x128xf32, #tpu.memory_space<vmem>>)
      %mul3A_63 = arith.constant 80 : i32
      %mul3A_64 = arith.muli %add3A, %mul3A_63 : i32
      %add3A_65 = arith.addi %mul3A_64, %add3A_57 : i32
      %dma_wait3A_66 = arith.constant 0 : i32
      %dma_wait3A_67 = tpu.memref_slice %arg4[%add3A_65, %dma_wait3A_66] : memref<2560x128xi32, #tpu.memory_space<hbm>> -> memref<1x128xi32, #tpu.memory_space<hbm>>
      %dma_wait3A_68 = tpu.memref_squeeze %dma_wait3A_67 : memref<1x128xi32, #tpu.memory_space<hbm>> -> memref<128xi32, #tpu.memory_space<hbm>>
      %dma_wait3A_69 = arith.constant 0 : i32
      %dma_wait3A_70 = tpu.memref_slice %arg4[%add3A_65, %dma_wait3A_69] : memref<2560x128xi32, #tpu.memory_space<hbm>> -> memref<1x128xi32, #tpu.memory_space<hbm>>
      %dma_wait3A_71 = tpu.memref_squeeze %dma_wait3A_70 : memref<1x128xi32, #tpu.memory_space<hbm>> -> memref<128xi32, #tpu.memory_space<hbm>>
      tpu.wait_dma2 semaphore(%arg15 : memref<!tpu.dma_semaphore, #tpu.memory_space<semaphore_mem>>) src(%dma_wait3A_71 : memref<128xi32, #tpu.memory_space<hbm>>) dst(%arg10 : memref<128xi32, #tpu.memory_space<vmem>>)
      "tpu.region"() ({
        %run_scoped3A = tpu.sem_alloc : memref<!tpu.dma_semaphore, #tpu.memory_space<semaphore_mem>>
        %dma_start3A_102 = arith.constant 0 : i32
        %dma_start3A_103 = arith.constant 0 : i32
        %dma_start3A_104 = tpu.memref_slice %arg12[%dma_start3A_102, %dma_start3A_103] : memref<10112x128xf32, #tpu.memory_space<vmem_shared>> -> memref<10112x128xf32, #tpu.memory_space<vmem_shared>>
        tpu.enqueue_indirect_dma source(%arg8 : memref<128x128xf32, #tpu.memory_space<vmem>>) target(%dma_start3A_104 : memref<10112x128xf32, #tpu.memory_space<vmem_shared>>) offsets(%arg10 : memref<128xi32, #tpu.memory_space<vmem>>) semaphore(%run_scoped3A : memref<!tpu.dma_semaphore, #tpu.memory_space<semaphore_mem>>) {add = true}
        %dma_wait3A_105 = arith.constant 0 : i32
        %dma_wait3A_106 = arith.constant 0 : i32
        %dma_wait3A_107 = tpu.memref_slice %arg12[%dma_wait3A_105, %dma_wait3A_106] : memref<10112x128xf32, #tpu.memory_space<vmem_shared>> -> memref<10112x128xf32, #tpu.memory_space<vmem_shared>>
        tpu.wait_indirect_dma semaphore(%run_scoped3A : memref<!tpu.dma_semaphore, #tpu.memory_space<semaphore_mem>>) src(%arg8 : memref<128x128xf32, #tpu.memory_space<vmem>>) dst(%dma_wait3A_107 : memref<10112x128xf32, #tpu.memory_space<vmem_shared>>)
        tpu.yield
      }) : () -> ()
      %add3A_72 = arith.constant 1 : i32
      %add3A_73 = arith.addi %scan3A_53, %add3A_72 : i32
      %lt3A = arith.constant 40 : i32
      %lt3A_74 = arith.cmpi slt, %add3A_73, %lt3A : i32
      %convert_element_type3A = arith.extui %lt3A_74 : i1 to i32
      %cond3A = arith.constant 0 : i32
      %cond3A_75 = arith.cmpi ne, %convert_element_type3A, %cond3A : i32
      scf.if %cond3A_75 {
        %add3A_102 = arith.constant 2 : i32
        %add3A_103 = arith.addi %add3A_57, %add3A_102 : i32
        %dma_start3A_104 = arith.constant 0 : i32
        %dma_start3A_105 = tpu.memref_slice %arg7[%add3A_103, %dma_start3A_104] : memref<80x128xi32, #tpu.memory_space<vmem>> -> memref<1x128xi32, #tpu.memory_space<vmem>>
        %dma_start3A_106 = tpu.memref_squeeze %dma_start3A_105 : memref<1x128xi32, #tpu.memory_space<vmem>> -> memref<128xi32, #tpu.memory_space<vmem>>
        %dma_start3A_107 = arith.constant 0 : i32
        %dma_start3A_108 = arith.constant 0 : i32
        %dma_start3A_109 = tpu.memref_slice %arg2[%dma_start3A_107, %dma_start3A_108] : memref<10112x128xf32, #tpu.memory_space<hbm>> -> memref<10112x128xf32, #tpu.memory_space<hbm>>
        tpu.enqueue_indirect_dma source(%dma_start3A_109 : memref<10112x128xf32, #tpu.memory_space<hbm>>) target(%arg8 : memref<128x128xf32, #tpu.memory_space<vmem>>) offsets(%dma_start3A_106 : memref<128xi32, #tpu.memory_space<vmem>>) semaphore(%arg13 : memref<!tpu.dma_semaphore, #tpu.memory_space<semaphore_mem>>)
        %mul3A_110 = arith.constant 80 : i32
        %mul3A_111 = arith.muli %add3A, %mul3A_110 : i32
        %add3A_112 = arith.addi %mul3A_111, %add3A_57 : i32
        %add3A_113 = arith.constant 2 : i32
        %add3A_114 = arith.addi %add3A_112, %add3A_113 : i32
        %dma_start3A_115 = arith.constant 0 : i32
        %dma_start3A_116 = tpu.memref_slice %arg4[%add3A_114, %dma_start3A_115] : memref<2560x128xi32, #tpu.memory_space<hbm>> -> memref<1x128xi32, #tpu.memory_space<hbm>>
        %dma_start3A_117 = tpu.memref_squeeze %dma_start3A_116 : memref<1x128xi32, #tpu.memory_space<hbm>> -> memref<128xi32, #tpu.memory_space<hbm>>
        %dma_start3A_118 = arith.constant 0 : i32
        %dma_start3A_119 = tpu.memref_slice %arg4[%add3A_114, %dma_start3A_118] : memref<2560x128xi32, #tpu.memory_space<hbm>> -> memref<1x128xi32, #tpu.memory_space<hbm>>
        %dma_start3A_120 = tpu.memref_squeeze %dma_start3A_119 : memref<1x128xi32, #tpu.memory_space<hbm>> -> memref<128xi32, #tpu.memory_space<hbm>>
        tpu.enqueue_dma source(%dma_start3A_120 : memref<128xi32, #tpu.memory_space<hbm>>) target(%arg10 : memref<128xi32, #tpu.memory_space<vmem>>) target_semaphore(%arg15 : memref<!tpu.dma_semaphore, #tpu.memory_space<semaphore_mem>>)
      } else {
      }
      %mul3A_76 = arith.constant 2 : i32
      %mul3A_77 = arith.muli %scan3A_53, %mul3A_76 : i32
      %add3A_78 = arith.constant 1 : i32
      %add3A_79 = arith.addi %mul3A_77, %add3A_78 : i32
      %dma_wait3A_80 = arith.constant 0 : i32
      %dma_wait3A_81 = tpu.memref_slice %arg7[%add3A_79, %dma_wait3A_80] : memref<80x128xi32, #tpu.memory_space<vmem>> -> memref<1x128xi32, #tpu.memory_space<vmem>>
      %dma_wait3A_82 = tpu.memref_squeeze %dma_wait3A_81 : memref<1x128xi32, #tpu.memory_space<vmem>> -> memref<128xi32, #tpu.memory_space<vmem>>
      %dma_wait3A_83 = arith.constant 0 : i32
      %dma_wait3A_84 = arith.constant 0 : i32
      %dma_wait3A_85 = tpu.memref_slice %arg2[%dma_wait3A_83, %dma_wait3A_84] : memref<10112x128xf32, #tpu.memory_space<hbm>> -> memref<10112x128xf32, #tpu.memory_space<hbm>>
      tpu.wait_indirect_dma semaphore(%arg14 : memref<!tpu.dma_semaphore, #tpu.memory_space<semaphore_mem>>) src(%dma_wait3A_85 : memref<10112x128xf32, #tpu.memory_space<hbm>>) dst(%arg9 : memref<128x128xf32, #tpu.memory_space<vmem>>)
      %mul3A_86 = arith.constant 80 : i32
      %mul3A_87 = arith.muli %add3A, %mul3A_86 : i32
      %add3A_88 = arith.addi %mul3A_87, %add3A_79 : i32
      %dma_wait3A_89 = arith.constant 0 : i32
      %dma_wait3A_90 = tpu.memref_slice %arg4[%add3A_88, %dma_wait3A_89] : memref<2560x128xi32, #tpu.memory_space<hbm>> -> memref<1x128xi32, #tpu.memory_space<hbm>>
      %dma_wait3A_91 = tpu.memref_squeeze %dma_wait3A_90 : memref<1x128xi32, #tpu.memory_space<hbm>> -> memref<128xi32, #tpu.memory_space<hbm>>
      %dma_wait3A_92 = arith.constant 0 : i32
      %dma_wait3A_93 = tpu.memref_slice %arg4[%add3A_88, %dma_wait3A_92] : memref<2560x128xi32, #tpu.memory_space<hbm>> -> memref<1x128xi32, #tpu.memory_space<hbm>>
      %dma_wait3A_94 = tpu.memref_squeeze %dma_wait3A_93 : memref<1x128xi32, #tpu.memory_space<hbm>> -> memref<128xi32, #tpu.memory_space<hbm>>
      tpu.wait_dma2 semaphore(%arg16 : memref<!tpu.dma_semaphore, #tpu.memory_space<semaphore_mem>>) src(%dma_wait3A_94 : memref<128xi32, #tpu.memory_space<hbm>>) dst(%arg11 : memref<128xi32, #tpu.memory_space<vmem>>)
      "tpu.region"() ({
        %run_scoped3A = tpu.sem_alloc : memref<!tpu.dma_semaphore, #tpu.memory_space<semaphore_mem>>
        %dma_start3A_102 = arith.constant 0 : i32
        %dma_start3A_103 = arith.constant 0 : i32
        %dma_start3A_104 = tpu.memref_slice %arg12[%dma_start3A_102, %dma_start3A_103] : memref<10112x128xf32, #tpu.memory_space<vmem_shared>> -> memref<10112x128xf32, #tpu.memory_space<vmem_shared>>
        tpu.enqueue_indirect_dma source(%arg9 : memref<128x128xf32, #tpu.memory_space<vmem>>) target(%dma_start3A_104 : memref<10112x128xf32, #tpu.memory_space<vmem_shared>>) offsets(%arg11 : memref<128xi32, #tpu.memory_space<vmem>>) semaphore(%run_scoped3A : memref<!tpu.dma_semaphore, #tpu.memory_space<semaphore_mem>>) {add = true}
        %dma_wait3A_105 = arith.constant 0 : i32
        %dma_wait3A_106 = arith.constant 0 : i32
        %dma_wait3A_107 = tpu.memref_slice %arg12[%dma_wait3A_105, %dma_wait3A_106] : memref<10112x128xf32, #tpu.memory_space<vmem_shared>> -> memref<10112x128xf32, #tpu.memory_space<vmem_shared>>
        tpu.wait_indirect_dma semaphore(%run_scoped3A : memref<!tpu.dma_semaphore, #tpu.memory_space<semaphore_mem>>) src(%arg9 : memref<128x128xf32, #tpu.memory_space<vmem>>) dst(%dma_wait3A_107 : memref<10112x128xf32, #tpu.memory_space<vmem_shared>>)
        tpu.yield
      }) : () -> ()
      %add3A_95 = arith.constant 1 : i32
      %add3A_96 = arith.addi %scan3A_53, %add3A_95 : i32
      %lt3A_97 = arith.constant 40 : i32
      %lt3A_98 = arith.cmpi slt, %add3A_96, %lt3A_97 : i32
      %convert_element_type3A_99 = arith.extui %lt3A_98 : i1 to i32
      %cond3A_100 = arith.constant 0 : i32
      %cond3A_101 = arith.cmpi ne, %convert_element_type3A_99, %cond3A_100 : i32
      scf.if %cond3A_101 {
        %add3A_102 = arith.constant 2 : i32
        %add3A_103 = arith.addi %add3A_79, %add3A_102 : i32
        %dma_start3A_104 = arith.constant 0 : i32
        %dma_start3A_105 = tpu.memref_slice %arg7[%add3A_103, %dma_start3A_104] : memref<80x128xi32, #tpu.memory_space<vmem>> -> memref<1x128xi32, #tpu.memory_space<vmem>>
        %dma_start3A_106 = tpu.memref_squeeze %dma_start3A_105 : memref<1x128xi32, #tpu.memory_space<vmem>> -> memref<128xi32, #tpu.memory_space<vmem>>
        %dma_start3A_107 = arith.constant 0 : i32
        %dma_start3A_108 = arith.constant 0 : i32
        %dma_start3A_109 = tpu.memref_slice %arg2[%dma_start3A_107, %dma_start3A_108] : memref<10112x128xf32, #tpu.memory_space<hbm>> -> memref<10112x128xf32, #tpu.memory_space<hbm>>
        tpu.enqueue_indirect_dma source(%dma_start3A_109 : memref<10112x128xf32, #tpu.memory_space<hbm>>) target(%arg9 : memref<128x128xf32, #tpu.memory_space<vmem>>) offsets(%dma_start3A_106 : memref<128xi32, #tpu.memory_space<vmem>>) semaphore(%arg14 : memref<!tpu.dma_semaphore, #tpu.memory_space<semaphore_mem>>)
        %mul3A_110 = arith.constant 80 : i32
        %mul3A_111 = arith.muli %add3A, %mul3A_110 : i32
        %add3A_112 = arith.addi %mul3A_111, %add3A_79 : i32
        %add3A_113 = arith.constant 2 : i32
        %add3A_114 = arith.addi %add3A_112, %add3A_113 : i32
        %dma_start3A_115 = arith.constant 0 : i32
        %dma_start3A_116 = tpu.memref_slice %arg4[%add3A_114, %dma_start3A_115] : memref<2560x128xi32, #tpu.memory_space<hbm>> -> memref<1x128xi32, #tpu.memory_space<hbm>>
        %dma_start3A_117 = tpu.memref_squeeze %dma_start3A_116 : memref<1x128xi32, #tpu.memory_space<hbm>> -> memref<128xi32, #tpu.memory_space<hbm>>
        %dma_start3A_118 = arith.constant 0 : i32
        %dma_start3A_119 = tpu.memref_slice %arg4[%add3A_114, %dma_start3A_118] : memref<2560x128xi32, #tpu.memory_space<hbm>> -> memref<1x128xi32, #tpu.memory_space<hbm>>
        %dma_start3A_120 = tpu.memref_squeeze %dma_start3A_119 : memref<1x128xi32, #tpu.memory_space<hbm>> -> memref<128xi32, #tpu.memory_space<hbm>>
        tpu.enqueue_dma source(%dma_start3A_120 : memref<128xi32, #tpu.memory_space<hbm>>) target(%arg11 : memref<128xi32, #tpu.memory_space<vmem>>) target_semaphore(%arg16 : memref<!tpu.dma_semaphore, #tpu.memory_space<semaphore_mem>>)
      } else {
      }
    }
    %scan3A_51 = arith.constant 40 : i32
    %barrier3A_52 = arith.constant 0 : index
    tpu.barrier barrier_id(%barrier3A_52)
    "tpu.region"() ({
      %run_scoped3A = tpu.sem_alloc : memref<!tpu.dma_semaphore, #tpu.memory_space<semaphore_mem>>
      %dma_start3A_53 = arith.constant 0 : i32
      %dma_start3A_54 = tpu.memref_slice %arg6[%arg0, %mul3A_2, %dma_start3A_53] : memref<2x10112x128xf32, #tpu.memory_space<hbm>> -> memref<1x632x128xf32, #tpu.memory_space<hbm>>
      %dma_start3A_55 = tpu.memref_squeeze %dma_start3A_54 : memref<1x632x128xf32, #tpu.memory_space<hbm>> -> memref<632x128xf32, #tpu.memory_space<hbm>>
      %dma_start3A_56 = arith.constant 0 : i32
      %dma_start3A_57 = tpu.memref_slice %arg12[%mul3A_2, %dma_start3A_56] : memref<10112x128xf32, #tpu.memory_space<vmem_shared>> -> memref<632x128xf32, #tpu.memory_space<vmem_shared>>
      tpu.enqueue_dma source(%dma_start3A_57 : memref<632x128xf32, #tpu.memory_space<vmem_shared>>) target(%dma_start3A_55 : memref<632x128xf32, #tpu.memory_space<hbm>>) target_semaphore(%run_scoped3A : memref<!tpu.dma_semaphore, #tpu.memory_space<semaphore_mem>>)
      %dma_wait3A = arith.constant 0 : i32
      %dma_wait3A_58 = tpu.memref_slice %arg6[%arg0, %mul3A_2, %dma_wait3A] : memref<2x10112x128xf32, #tpu.memory_space<hbm>> -> memref<1x632x128xf32, #tpu.memory_space<hbm>>
      %dma_wait3A_59 = tpu.memref_squeeze %dma_wait3A_58 : memref<1x632x128xf32, #tpu.memory_space<hbm>> -> memref<632x128xf32, #tpu.memory_space<hbm>>
      %dma_wait3A_60 = arith.constant 0 : i32
      %dma_wait3A_61 = tpu.memref_slice %arg12[%mul3A_2, %dma_wait3A_60] : memref<10112x128xf32, #tpu.memory_space<vmem_shared>> -> memref<632x128xf32, #tpu.memory_space<vmem_shared>>
      tpu.wait_dma2 semaphore(%run_scoped3A : memref<!tpu.dma_semaphore, #tpu.memory_space<semaphore_mem>>) src(%dma_wait3A_61 : memref<632x128xf32, #tpu.memory_space<vmem_shared>>) dst(%dma_wait3A_59 : memref<632x128xf32, #tpu.memory_space<hbm>>)
      tpu.yield
    }) : () -> ()
    return
  }
}

#map = affine_map<(d0, d1) -> (0, 0)>
#map1 = affine_map<(d0, d1) -> (0, 0, 0)>
module attributes {stable_mosaic.version = 14 : i64} {
  func.func @k(%arg0: i32, %arg1: i32, %arg2: memref<10112x128xf32, #tpu.memory_space<hbm>>, %arg3: memref<2560x128xi32, #tpu.memory_space<hbm>>, %arg4: memref<2560x128xi32, #tpu.memory_space<hbm>>, %arg5: memref<128x128xf32, #tpu.memory_space<hbm>>, %arg6: memref<2x10112x128xf32, #tpu.memory_space<hbm>>, %arg7: memref<80x128xi32, #tpu.memory_space<vmem>>, %arg8: memref<128x128xf32, #tpu.memory_space<vmem>>, %arg9: memref<128x128xf32, #tpu.memory_space<vmem>>, %arg10: memref<128xi32, #tpu.memory_space<vmem>>, %arg11: memref<128xi32, #tpu.memory_space<vmem>>, %arg12: memref<10112x128xf32, #tpu.memory_space<vmem_shared>>, %arg13: memref<!tpu.dma_semaphore, #tpu.memory_space<semaphore_mem>>, %arg14: memref<!tpu.dma_semaphore, #tpu.memory_space<semaphore_mem>>, %arg15: memref<!tpu.dma_semaphore, #tpu.memory_space<semaphore_mem>>, %arg16: memref<!tpu.dma_semaphore, #tpu.memory_space<semaphore_mem>>) attributes {dimension_semantics = [#tpu.dimension_semantics<core_parallel>, #tpu.dimension_semantics<subcore_parallel>], iteration_bounds = array<i64: 2, 16>, scalar_prefetch = 0 : i64, scratch_operands = 10 : i64, tpu.core_type = #tpu.core_type<sc_vector_subcore>, window_params = [{transform_indices = #map}, {transform_indices = #map}, {transform_indices = #map}, {transform_indices = #map}, {transform_indices = #map1}]} {
    %mul3A = arith.constant 16 : i32
    %mul3A_0 = arith.muli %arg0, %mul3A : i32
    %add3A = arith.addi %mul3A_0, %arg1 : i32
    %mul3A_1 = arith.constant 632 : i32
    %mul3A_2 = arith.muli %arg1, %mul3A_1 : i32
    %mul3A_3 = arith.constant 80 : i32
    %mul3A_4 = arith.muli %add3A, %mul3A_3 : i32
    "tpu.region"() ({
      %run_scoped3A = tpu.sem_alloc : memref<!tpu.dma_semaphore, #tpu.memory_space<semaphore_mem>>
      %dma_start3A_53 = arith.constant 0 : i32
      %dma_start3A_54 = tpu.memref_slice %arg3[%mul3A_4, %dma_start3A_53] : memref<2560x128xi32, #tpu.memory_space<hbm>> -> memref<80x128xi32, #tpu.memory_space<hbm>>
      %dma_start3A_55 = arith.constant 0 : i32
      %dma_start3A_56 = tpu.memref_slice %arg3[%mul3A_4, %dma_start3A_55] : memref<2560x128xi32, #tpu.memory_space<hbm>> -> memref<80x128xi32, #tpu.memory_space<hbm>>
      tpu.enqueue_dma source(%dma_start3A_56 : memref<80x128xi32, #tpu.memory_space<hbm>>) target(%arg7 : memref<80x128xi32, #tpu.memory_space<vmem>>) target_semaphore(%run_scoped3A : memref<!tpu.dma_semaphore, #tpu.memory_space<semaphore_mem>>)
      %dma_wait3A = arith.constant 0 : i32
      %dma_wait3A_57 = tpu.memref_slice %arg3[%mul3A_4, %dma_wait3A] : memref<2560x128xi32, #tpu.memory_space<hbm>> -> memref<80x128xi32, #tpu.memory_space<hbm>>
      %dma_wait3A_58 = arith.constant 0 : i32
      %dma_wait3A_59 = tpu.memref_slice %arg3[%mul3A_4, %dma_wait3A_58] : memref<2560x128xi32, #tpu.memory_space<hbm>> -> memref<80x128xi32, #tpu.memory_space<hbm>>
      tpu.wait_dma2 semaphore(%run_scoped3A : memref<!tpu.dma_semaphore, #tpu.memory_space<semaphore_mem>>) src(%dma_wait3A_59 : memref<80x128xi32, #tpu.memory_space<hbm>>) dst(%arg7 : memref<80x128xi32, #tpu.memory_space<vmem>>)
      tpu.yield
    }) : () -> ()
    "tpu.region"() ({
      %run_scoped3A = tpu.sem_alloc : memref<!tpu.dma_semaphore, #tpu.memory_space<semaphore_mem>>
      tpu.enqueue_dma source(%arg5 : memref<128x128xf32, #tpu.memory_space<hbm>>) target(%arg8 : memref<128x128xf32, #tpu.memory_space<vmem>>) target_semaphore(%run_scoped3A : memref<!tpu.dma_semaphore, #tpu.memory_space<semaphore_mem>>)
      tpu.wait_dma2 semaphore(%run_scoped3A : memref<!tpu.dma_semaphore, #tpu.memory_space<semaphore_mem>>) src(%arg5 : memref<128x128xf32, #tpu.memory_space<hbm>>) dst(%arg8 : memref<128x128xf32, #tpu.memory_space<vmem>>)
      tpu.yield
    }) : () -> ()
    %scan3A = arith.constant 0 : i32
    %scan3A_5 = arith.constant 0 : i32
    %scan3A_6 = arith.constant 4 : i32
    %scan3A_7 = arith.addi %scan3A_5, %scan3A_6 : i32
    %scan3A_8 = arith.constant 1 : i32
    scf.for %scan3A_53 = %scan3A_5 to %scan3A_7 step %scan3A_8  : i32 {
      %mul3A_54 = arith.constant 128 : i32
      %mul3A_55 = arith.muli %scan3A_53, %mul3A_54 : i32
      %add3A_56 = arith.addi %mul3A_2, %mul3A_55 : i32
      "tpu.region"() ({
        %run_scoped3A = tpu.sem_alloc : memref<!tpu.dma_semaphore, #tpu.memory_space<semaphore_mem>>
        %dma_start3A_57 = arith.constant 0 : i32
        %dma_start3A_58 = tpu.memref_slice %arg12[%add3A_56, %dma_start3A_57] : memref<10112x128xf32, #tpu.memory_space<vmem_shared>> -> memref<128x128xf32, #tpu.memory_space<vmem_shared>>
        %dma_start3A_59 = arith.constant 0 : i32
        %dma_start3A_60 = tpu.memref_slice %arg12[%add3A_56, %dma_start3A_59] : memref<10112x128xf32, #tpu.memory_space<vmem_shared>> -> memref<128x128xf32, #tpu.memory_space<vmem_shared>>
        tpu.enqueue_dma source(%arg8 : memref<128x128xf32, #tpu.memory_space<vmem>>) target(%dma_start3A_60 : memref<128x128xf32, #tpu.memory_space<vmem_shared>>) target_semaphore(%run_scoped3A : memref<!tpu.dma_semaphore, #tpu.memory_space<semaphore_mem>>)
        %dma_wait3A = arith.constant 0 : i32
        %dma_wait3A_61 = tpu.memref_slice %arg12[%add3A_56, %dma_wait3A] : memref<10112x128xf32, #tpu.memory_space<vmem_shared>> -> memref<128x128xf32, #tpu.memory_space<vmem_shared>>
        %dma_wait3A_62 = arith.constant 0 : i32
        %dma_wait3A_63 = tpu.memref_slice %arg12[%add3A_56, %dma_wait3A_62] : memref<10112x128xf32, #tpu.memory_space<vmem_shared>> -> memref<128x128xf32, #tpu.memory_space<vmem_shared>>
        tpu.wait_dma2 semaphore(%run_scoped3A : memref<!tpu.dma_semaphore, #tpu.memory_space<semaphore_mem>>) src(%arg8 : memref<128x128xf32, #tpu.memory_space<vmem>>) dst(%dma_wait3A_63 : memref<128x128xf32, #tpu.memory_space<vmem_shared>>)
        tpu.yield
      }) : () -> ()
    }
    %scan3A_9 = arith.constant 4 : i32
    %add3A_10 = arith.constant 632 : i32
    %add3A_11 = arith.addi %mul3A_2, %add3A_10 : i32
    %sub3A = arith.constant 120 : i32
    %sub3A_12 = arith.subi %add3A_11, %sub3A : i32
    "tpu.region"() ({
      %run_scoped3A = tpu.sem_alloc : memref<!tpu.dma_semaphore, #tpu.memory_space<semaphore_mem>>
      %dma_start3A_53 = arith.constant 0 : i32
      %dma_start3A_54 = arith.constant 0 : i32
      %dma_start3A_55 = tpu.memref_slice %arg8[%dma_start3A_53, %dma_start3A_54] : memref<128x128xf32, #tpu.memory_space<vmem>> -> memref<120x128xf32, #tpu.memory_space<vmem>>
      %dma_start3A_56 = arith.constant 0 : i32
      %dma_start3A_57 = tpu.memref_slice %arg12[%sub3A_12, %dma_start3A_56] : memref<10112x128xf32, #tpu.memory_space<vmem_shared>> -> memref<120x128xf32, #tpu.memory_space<vmem_shared>>
      %dma_start3A_58 = arith.constant 0 : i32
      %dma_start3A_59 = tpu.memref_slice %arg12[%sub3A_12, %dma_start3A_58] : memref<10112x128xf32, #tpu.memory_space<vmem_shared>> -> memref<120x128xf32, #tpu.memory_space<vmem_shared>>
      %dma_start3A_60 = arith.constant 0 : i32
      %dma_start3A_61 = arith.constant 0 : i32
      %dma_start3A_62 = tpu.memref_slice %arg8[%dma_start3A_60, %dma_start3A_61] : memref<128x128xf32, #tpu.memory_space<vmem>> -> memref<120x128xf32, #tpu.memory_space<vmem>>
      tpu.enqueue_dma source(%dma_start3A_62 : memref<120x128xf32, #tpu.memory_space<vmem>>) target(%dma_start3A_59 : memref<120x128xf32, #tpu.memory_space<vmem_shared>>) target_semaphore(%run_scoped3A : memref<!tpu.dma_semaphore, #tpu.memory_space<semaphore_mem>>)
      %dma_wait3A = arith.constant 0 : i32
      %dma_wait3A_63 = arith.constant 0 : i32
      %dma_wait3A_64 = tpu.memref_slice %arg8[%dma_wait3A, %dma_wait3A_63] : memref<128x128xf32, #tpu.memory_space<vmem>> -> memref<120x128xf32, #tpu.memory_space<vmem>>
      %dma_wait3A_65 = arith.constant 0 : i32
      %dma_wait3A_66 = tpu.memref_slice %arg12[%sub3A_12, %dma_wait3A_65] : memref<10112x128xf32, #tpu.memory_space<vmem_shared>> -> memref<120x128xf32, #tpu.memory_space<vmem_shared>>
      %dma_wait3A_67 = arith.constant 0 : i32
      %dma_wait3A_68 = tpu.memref_slice %arg12[%sub3A_12, %dma_wait3A_67] : memref<10112x128xf32, #tpu.memory_space<vmem_shared>> -> memref<120x128xf32, #tpu.memory_space<vmem_shared>>
      %dma_wait3A_69 = arith.constant 0 : i32
      %dma_wait3A_70 = arith.constant 0 : i32
      %dma_wait3A_71 = tpu.memref_slice %arg8[%dma_wait3A_69, %dma_wait3A_70] : memref<128x128xf32, #tpu.memory_space<vmem>> -> memref<120x128xf32, #tpu.memory_space<vmem>>
      tpu.wait_dma2 semaphore(%run_scoped3A : memref<!tpu.dma_semaphore, #tpu.memory_space<semaphore_mem>>) src(%dma_wait3A_71 : memref<120x128xf32, #tpu.memory_space<vmem>>) dst(%dma_wait3A_68 : memref<120x128xf32, #tpu.memory_space<vmem_shared>>)
      tpu.yield
    }) : () -> ()
    %dma_start3A = arith.constant 0 : i32
    %dma_start3A_13 = arith.constant 0 : i32
    %dma_start3A_14 = tpu.memref_slice %arg7[%dma_start3A, %dma_start3A_13] : memref<80x128xi32, #tpu.memory_space<vmem>> -> memref<1x128xi32, #tpu.memory_space<vmem>>
    %dma_start3A_15 = tpu.memref_squeeze %dma_start3A_14 : memref<1x128xi32, #tpu.memory_space<vmem>> -> memref<128xi32, #tpu.memory_space<vmem>>
    %dma_start3A_16 = arith.constant 0 : i32
    %dma_start3A_17 = arith.constant 0 : i32
    %dma_start3A_18 = tpu.memref_slice %arg2[%dma_start3A_16, %dma_start3A_17] : memref<10112x128xf32, #tpu.memory_space<hbm>> -> memref<10112x128xf32, #tpu.memory_space<hbm>>
    tpu.enqueue_indirect_dma source(%dma_start3A_18 : memref<10112x128xf32, #tpu.memory_space<hbm>>) target(%arg8 : memref<128x128xf32, #tpu.memory_space<vmem>>) offsets(%dma_start3A_15 : memref<128xi32, #tpu.memory_space<vmem>>) semaphore(%arg13 : memref<!tpu.dma_semaphore, #tpu.memory_space<semaphore_mem>>)
    %mul3A_19 = arith.constant 80 : i32
    %mul3A_20 = arith.muli %add3A, %mul3A_19 : i32
    %add3A_21 = arith.constant 0 : i32
    %add3A_22 = arith.addi %mul3A_20, %add3A_21 : i32
    %dma_start3A_23 = arith.constant 0 : i32
    %dma_start3A_24 = tpu.memref_slice %arg4[%add3A_22, %dma_start3A_23] : memref<2560x128xi32, #tpu.memory_space<hbm>> -> memref<1x128xi32, #tpu.memory_space<hbm>>
    %dma_start3A_25 = tpu.memref_squeeze %dma_start3A_24 : memref<1x128xi32, #tpu.memory_space<hbm>> -> memref<128xi32, #tpu.memory_space<hbm>>
    %dma_start3A_26 = arith.constant 0 : i32
    %dma_start3A_27 = tpu.memref_slice %arg4[%add3A_22, %dma_start3A_26] : memref<2560x128xi32, #tpu.memory_space<hbm>> -> memref<1x128xi32, #tpu.memory_space<hbm>>
    %dma_start3A_28 = tpu.memref_squeeze %dma_start3A_27 : memref<1x128xi32, #tpu.memory_space<hbm>> -> memref<128xi32, #tpu.memory_space<hbm>>
    tpu.enqueue_dma source(%dma_start3A_28 : memref<128xi32, #tpu.memory_space<hbm>>) target(%arg10 : memref<128xi32, #tpu.memory_space<vmem>>) target_semaphore(%arg15 : memref<!tpu.dma_semaphore, #tpu.memory_space<semaphore_mem>>)
    %dma_start3A_29 = arith.constant 1 : i32
    %dma_start3A_30 = arith.constant 0 : i32
    %dma_start3A_31 = tpu.memref_slice %arg7[%dma_start3A_29, %dma_start3A_30] : memref<80x128xi32, #tpu.memory_space<vmem>> -> memref<1x128xi32, #tpu.memory_space<vmem>>
    %dma_start3A_32 = tpu.memref_squeeze %dma_start3A_31 : memref<1x128xi32, #tpu.memory_space<vmem>> -> memref<128xi32, #tpu.memory_space<vmem>>
    %dma_start3A_33 = arith.constant 0 : i32
    %dma_start3A_34 = arith.constant 0 : i32
    %dma_start3A_35 = tpu.memref_slice %arg2[%dma_start3A_33, %dma_start3A_34] : memref<10112x128xf32, #tpu.memory_space<hbm>> -> memref<10112x128xf32, #tpu.memory_space<hbm>>
    tpu.enqueue_indirect_dma source(%dma_start3A_35 : memref<10112x128xf32, #tpu.memory_space<hbm>>) target(%arg9 : memref<128x128xf32, #tpu.memory_space<vmem>>) offsets(%dma_start3A_32 : memref<128xi32, #tpu.memory_space<vmem>>) semaphore(%arg14 : memref<!tpu.dma_semaphore, #tpu.memory_space<semaphore_mem>>)
    %mul3A_36 = arith.constant 80 : i32
    %mul3A_37 = arith.muli %add3A, %mul3A_36 : i32
    %add3A_38 = arith.constant 1 : i32
    %add3A_39 = arith.addi %mul3A_37, %add3A_38 : i32
    %dma_start3A_40 = arith.constant 0 : i32
    %dma_start3A_41 = tpu.memref_slice %arg4[%add3A_39, %dma_start3A_40] : memref<2560x128xi32, #tpu.memory_space<hbm>> -> memref<1x128xi32, #tpu.memory_space<hbm>>
    %dma_start3A_42 = tpu.memref_squeeze %dma_start3A_41 : memref<1x128xi32, #tpu.memory_space<hbm>> -> memref<128xi32, #tpu.memory_space<hbm>>
    %dma_start3A_43 = arith.constant 0 : i32
    %dma_start3A_44 = tpu.memref_slice %arg4[%add3A_39, %dma_start3A_43] : memref<2560x128xi32, #tpu.memory_space<hbm>> -> memref<1x128xi32, #tpu.memory_space<hbm>>
    %dma_start3A_45 = tpu.memref_squeeze %dma_start3A_44 : memref<1x128xi32, #tpu.memory_space<hbm>> -> memref<128xi32, #tpu.memory_space<hbm>>
    tpu.enqueue_dma source(%dma_start3A_45 : memref<128xi32, #tpu.memory_space<hbm>>) target(%arg11 : memref<128xi32, #tpu.memory_space<vmem>>) target_semaphore(%arg16 : memref<!tpu.dma_semaphore, #tpu.memory_space<semaphore_mem>>)
    %barrier3A = arith.constant 0 : index
    tpu.barrier barrier_id(%barrier3A)
    %scan3A_46 = arith.constant 0 : i32
    %scan3A_47 = arith.constant 0 : i32
    %scan3A_48 = arith.constant 40 : i32
    %scan3A_49 = arith.addi %scan3A_47, %scan3A_48 : i32
    %scan3A_50 = arith.constant 1 : i32
    scf.for %scan3A_53 = %scan3A_47 to %scan3A_49 step %scan3A_50  : i32 {
      %mul3A_54 = arith.constant 2 : i32
      %mul3A_55 = arith.muli %scan3A_53, %mul3A_54 : i32
      %add3A_56 = arith.constant 0 : i32
      %add3A_57 = arith.addi %mul3A_55, %add3A_56 : i32
      %dma_wait3A = arith.constant 0 : i32
      %dma_wait3A_58 = tpu.memref_slice %arg7[%add3A_57, %dma_wait3A] : memref<80x128xi32, #tpu.memory_space<vmem>> -> memref<1x128xi32, #tpu.memory_space<vmem>>
      %dma_wait3A_59 = tpu.memref_squeeze %dma_wait3A_58 : memref<1x128xi32, #tpu.memory_space<vmem>> -> memref<128xi32, #tpu.memory_space<vmem>>
      %dma_wait3A_60 = arith.constant 0 : i32
      %dma_wait3A_61 = arith.constant 0 : i32
      %dma_wait3A_62 = tpu.memref_slice %arg2[%dma_wait3A_60, %dma_wait3A_61] : memref<10112x128xf32, #tpu.memory_space<hbm>> -> memref<10112x128xf32, #tpu.memory_space<hbm>>
      tpu.wait_indirect_dma semaphore(%arg13 : memref<!tpu.dma_semaphore, #tpu.memory_space<semaphore_mem>>) src(%dma_wait3A_62 : memref<10112x128xf32, #tpu.memory_space<hbm>>) dst(%arg8 : memref<128x128xf32, #tpu.memory_space<vmem>>)
      %mul3A_63 = arith.constant 80 : i32
      %mul3A_64 = arith.muli %add3A, %mul3A_63 : i32
      %add3A_65 = arith.addi %mul3A_64, %add3A_57 : i32
      %dma_wait3A_66 = arith.constant 0 : i32
      %dma_wait3A_67 = tpu.memref_slice %arg4[%add3A_65, %dma_wait3A_66] : memref<2560x128xi32, #tpu.memory_space<hbm>> -> memref<1x128xi32, #tpu.memory_space<hbm>>
      %dma_wait3A_68 = tpu.memref_squeeze %dma_wait3A_67 : memref<1x128xi32, #tpu.memory_space<hbm>> -> memref<128xi32, #tpu.memory_space<hbm>>
      %dma_wait3A_69 = arith.constant 0 : i32
      %dma_wait3A_70 = tpu.memref_slice %arg4[%add3A_65, %dma_wait3A_69] : memref<2560x128xi32, #tpu.memory_space<hbm>> -> memref<1x128xi32, #tpu.memory_space<hbm>>
      %dma_wait3A_71 = tpu.memref_squeeze %dma_wait3A_70 : memref<1x128xi32, #tpu.memory_space<hbm>> -> memref<128xi32, #tpu.memory_space<hbm>>
      tpu.wait_dma2 semaphore(%arg15 : memref<!tpu.dma_semaphore, #tpu.memory_space<semaphore_mem>>) src(%dma_wait3A_71 : memref<128xi32, #tpu.memory_space<hbm>>) dst(%arg10 : memref<128xi32, #tpu.memory_space<vmem>>)
      "tpu.region"() ({
        %run_scoped3A = tpu.sem_alloc : memref<!tpu.dma_semaphore, #tpu.memory_space<semaphore_mem>>
        %dma_start3A_102 = arith.constant 0 : i32
        %dma_start3A_103 = arith.constant 0 : i32
        %dma_start3A_104 = tpu.memref_slice %arg12[%dma_start3A_102, %dma_start3A_103] : memref<10112x128xf32, #tpu.memory_space<vmem_shared>> -> memref<10112x128xf32, #tpu.memory_space<vmem_shared>>
        tpu.enqueue_indirect_dma source(%arg8 : memref<128x128xf32, #tpu.memory_space<vmem>>) target(%dma_start3A_104 : memref<10112x128xf32, #tpu.memory_space<vmem_shared>>) offsets(%arg10 : memref<128xi32, #tpu.memory_space<vmem>>) semaphore(%run_scoped3A : memref<!tpu.dma_semaphore, #tpu.memory_space<semaphore_mem>>) {add = true}
        %dma_wait3A_105 = arith.constant 0 : i32
        %dma_wait3A_106 = arith.constant 0 : i32
        %dma_wait3A_107 = tpu.memref_slice %arg12[%dma_wait3A_105, %dma_wait3A_106] : memref<10112x128xf32, #tpu.memory_space<vmem_shared>> -> memref<10112x128xf32, #tpu.memory_space<vmem_shared>>
        tpu.wait_indirect_dma semaphore(%run_scoped3A : memref<!tpu.dma_semaphore, #tpu.memory_space<semaphore_mem>>) src(%arg8 : memref<128x128xf32, #tpu.memory_space<vmem>>) dst(%dma_wait3A_107 : memref<10112x128xf32, #tpu.memory_space<vmem_shared>>)
        tpu.yield
      }) : () -> ()
      %add3A_72 = arith.constant 1 : i32
      %add3A_73 = arith.addi %scan3A_53, %add3A_72 : i32
      %lt3A = arith.constant 40 : i32
      %lt3A_74 = arith.cmpi slt, %add3A_73, %lt3A : i32
      %convert_element_type3A = arith.extui %lt3A_74 : i1 to i32
      %cond3A = arith.constant 0 : i32
      %cond3A_75 = arith.cmpi ne, %convert_element_type3A, %cond3A : i32
      scf.if %cond3A_75 {
        %add3A_102 = arith.constant 2 : i32
        %add3A_103 = arith.addi %add3A_57, %add3A_102 : i32
        %dma_start3A_104 = arith.constant 0 : i32
        %dma_start3A_105 = tpu.memref_slice %arg7[%add3A_103, %dma_start3A_104] : memref<80x128xi32, #tpu.memory_space<vmem>> -> memref<1x128xi32, #tpu.memory_space<vmem>>
        %dma_start3A_106 = tpu.memref_squeeze %dma_start3A_105 : memref<1x128xi32, #tpu.memory_space<vmem>> -> memref<128xi32, #tpu.memory_space<vmem>>
        %dma_start3A_107 = arith.constant 0 : i32
        %dma_start3A_108 = arith.constant 0 : i32
        %dma_start3A_109 = tpu.memref_slice %arg2[%dma_start3A_107, %dma_start3A_108] : memref<10112x128xf32, #tpu.memory_space<hbm>> -> memref<10112x128xf32, #tpu.memory_space<hbm>>
        tpu.enqueue_indirect_dma source(%dma_start3A_109 : memref<10112x128xf32, #tpu.memory_space<hbm>>) target(%arg8 : memref<128x128xf32, #tpu.memory_space<vmem>>) offsets(%dma_start3A_106 : memref<128xi32, #tpu.memory_space<vmem>>) semaphore(%arg13 : memref<!tpu.dma_semaphore, #tpu.memory_space<semaphore_mem>>)
        %mul3A_110 = arith.constant 80 : i32
        %mul3A_111 = arith.muli %add3A, %mul3A_110 : i32
        %add3A_112 = arith.addi %mul3A_111, %add3A_57 : i32
        %add3A_113 = arith.constant 2 : i32
        %add3A_114 = arith.addi %add3A_112, %add3A_113 : i32
        %dma_start3A_115 = arith.constant 0 : i32
        %dma_start3A_116 = tpu.memref_slice %arg4[%add3A_114, %dma_start3A_115] : memref<2560x128xi32, #tpu.memory_space<hbm>> -> memref<1x128xi32, #tpu.memory_space<hbm>>
        %dma_start3A_117 = tpu.memref_squeeze %dma_start3A_116 : memref<1x128xi32, #tpu.memory_space<hbm>> -> memref<128xi32, #tpu.memory_space<hbm>>
        %dma_start3A_118 = arith.constant 0 : i32
        %dma_start3A_119 = tpu.memref_slice %arg4[%add3A_114, %dma_start3A_118] : memref<2560x128xi32, #tpu.memory_space<hbm>> -> memref<1x128xi32, #tpu.memory_space<hbm>>
        %dma_start3A_120 = tpu.memref_squeeze %dma_start3A_119 : memref<1x128xi32, #tpu.memory_space<hbm>> -> memref<128xi32, #tpu.memory_space<hbm>>
        tpu.enqueue_dma source(%dma_start3A_120 : memref<128xi32, #tpu.memory_space<hbm>>) target(%arg10 : memref<128xi32, #tpu.memory_space<vmem>>) target_semaphore(%arg15 : memref<!tpu.dma_semaphore, #tpu.memory_space<semaphore_mem>>)
      } else {
      }
      %mul3A_76 = arith.constant 2 : i32
      %mul3A_77 = arith.muli %scan3A_53, %mul3A_76 : i32
      %add3A_78 = arith.constant 1 : i32
      %add3A_79 = arith.addi %mul3A_77, %add3A_78 : i32
      %dma_wait3A_80 = arith.constant 0 : i32
      %dma_wait3A_81 = tpu.memref_slice %arg7[%add3A_79, %dma_wait3A_80] : memref<80x128xi32, #tpu.memory_space<vmem>> -> memref<1x128xi32, #tpu.memory_space<vmem>>
      %dma_wait3A_82 = tpu.memref_squeeze %dma_wait3A_81 : memref<1x128xi32, #tpu.memory_space<vmem>> -> memref<128xi32, #tpu.memory_space<vmem>>
      %dma_wait3A_83 = arith.constant 0 : i32
      %dma_wait3A_84 = arith.constant 0 : i32
      %dma_wait3A_85 = tpu.memref_slice %arg2[%dma_wait3A_83, %dma_wait3A_84] : memref<10112x128xf32, #tpu.memory_space<hbm>> -> memref<10112x128xf32, #tpu.memory_space<hbm>>
      tpu.wait_indirect_dma semaphore(%arg14 : memref<!tpu.dma_semaphore, #tpu.memory_space<semaphore_mem>>) src(%dma_wait3A_85 : memref<10112x128xf32, #tpu.memory_space<hbm>>) dst(%arg9 : memref<128x128xf32, #tpu.memory_space<vmem>>)
      %mul3A_86 = arith.constant 80 : i32
      %mul3A_87 = arith.muli %add3A, %mul3A_86 : i32
      %add3A_88 = arith.addi %mul3A_87, %add3A_79 : i32
      %dma_wait3A_89 = arith.constant 0 : i32
      %dma_wait3A_90 = tpu.memref_slice %arg4[%add3A_88, %dma_wait3A_89] : memref<2560x128xi32, #tpu.memory_space<hbm>> -> memref<1x128xi32, #tpu.memory_space<hbm>>
      %dma_wait3A_91 = tpu.memref_squeeze %dma_wait3A_90 : memref<1x128xi32, #tpu.memory_space<hbm>> -> memref<128xi32, #tpu.memory_space<hbm>>
      %dma_wait3A_92 = arith.constant 0 : i32
      %dma_wait3A_93 = tpu.memref_slice %arg4[%add3A_88, %dma_wait3A_92] : memref<2560x128xi32, #tpu.memory_space<hbm>> -> memref<1x128xi32, #tpu.memory_space<hbm>>
      %dma_wait3A_94 = tpu.memref_squeeze %dma_wait3A_93 : memref<1x128xi32, #tpu.memory_space<hbm>> -> memref<128xi32, #tpu.memory_space<hbm>>
      tpu.wait_dma2 semaphore(%arg16 : memref<!tpu.dma_semaphore, #tpu.memory_space<semaphore_mem>>) src(%dma_wait3A_94 : memref<128xi32, #tpu.memory_space<hbm>>) dst(%arg11 : memref<128xi32, #tpu.memory_space<vmem>>)
      "tpu.region"() ({
        %run_scoped3A = tpu.sem_alloc : memref<!tpu.dma_semaphore, #tpu.memory_space<semaphore_mem>>
        %dma_start3A_102 = arith.constant 0 : i32
        %dma_start3A_103 = arith.constant 0 : i32
        %dma_start3A_104 = tpu.memref_slice %arg12[%dma_start3A_102, %dma_start3A_103] : memref<10112x128xf32, #tpu.memory_space<vmem_shared>> -> memref<10112x128xf32, #tpu.memory_space<vmem_shared>>
        tpu.enqueue_indirect_dma source(%arg9 : memref<128x128xf32, #tpu.memory_space<vmem>>) target(%dma_start3A_104 : memref<10112x128xf32, #tpu.memory_space<vmem_shared>>) offsets(%arg11 : memref<128xi32, #tpu.memory_space<vmem>>) semaphore(%run_scoped3A : memref<!tpu.dma_semaphore, #tpu.memory_space<semaphore_mem>>) {add = true}
        %dma_wait3A_105 = arith.constant 0 : i32
        %dma_wait3A_106 = arith.constant 0 : i32
        %dma_wait3A_107 = tpu.memref_slice %arg12[%dma_wait3A_105, %dma_wait3A_106] : memref<10112x128xf32, #tpu.memory_space<vmem_shared>> -> memref<10112x128xf32, #tpu.memory_space<vmem_shared>>
        tpu.wait_indirect_dma semaphore(%run_scoped3A : memref<!tpu.dma_semaphore, #tpu.memory_space<semaphore_mem>>) src(%arg9 : memref<128x128xf32, #tpu.memory_space<vmem>>) dst(%dma_wait3A_107 : memref<10112x128xf32, #tpu.memory_space<vmem_shared>>)
        tpu.yield
      }) : () -> ()
      %add3A_95 = arith.constant 1 : i32
      %add3A_96 = arith.addi %scan3A_53, %add3A_95 : i32
      %lt3A_97 = arith.constant 40 : i32
      %lt3A_98 = arith.cmpi slt, %add3A_96, %lt3A_97 : i32
      %convert_element_type3A_99 = arith.extui %lt3A_98 : i1 to i32
      %cond3A_100 = arith.constant 0 : i32
      %cond3A_101 = arith.cmpi ne, %convert_element_type3A_99, %cond3A_100 : i32
      scf.if %cond3A_101 {
        %add3A_102 = arith.constant 2 : i32
        %add3A_103 = arith.addi %add3A_79, %add3A_102 : i32
        %dma_start3A_104 = arith.constant 0 : i32
        %dma_start3A_105 = tpu.memref_slice %arg7[%add3A_103, %dma_start3A_104] : memref<80x128xi32, #tpu.memory_space<vmem>> -> memref<1x128xi32, #tpu.memory_space<vmem>>
        %dma_start3A_106 = tpu.memref_squeeze %dma_start3A_105 : memref<1x128xi32, #tpu.memory_space<vmem>> -> memref<128xi32, #tpu.memory_space<vmem>>
        %dma_start3A_107 = arith.constant 0 : i32
        %dma_start3A_108 = arith.constant 0 : i32
        %dma_start3A_109 = tpu.memref_slice %arg2[%dma_start3A_107, %dma_start3A_108] : memref<10112x128xf32, #tpu.memory_space<hbm>> -> memref<10112x128xf32, #tpu.memory_space<hbm>>
        tpu.enqueue_indirect_dma source(%dma_start3A_109 : memref<10112x128xf32, #tpu.memory_space<hbm>>) target(%arg9 : memref<128x128xf32, #tpu.memory_space<vmem>>) offsets(%dma_start3A_106 : memref<128xi32, #tpu.memory_space<vmem>>) semaphore(%arg14 : memref<!tpu.dma_semaphore, #tpu.memory_space<semaphore_mem>>)
        %mul3A_110 = arith.constant 80 : i32
        %mul3A_111 = arith.muli %add3A, %mul3A_110 : i32
        %add3A_112 = arith.addi %mul3A_111, %add3A_79 : i32
        %add3A_113 = arith.constant 2 : i32
        %add3A_114 = arith.addi %add3A_112, %add3A_113 : i32
        %dma_start3A_115 = arith.constant 0 : i32
        %dma_start3A_116 = tpu.memref_slice %arg4[%add3A_114, %dma_start3A_115] : memref<2560x128xi32, #tpu.memory_space<hbm>> -> memref<1x128xi32, #tpu.memory_space<hbm>>
        %dma_start3A_117 = tpu.memref_squeeze %dma_start3A_116 : memref<1x128xi32, #tpu.memory_space<hbm>> -> memref<128xi32, #tpu.memory_space<hbm>>
        %dma_start3A_118 = arith.constant 0 : i32
        %dma_start3A_119 = tpu.memref_slice %arg4[%add3A_114, %dma_start3A_118] : memref<2560x128xi32, #tpu.memory_space<hbm>> -> memref<1x128xi32, #tpu.memory_space<hbm>>
        %dma_start3A_120 = tpu.memref_squeeze %dma_start3A_119 : memref<1x128xi32, #tpu.memory_space<hbm>> -> memref<128xi32, #tpu.memory_space<hbm>>
        tpu.enqueue_dma source(%dma_start3A_120 : memref<128xi32, #tpu.memory_space<hbm>>) target(%arg11 : memref<128xi32, #tpu.memory_space<vmem>>) target_semaphore(%arg16 : memref<!tpu.dma_semaphore, #tpu.memory_space<semaphore_mem>>)
      } else {
      }
    }
    %scan3A_51 = arith.constant 40 : i32
    %barrier3A_52 = arith.constant 0 : index
    tpu.barrier barrier_id(%barrier3A_52)
    "tpu.region"() ({
      %run_scoped3A = tpu.sem_alloc : memref<!tpu.dma_semaphore, #tpu.memory_space<semaphore_mem>>
      %dma_start3A_53 = arith.constant 0 : i32
      %dma_start3A_54 = tpu.memref_slice %arg6[%arg0, %mul3A_2, %dma_start3A_53] : memref<2x10112x128xf32, #tpu.memory_space<hbm>> -> memref<1x632x128xf32, #tpu.memory_space<hbm>>
      %dma_start3A_55 = tpu.memref_squeeze %dma_start3A_54 : memref<1x632x128xf32, #tpu.memory_space<hbm>> -> memref<632x128xf32, #tpu.memory_space<hbm>>
      %dma_start3A_56 = arith.constant 0 : i32
      %dma_start3A_57 = tpu.memref_slice %arg12[%mul3A_2, %dma_start3A_56] : memref<10112x128xf32, #tpu.memory_space<vmem_shared>> -> memref<632x128xf32, #tpu.memory_space<vmem_shared>>
      tpu.enqueue_dma source(%dma_start3A_57 : memref<632x128xf32, #tpu.memory_space<vmem_shared>>) target(%dma_start3A_55 : memref<632x128xf32, #tpu.memory_space<hbm>>) target_semaphore(%run_scoped3A : memref<!tpu.dma_semaphore, #tpu.memory_space<semaphore_mem>>)
      %dma_wait3A = arith.constant 0 : i32
      %dma_wait3A_58 = tpu.memref_slice %arg6[%arg0, %mul3A_2, %dma_wait3A] : memref<2x10112x128xf32, #tpu.memory_space<hbm>> -> memref<1x632x128xf32, #tpu.memory_space<hbm>>
      %dma_wait3A_59 = tpu.memref_squeeze %dma_wait3A_58 : memref<1x632x128xf32, #tpu.memory_space<hbm>> -> memref<632x128xf32, #tpu.memory_space<hbm>>
      %dma_wait3A_60 = arith.constant 0 : i32
      %dma_wait3A_61 = tpu.memref_slice %arg12[%mul3A_2, %dma_wait3A_60] : memref<10112x128xf32, #tpu.memory_space<vmem_shared>> -> memref<632x128xf32, #tpu.memory_space<vmem_shared>>
      tpu.wait_dma2 semaphore(%run_scoped3A : memref<!tpu.dma_semaphore, #tpu.memory_space<semaphore_mem>>) src(%dma_wait3A_61 : memref<632x128xf32, #tpu.memory_space<vmem_shared>>) dst(%dma_wait3A_59 : memref<632x128xf32, #tpu.memory_space<hbm>>)
      tpu.yield
    }) : () -> ()
    return
  }
}

module attributes {stable_mosaic.version = 14 : i64} {
  func.func @_kdinv_body(%arg0: i32, %arg1: memref<1264x128xf32, #tpu.memory_space<vmem>>, %arg2: memref<1264x128xf32, #tpu.memory_space<vmem>>, %arg3: memref<1264x1xf32, #tpu.memory_space<vmem>>) attributes {dimension_semantics = [#tpu.dimension_semantics<arbitrary>], iteration_bounds = array<i64: 8>, scalar_prefetch = 0 : i64, scratch_operands = 0 : i64, tpu.core_type = #tpu.core_type<tc>, window_params = [{transform_indices = @transform_0, window_bounds = array<i64: 1264, 128>}, {transform_indices = @transform_1, window_bounds = array<i64: 1264, 128>}, {transform_indices = @transform_2, window_bounds = array<i64: 1264, 1>}]} {
    %get3A = arith.constant 0 : index
    %get3A_0 = arith.constant 0 : index
    %get3A_1 = vector.load %arg1[%get3A, %get3A_0] : memref<1264x128xf32, #tpu.memory_space<vmem>>, vector<1264x1xf32>
    %get3A_2 = arith.constant 0 : index
    %get3A_3 = arith.constant 0 : index
    %get3A_4 = vector.load %arg2[%get3A_2, %get3A_3] : memref<1264x128xf32, #tpu.memory_space<vmem>>, vector<1264x1xf32>
    %add3A = arith.addf %get3A_1, %get3A_4 : vector<1264x1xf32>
    %add3A_5 = arith.constant 2.000000e+00 : f32
    %add3A_6 = vector.broadcast %add3A_5 : f32 to vector<1264x1xf32>
    %add3A_7 = arith.addf %add3A, %add3A_6 : vector<1264x1xf32>
    %rsqrt3A = math.rsqrt %add3A_7 : vector<1264x1xf32>
    %mul3A = arith.constant 5.000000e-01 : f32
    %mul3A_8 = vector.broadcast %mul3A : f32 to vector<1264x1xf32>
    %mul3A_9 = arith.mulf %mul3A_8, %add3A_7 : vector<1264x1xf32>
    %mul3A_10 = arith.mulf %mul3A_9, %rsqrt3A : vector<1264x1xf32>
    %mul3A_11 = arith.mulf %mul3A_10, %rsqrt3A : vector<1264x1xf32>
    %sub3A = arith.constant 1.500000e+00 : f32
    %sub3A_12 = vector.broadcast %sub3A : f32 to vector<1264x1xf32>
    %sub3A_13 = arith.subf %sub3A_12, %mul3A_11 : vector<1264x1xf32>
    %mul3A_14 = arith.mulf %rsqrt3A, %sub3A_13 : vector<1264x1xf32>
    %mul3A_15 = arith.constant 5.000000e-01 : f32
    %mul3A_16 = vector.broadcast %mul3A_15 : f32 to vector<1264x1xf32>
    %mul3A_17 = arith.mulf %mul3A_16, %add3A_7 : vector<1264x1xf32>
    %mul3A_18 = arith.mulf %mul3A_17, %mul3A_14 : vector<1264x1xf32>
    %mul3A_19 = arith.mulf %mul3A_18, %mul3A_14 : vector<1264x1xf32>
    %sub3A_20 = arith.constant 1.500000e+00 : f32
    %sub3A_21 = vector.broadcast %sub3A_20 : f32 to vector<1264x1xf32>
    %sub3A_22 = arith.subf %sub3A_21, %mul3A_19 : vector<1264x1xf32>
    %mul3A_23 = arith.mulf %mul3A_14, %sub3A_22 : vector<1264x1xf32>
    %swap3A = arith.constant 0 : index
    %swap3A_24 = arith.constant 0 : index
    %swap3A_25 = vector.load %arg3[%swap3A, %swap3A_24] : memref<1264x1xf32, #tpu.memory_space<vmem>>, vector<1264x1xf32>
    tpu.vector_store %arg3[%swap3A, %swap3A_24], %mul3A_23 {strides = array<i32>} : memref<1264x1xf32, #tpu.memory_space<vmem>>, vector<1264x1xf32>,
    return
  }
  func.func @transform_0(%arg0: i32) -> (i32, i32) {
    %c0_i32 = arith.constant 0 : i32
    %c0_i32_0 = arith.constant 0 : i32
    return %arg0, %c0_i32 : i32, i32
  }
  func.func @transform_1(%arg0: i32) -> (i32, i32) {
    %c0_i32 = arith.constant 0 : i32
    %c0_i32_0 = arith.constant 0 : i32
    return %arg0, %c0_i32 : i32, i32
  }
  func.func @transform_2(%arg0: i32) -> (i32, i32) {
    %c0_i32 = arith.constant 0 : i32
    %c0_i32_0 = arith.constant 0 : i32
    return %arg0, %c0_i32 : i32, i32
  }
}

module attributes {stable_mosaic.version = 14 : i64} {
  func.func @_k1_body(%arg0: i32, %arg1: memref<1264x128xf32, #tpu.memory_space<vmem>>, %arg2: memref<128x128xf32, #tpu.memory_space<vmem>>, %arg3: memref<128x128xf32, #tpu.memory_space<vmem>>, %arg4: memref<1264x1xf32, #tpu.memory_space<vmem>>, %arg5: memref<1264x128xf32, #tpu.memory_space<vmem>>, %arg6: memref<1264x128xf32, #tpu.memory_space<vmem>>, %arg7: memref<1264x128xf32, #tpu.memory_space<vmem>>) attributes {dimension_semantics = [#tpu.dimension_semantics<arbitrary>], iteration_bounds = array<i64: 8>, scalar_prefetch = 0 : i64, scratch_operands = 0 : i64, tpu.core_type = #tpu.core_type<tc>, window_params = [{transform_indices = @transform_0, window_bounds = array<i64: 1264, 128>}, {pipeline_mode = #tpu.pipeline_mode<synchronous>, transform_indices = @transform_1, window_bounds = array<i64: 128, 128>}, {pipeline_mode = #tpu.pipeline_mode<synchronous>, transform_indices = @transform_2, window_bounds = array<i64: 128, 128>}, {transform_indices = @transform_3, window_bounds = array<i64: 1264, 1>}, {transform_indices = @transform_4, window_bounds = array<i64: 1264, 128>}, {transform_indices = @transform_5, window_bounds = array<i64: 1264, 128>}, {transform_indices = @transform_6, window_bounds = array<i64: 1264, 128>}]} {
    %get3A = arith.constant 0 : index
    %get3A_0 = arith.constant 0 : index
    %get3A_1 = vector.load %arg1[%get3A, %get3A_0] : memref<1264x128xf32, #tpu.memory_space<vmem>>, vector<1264x128xf32>
    %get3A_2 = arith.constant 0 : index
    %get3A_3 = arith.constant 0 : index
    %get3A_4 = vector.load %arg2[%get3A_2, %get3A_3] : memref<128x128xf32, #tpu.memory_space<vmem>>, vector<128x128xf32>
    %dot_general3A = arith.constant dense<0.000000e+00> : vector<1264x128xf32>
    %dot_general3A_5 = tpu.matmul %get3A_1, %get3A_4, %dot_general3A {dimension_numbers = #tpu.dot_dimension_numbers<[1], [0], [0], [1], [0, 0, 1, 1], [], []>, transpose_lhs_hint = false} : vector<1264x128xf32>, vector<128x128xf32>, vector<1264x128xf32> -> vector<1264x128xf32>
    %get3A_6 = arith.constant 0 : index
    %get3A_7 = arith.constant 0 : index
    %get3A_8 = vector.load %arg3[%get3A_6, %get3A_7] : memref<128x128xf32, #tpu.memory_space<vmem>>, vector<128x128xf32>
    %dot_general3A_9 = arith.constant dense<0.000000e+00> : vector<1264x128xf32>
    %dot_general3A_10 = tpu.matmul %get3A_1, %get3A_8, %dot_general3A_9 {dimension_numbers = #tpu.dot_dimension_numbers<[1], [0], [0], [1], [0, 0, 1, 1], [], []>, transpose_lhs_hint = false} : vector<1264x128xf32>, vector<128x128xf32>, vector<1264x128xf32> -> vector<1264x128xf32>
    %get3A_11 = arith.constant 0 : index
    %get3A_12 = arith.constant 0 : index
    %get3A_13 = vector.load %arg4[%get3A_11, %get3A_12] : memref<1264x1xf32, #tpu.memory_space<vmem>>, vector<1264x1xf32>
    %mul3A = vector.broadcast %get3A_13 : vector<1264x1xf32> to vector<1264x128xf32>
    %mul3A_14 = arith.mulf %dot_general3A_5, %mul3A : vector<1264x128xf32>
    %swap3A = arith.constant 0 : index
    %swap3A_15 = arith.constant 0 : index
    %swap3A_16 = vector.load %arg5[%swap3A, %swap3A_15] : memref<1264x128xf32, #tpu.memory_space<vmem>>, vector<1264x128xf32>
    tpu.vector_store %arg5[%swap3A, %swap3A_15], %mul3A_14 {strides = array<i32>} : memref<1264x128xf32, #tpu.memory_space<vmem>>, vector<1264x128xf32>,
    %mul3A_17 = arith.constant 2.000000e+00 : f32
    %mul3A_18 = vector.broadcast %mul3A_17 : f32 to vector<1264x1xf32>
    %mul3A_19 = arith.mulf %mul3A_18, %get3A_13 : vector<1264x1xf32>
    %mul3A_20 = arith.mulf %mul3A_19, %get3A_13 : vector<1264x1xf32>
    %mul3A_21 = vector.broadcast %mul3A_20 : vector<1264x1xf32> to vector<1264x128xf32>
    %mul3A_22 = arith.mulf %dot_general3A_5, %mul3A_21 : vector<1264x128xf32>
    %swap3A_23 = arith.constant 0 : index
    %swap3A_24 = arith.constant 0 : index
    %swap3A_25 = vector.load %arg6[%swap3A_23, %swap3A_24] : memref<1264x128xf32, #tpu.memory_space<vmem>>, vector<1264x128xf32>
    tpu.vector_store %arg6[%swap3A_23, %swap3A_24], %mul3A_22 {strides = array<i32>} : memref<1264x128xf32, #tpu.memory_space<vmem>>, vector<1264x128xf32>,
    %swap3A_26 = arith.constant 0 : index
    %swap3A_27 = arith.constant 0 : index
    %swap3A_28 = vector.load %arg7[%swap3A_26, %swap3A_27] : memref<1264x128xf32, #tpu.memory_space<vmem>>, vector<1264x128xf32>
    tpu.vector_store %arg7[%swap3A_26, %swap3A_27], %dot_general3A_10 {strides = array<i32>} : memref<1264x128xf32, #tpu.memory_space<vmem>>, vector<1264x128xf32>,
    return
  }
  func.func @transform_0(%arg0: i32) -> (i32, i32) {
    %c0_i32 = arith.constant 0 : i32
    %c0_i32_0 = arith.constant 0 : i32
    return %arg0, %c0_i32 : i32, i32
  }
  func.func @transform_1(%arg0: i32) -> (i32, i32) {
    %c0_i32 = arith.constant 0 : i32
    %c0_i32_0 = arith.constant 0 : i32
    %c0_i32_1 = arith.constant 0 : i32
    return %c0_i32, %c0_i32_0 : i32, i32
  }
  func.func @transform_2(%arg0: i32) -> (i32, i32) {
    %c0_i32 = arith.constant 0 : i32
    %c0_i32_0 = arith.constant 0 : i32
    %c0_i32_1 = arith.constant 0 : i32
    return %c0_i32, %c0_i32_0 : i32, i32
  }
  func.func @transform_3(%arg0: i32) -> (i32, i32) {
    %c0_i32 = arith.constant 0 : i32
    %c0_i32_0 = arith.constant 0 : i32
    return %arg0, %c0_i32 : i32, i32
  }
  func.func @transform_4(%arg0: i32) -> (i32, i32) {
    %c0_i32 = arith.constant 0 : i32
    %c0_i32_0 = arith.constant 0 : i32
    return %arg0, %c0_i32 : i32, i32
  }
  func.func @transform_5(%arg0: i32) -> (i32, i32) {
    %c0_i32 = arith.constant 0 : i32
    %c0_i32_0 = arith.constant 0 : i32
    return %arg0, %c0_i32 : i32, i32
  }
  func.func @transform_6(%arg0: i32) -> (i32, i32) {
    %c0_i32 = arith.constant 0 : i32
    %c0_i32_0 = arith.constant 0 : i32
    return %arg0, %c0_i32 : i32, i32
  }
}

module attributes {stable_mosaic.version = 14 : i64} {
  func.func @_k2a_body(%arg0: i32, %arg1: memref<1264x128xf32, #tpu.memory_space<vmem>>, %arg2: memref<1264x128xf32, #tpu.memory_space<vmem>>, %arg3: memref<1264x128xf32, #tpu.memory_space<vmem>>, %arg4: memref<1x128xf32, #tpu.memory_space<vmem>>, %arg5: memref<1264x1xf32, #tpu.memory_space<vmem>>, %arg6: memref<1264x128xf32, #tpu.memory_space<vmem>>, %arg7: memref<8x128xf32, #tpu.memory_space<vmem>>) attributes {dimension_semantics = [#tpu.dimension_semantics<arbitrary>], iteration_bounds = array<i64: 8>, scalar_prefetch = 0 : i64, scratch_operands = 0 : i64, tpu.core_type = #tpu.core_type<tc>, window_params = [{transform_indices = @transform_0, window_bounds = array<i64: 1264, 128>}, {transform_indices = @transform_1, window_bounds = array<i64: 1264, 128>}, {transform_indices = @transform_2, window_bounds = array<i64: 1264, 128>}, {pipeline_mode = #tpu.pipeline_mode<synchronous>, transform_indices = @transform_3, window_bounds = array<i64: 1, 128>}, {transform_indices = @transform_4, window_bounds = array<i64: 1264, 1>}, {transform_indices = @transform_5, window_bounds = array<i64: 1264, 128>}, {pipeline_mode = #tpu.pipeline_mode<synchronous>, transform_indices = @transform_6, window_bounds = array<i64: 8, 128>}]} {
    %get3A = arith.constant 0 : index
    %get3A_0 = arith.constant 0 : index
    %get3A_1 = vector.load %arg5[%get3A, %get3A_0] : memref<1264x1xf32, #tpu.memory_space<vmem>>, vector<1264x1xf32>
    %get3A_2 = arith.constant 0 : index
    %get3A_3 = arith.constant 0 : index
    %get3A_4 = vector.load %arg1[%get3A_2, %get3A_3] : memref<1264x128xf32, #tpu.memory_space<vmem>>, vector<1264x128xf32>
    %get3A_5 = arith.constant 0 : index
    %get3A_6 = arith.constant 0 : index
    %get3A_7 = vector.load %arg2[%get3A_5, %get3A_6] : memref<1264x128xf32, #tpu.memory_space<vmem>>, vector<1264x128xf32>
    %add3A = arith.addf %get3A_4, %get3A_7 : vector<1264x128xf32>
    %mul3A = vector.broadcast %get3A_1 : vector<1264x1xf32> to vector<1264x128xf32>
    %mul3A_8 = arith.mulf %mul3A, %add3A : vector<1264x128xf32>
    %get3A_9 = arith.constant 0 : index
    %get3A_10 = arith.constant 0 : index
    %get3A_11 = vector.load %arg3[%get3A_9, %get3A_10] : memref<1264x128xf32, #tpu.memory_space<vmem>>, vector<1264x128xf32>
    %add3A_12 = arith.addf %mul3A_8, %get3A_11 : vector<1264x128xf32>
    %get3A_13 = arith.constant 0 : index
    %get3A_14 = arith.constant 0 : index
    %get3A_15 = vector.load %arg4[%get3A_13, %get3A_14] : memref<1x128xf32, #tpu.memory_space<vmem>>, vector<1x128xf32>
    %add3A_16 = vector.broadcast %get3A_15 : vector<1x128xf32> to vector<1264x128xf32>
    %add3A_17 = arith.addf %add3A_12, %add3A_16 : vector<1264x128xf32>
    %swap3A = arith.constant 0 : index
    %swap3A_18 = arith.constant 0 : index
    %swap3A_19 = vector.load %arg6[%swap3A, %swap3A_18] : memref<1264x128xf32, #tpu.memory_space<vmem>>, vector<1264x128xf32>
    tpu.vector_store %arg6[%swap3A, %swap3A_18], %add3A_17 {strides = array<i32>} : memref<1264x128xf32, #tpu.memory_space<vmem>>, vector<1264x128xf32>,
    %iota3A = tpu.iota {dimensions = array<i32: 0>} : vector<1264x1xi32>
    %mul3A_20 = arith.constant 1264 : i32
    %mul3A_21 = arith.muli %arg0, %mul3A_20 : i32
    %add3A_22 = vector.broadcast %mul3A_21 : i32 to vector<1264x1xi32>
    %add3A_23 = arith.addi %iota3A, %add3A_22 : vector<1264x1xi32>
    %lt3A = arith.constant 10000 : i32
    %lt3A_24 = vector.broadcast %lt3A : i32 to vector<1264x1xi32>
    %lt3A_25 = arith.cmpi slt, %add3A_23, %lt3A_24 : vector<1264x1xi32>
    %convert_element_type3A = arith.extui %lt3A_25 : vector<1264x1xi1> to vector<1264x1xi32>
    %convert_element_type3A_26 = arith.sitofp %convert_element_type3A : vector<1264x1xi32> to vector<1264x1xf32>
    %mul3A_27 = vector.broadcast %convert_element_type3A_26 : vector<1264x1xf32> to vector<1264x128xf32>
    %mul3A_28 = arith.mulf %add3A_17, %mul3A_27 : vector<1264x128xf32>
    %eq3A = arith.constant 0 : i32
    %eq3A_29 = arith.cmpi eq, %arg0, %eq3A : i32
    %convert_element_type3A_30 = arith.extui %eq3A_29 : i1 to i32
    %cond3A = arith.constant 0 : i32
    %cond3A_31 = arith.cmpi ne, %convert_element_type3A_30, %cond3A : i32
    scf.if %cond3A_31 {
      %broadcast_in_dim3A_51 = arith.constant 0.000000e+00 : f32
      %broadcast_in_dim3A_52 = vector.broadcast %broadcast_in_dim3A_51 : f32 to vector<8x128xf32>
      %swap3A_53 = arith.constant 0 : index
      %swap3A_54 = arith.constant 0 : index
      %swap3A_55 = vector.load %arg7[%swap3A_53, %swap3A_54] : memref<8x128xf32, #tpu.memory_space<vmem>>, vector<8x128xf32>
      tpu.vector_store %arg7[%swap3A_53, %swap3A_54], %broadcast_in_dim3A_52 {strides = array<i32>} : memref<8x128xf32, #tpu.memory_space<vmem>>, vector<8x128xf32>,
    } else {
    }
    %get3A_32 = arith.constant 0 : index
    %get3A_33 = arith.constant 0 : index
    %get3A_34 = vector.load %arg7[%get3A_32, %get3A_33] : memref<8x128xf32, #tpu.memory_space<vmem>>, vector<1x128xf32>
    %reduce_sum3A = arith.constant dense<0.000000e+00> : vector<128xf32>
    %reduce_sum3A_35 = vector.multi_reduction <add>, %mul3A_28, %reduce_sum3A [0] : vector<1264x128xf32> to vector<128xf32>
    %broadcast_in_dim3A = vector.shape_cast %reduce_sum3A_35 : vector<128xf32> to vector<1x128xf32>
    %add3A_36 = arith.addf %get3A_34, %broadcast_in_dim3A : vector<1x128xf32>
    %swap3A_37 = arith.constant 0 : index
    %swap3A_38 = arith.constant 0 : index
    %swap3A_39 = vector.load %arg7[%swap3A_37, %swap3A_38] : memref<8x128xf32, #tpu.memory_space<vmem>>, vector<1x128xf32>
    tpu.vector_store %arg7[%swap3A_37, %swap3A_38], %add3A_36 {strides = array<i32>} : memref<8x128xf32, #tpu.memory_space<vmem>>, vector<1x128xf32>,
    %get3A_40 = arith.constant 1 : index
    %get3A_41 = arith.constant 0 : index
    %get3A_42 = vector.load %arg7[%get3A_40, %get3A_41] : memref<8x128xf32, #tpu.memory_space<vmem>>, vector<1x128xf32>
    %mul3A_43 = arith.mulf %add3A_17, %mul3A_28 : vector<1264x128xf32>
    %reduce_sum3A_44 = arith.constant dense<0.000000e+00> : vector<128xf32>
    %reduce_sum3A_45 = vector.multi_reduction <add>, %mul3A_43, %reduce_sum3A_44 [0] : vector<1264x128xf32> to vector<128xf32>
    %broadcast_in_dim3A_46 = vector.shape_cast %reduce_sum3A_45 : vector<128xf32> to vector<1x128xf32>
    %add3A_47 = arith.addf %get3A_42, %broadcast_in_dim3A_46 : vector<1x128xf32>
    %swap3A_48 = arith.constant 1 : index
    %swap3A_49 = arith.constant 0 : index
    %swap3A_50 = vector.load %arg7[%swap3A_48, %swap3A_49] : memref<8x128xf32, #tpu.memory_space<vmem>>, vector<1x128xf32>
    tpu.vector_store %arg7[%swap3A_48, %swap3A_49], %add3A_47 {strides = array<i32>} : memref<8x128xf32, #tpu.memory_space<vmem>>, vector<1x128xf32>,
    return
  }
  func.func @transform_0(%arg0: i32) -> (i32, i32) {
    %c0_i32 = arith.constant 0 : i32
    %c0_i32_0 = arith.constant 0 : i32
    return %arg0, %c0_i32 : i32, i32
  }
  func.func @transform_1(%arg0: i32) -> (i32, i32) {
    %c0_i32 = arith.constant 0 : i32
    %c0_i32_0 = arith.constant 0 : i32
    return %arg0, %c0_i32 : i32, i32
  }
  func.func @transform_2(%arg0: i32) -> (i32, i32) {
    %c0_i32 = arith.constant 0 : i32
    %c0_i32_0 = arith.constant 0 : i32
    return %arg0, %c0_i32 : i32, i32
  }
  func.func @transform_3(%arg0: i32) -> (i32, i32) {
    %c0_i32 = arith.constant 0 : i32
    %c0_i32_0 = arith.constant 0 : i32
    %c0_i32_1 = arith.constant 0 : i32
    return %c0_i32, %c0_i32_0 : i32, i32
  }
  func.func @transform_4(%arg0: i32) -> (i32, i32) {
    %c0_i32 = arith.constant 0 : i32
    %c0_i32_0 = arith.constant 0 : i32
    return %arg0, %c0_i32 : i32, i32
  }
  func.func @transform_5(%arg0: i32) -> (i32, i32) {
    %c0_i32 = arith.constant 0 : i32
    %c0_i32_0 = arith.constant 0 : i32
    return %arg0, %c0_i32 : i32, i32
  }
  func.func @transform_6(%arg0: i32) -> (i32, i32) {
    %c0_i32 = arith.constant 0 : i32
    %c0_i32_0 = arith.constant 0 : i32
    %c0_i32_1 = arith.constant 0 : i32
    return %c0_i32, %c0_i32_0 : i32, i32
  }
}

module attributes {stable_mosaic.version = 14 : i64} {
  func.func @_k2b_body(%arg0: i32, %arg1: memref<1264x128xf32, #tpu.memory_space<vmem>>, %arg2: memref<8x128xf32, #tpu.memory_space<vmem>>, %arg3: memref<1264x128xf32, #tpu.memory_space<vmem>>, %arg4: memref<1x128xf32, #tpu.memory_space<vmem>>, %arg5: memref<1x128xf32, #tpu.memory_space<vmem>>, %arg6: memref<1x128xf32, #tpu.memory_space<vmem>>, %arg7: memref<1x128xf32, #tpu.memory_space<vmem>>, %arg8: memref<1x128xf32, #tpu.memory_space<vmem>>, %arg9: memref<1264x128xf32, #tpu.memory_space<vmem>>) attributes {dimension_semantics = [#tpu.dimension_semantics<arbitrary>], iteration_bounds = array<i64: 8>, scalar_prefetch = 0 : i64, scratch_operands = 0 : i64, tpu.core_type = #tpu.core_type<tc>, window_params = [{transform_indices = @transform_0, window_bounds = array<i64: 1264, 128>}, {pipeline_mode = #tpu.pipeline_mode<synchronous>, transform_indices = @transform_1, window_bounds = array<i64: 8, 128>}, {transform_indices = @transform_2, window_bounds = array<i64: 1264, 128>}, {pipeline_mode = #tpu.pipeline_mode<synchronous>, transform_indices = @transform_3, window_bounds = array<i64: 1, 128>}, {pipeline_mode = #tpu.pipeline_mode<synchronous>, transform_indices = @transform_4, window_bounds = array<i64: 1, 128>}, {pipeline_mode = #tpu.pipeline_mode<synchronous>, transform_indices = @transform_5, window_bounds = array<i64: 1, 128>}, {pipeline_mode = #tpu.pipeline_mode<synchronous>, transform_indices = @transform_6, window_bounds = array<i64: 1, 128>}, {pipeline_mode = #tpu.pipeline_mode<synchronous>, transform_indices = @transform_7, window_bounds = array<i64: 1, 128>}, {transform_indices = @transform_8, window_bounds = array<i64: 1264, 128>}]} {
    %get3A = arith.constant 0 : index
    %get3A_0 = arith.constant 0 : index
    %get3A_1 = vector.load %arg2[%get3A, %get3A_0] : memref<8x128xf32, #tpu.memory_space<vmem>>, vector<1x128xf32>
    %mul3A = arith.constant 9.99999974E-5 : f32
    %mul3A_2 = vector.broadcast %mul3A : f32 to vector<1x128xf32>
    %mul3A_3 = arith.mulf %get3A_1, %mul3A_2 : vector<1x128xf32>
    %get3A_4 = arith.constant 1 : index
    %get3A_5 = arith.constant 0 : index
    %get3A_6 = vector.load %arg2[%get3A_4, %get3A_5] : memref<8x128xf32, #tpu.memory_space<vmem>>, vector<1x128xf32>
    %mul3A_7 = arith.constant 9.99999974E-5 : f32
    %mul3A_8 = vector.broadcast %mul3A_7 : f32 to vector<1x128xf32>
    %mul3A_9 = arith.mulf %get3A_6, %mul3A_8 : vector<1x128xf32>
    %mul3A_10 = arith.mulf %mul3A_3, %mul3A_3 : vector<1x128xf32>
    %sub3A = arith.subf %mul3A_9, %mul3A_10 : vector<1x128xf32>
    %get3A_11 = arith.constant 0 : index
    %get3A_12 = arith.constant 0 : index
    %get3A_13 = vector.load %arg1[%get3A_11, %get3A_12] : memref<1264x128xf32, #tpu.memory_space<vmem>>, vector<1264x128xf32>
    %sub3A_14 = vector.broadcast %mul3A_3 : vector<1x128xf32> to vector<1264x128xf32>
    %sub3A_15 = arith.subf %get3A_13, %sub3A_14 : vector<1264x128xf32>
    %add3A = arith.constant 9.99999974E-6 : f32
    %add3A_16 = vector.broadcast %add3A : f32 to vector<1x128xf32>
    %add3A_17 = arith.addf %sub3A, %add3A_16 : vector<1x128xf32>
    %rsqrt3A = math.rsqrt %add3A_17 : vector<1x128xf32>
    %mul3A_18 = arith.constant 5.000000e-01 : f32
    %mul3A_19 = vector.broadcast %mul3A_18 : f32 to vector<1x128xf32>
    %mul3A_20 = arith.mulf %mul3A_19, %add3A_17 : vector<1x128xf32>
    %mul3A_21 = arith.mulf %mul3A_20, %rsqrt3A : vector<1x128xf32>
    %mul3A_22 = arith.mulf %mul3A_21, %rsqrt3A : vector<1x128xf32>
    %sub3A_23 = arith.constant 1.500000e+00 : f32
    %sub3A_24 = vector.broadcast %sub3A_23 : f32 to vector<1x128xf32>
    %sub3A_25 = arith.subf %sub3A_24, %mul3A_22 : vector<1x128xf32>
    %mul3A_26 = arith.mulf %rsqrt3A, %sub3A_25 : vector<1x128xf32>
    %mul3A_27 = arith.constant 5.000000e-01 : f32
    %mul3A_28 = vector.broadcast %mul3A_27 : f32 to vector<1x128xf32>
    %mul3A_29 = arith.mulf %mul3A_28, %add3A_17 : vector<1x128xf32>
    %mul3A_30 = arith.mulf %mul3A_29, %mul3A_26 : vector<1x128xf32>
    %mul3A_31 = arith.mulf %mul3A_30, %mul3A_26 : vector<1x128xf32>
    %sub3A_32 = arith.constant 1.500000e+00 : f32
    %sub3A_33 = vector.broadcast %sub3A_32 : f32 to vector<1x128xf32>
    %sub3A_34 = arith.subf %sub3A_33, %mul3A_31 : vector<1x128xf32>
    %mul3A_35 = arith.mulf %mul3A_26, %sub3A_34 : vector<1x128xf32>
    %mul3A_36 = vector.broadcast %mul3A_35 : vector<1x128xf32> to vector<1264x128xf32>
    %mul3A_37 = arith.mulf %sub3A_15, %mul3A_36 : vector<1264x128xf32>
    %get3A_38 = arith.constant 0 : index
    %get3A_39 = arith.constant 0 : index
    %get3A_40 = vector.load %arg4[%get3A_38, %get3A_39] : memref<1x128xf32, #tpu.memory_space<vmem>>, vector<1x128xf32>
    %mul3A_41 = vector.broadcast %get3A_40 : vector<1x128xf32> to vector<1264x128xf32>
    %mul3A_42 = arith.mulf %mul3A_37, %mul3A_41 : vector<1264x128xf32>
    %get3A_43 = arith.constant 0 : index
    %get3A_44 = arith.constant 0 : index
    %get3A_45 = vector.load %arg5[%get3A_43, %get3A_44] : memref<1x128xf32, #tpu.memory_space<vmem>>, vector<1x128xf32>
    %add3A_46 = vector.broadcast %get3A_45 : vector<1x128xf32> to vector<1264x128xf32>
    %add3A_47 = arith.addf %mul3A_42, %add3A_46 : vector<1264x128xf32>
    %get3A_48 = arith.constant 0 : index
    %get3A_49 = arith.constant 0 : index
    %get3A_50 = vector.load %arg3[%get3A_48, %get3A_49] : memref<1264x128xf32, #tpu.memory_space<vmem>>, vector<1264x128xf32>
    %add3A_51 = arith.addf %add3A_47, %get3A_50 : vector<1264x128xf32>
    %get3A_52 = arith.constant 0 : index
    %get3A_53 = arith.constant 0 : index
    %get3A_54 = vector.load %arg6[%get3A_52, %get3A_53] : memref<1x128xf32, #tpu.memory_space<vmem>>, vector<1x128xf32>
    %add3A_55 = vector.broadcast %get3A_54 : vector<1x128xf32> to vector<1264x128xf32>
    %add3A_56 = arith.addf %add3A_51, %add3A_55 : vector<1264x128xf32>
    %max3A = arith.constant 0.000000e+00 : f32
    %max3A_57 = vector.broadcast %max3A : f32 to vector<1264x128xf32>
    %max3A_58 = arith.maximumf %add3A_56, %max3A_57 : vector<1264x128xf32>
    %reduce_sum3A = arith.constant dense<0.000000e+00> : vector<1264xf32>
    %reduce_sum3A_59 = vector.multi_reduction <add>, %max3A_58, %reduce_sum3A [1] : vector<1264x128xf32> to vector<1264xf32>
    %broadcast_in_dim3A = vector.shape_cast %reduce_sum3A_59 : vector<1264xf32> to vector<1264x1xf32>
    %div3A = arith.constant 1.280000e+02 : f32
    %div3A_60 = vector.broadcast %div3A : f32 to vector<1264x1xf32>
    %div3A_61 = arith.divf %broadcast_in_dim3A, %div3A_60 : vector<1264x1xf32>
    %mul3A_62 = arith.mulf %max3A_58, %max3A_58 : vector<1264x128xf32>
    %reduce_sum3A_63 = arith.constant dense<0.000000e+00> : vector<1264xf32>
    %reduce_sum3A_64 = vector.multi_reduction <add>, %mul3A_62, %reduce_sum3A_63 [1] : vector<1264x128xf32> to vector<1264xf32>
    %broadcast_in_dim3A_65 = vector.shape_cast %reduce_sum3A_64 : vector<1264xf32> to vector<1264x1xf32>
    %div3A_66 = arith.constant 1.280000e+02 : f32
    %div3A_67 = vector.broadcast %div3A_66 : f32 to vector<1264x1xf32>
    %div3A_68 = arith.divf %broadcast_in_dim3A_65, %div3A_67 : vector<1264x1xf32>
    %mul3A_69 = arith.mulf %div3A_61, %div3A_61 : vector<1264x1xf32>
    %sub3A_70 = arith.subf %div3A_68, %mul3A_69 : vector<1264x1xf32>
    %sub3A_71 = vector.broadcast %div3A_61 : vector<1264x1xf32> to vector<1264x128xf32>
    %sub3A_72 = arith.subf %max3A_58, %sub3A_71 : vector<1264x128xf32>
    %add3A_73 = arith.constant 9.99999974E-6 : f32
    %add3A_74 = vector.broadcast %add3A_73 : f32 to vector<1264x1xf32>
    %add3A_75 = arith.addf %sub3A_70, %add3A_74 : vector<1264x1xf32>
    %rsqrt3A_76 = math.rsqrt %add3A_75 : vector<1264x1xf32>
    %mul3A_77 = arith.constant 5.000000e-01 : f32
    %mul3A_78 = vector.broadcast %mul3A_77 : f32 to vector<1264x1xf32>
    %mul3A_79 = arith.mulf %mul3A_78, %add3A_75 : vector<1264x1xf32>
    %mul3A_80 = arith.mulf %mul3A_79, %rsqrt3A_76 : vector<1264x1xf32>
    %mul3A_81 = arith.mulf %mul3A_80, %rsqrt3A_76 : vector<1264x1xf32>
    %sub3A_82 = arith.constant 1.500000e+00 : f32
    %sub3A_83 = vector.broadcast %sub3A_82 : f32 to vector<1264x1xf32>
    %sub3A_84 = arith.subf %sub3A_83, %mul3A_81 : vector<1264x1xf32>
    %mul3A_85 = arith.mulf %rsqrt3A_76, %sub3A_84 : vector<1264x1xf32>
    %mul3A_86 = arith.constant 5.000000e-01 : f32
    %mul3A_87 = vector.broadcast %mul3A_86 : f32 to vector<1264x1xf32>
    %mul3A_88 = arith.mulf %mul3A_87, %add3A_75 : vector<1264x1xf32>
    %mul3A_89 = arith.mulf %mul3A_88, %mul3A_85 : vector<1264x1xf32>
    %mul3A_90 = arith.mulf %mul3A_89, %mul3A_85 : vector<1264x1xf32>
    %sub3A_91 = arith.constant 1.500000e+00 : f32
    %sub3A_92 = vector.broadcast %sub3A_91 : f32 to vector<1264x1xf32>
    %sub3A_93 = arith.subf %sub3A_92, %mul3A_90 : vector<1264x1xf32>
    %mul3A_94 = arith.mulf %mul3A_85, %sub3A_93 : vector<1264x1xf32>
    %mul3A_95 = vector.broadcast %mul3A_94 : vector<1264x1xf32> to vector<1264x128xf32>
    %mul3A_96 = arith.mulf %sub3A_72, %mul3A_95 : vector<1264x128xf32>
    %get3A_97 = arith.constant 0 : index
    %get3A_98 = arith.constant 0 : index
    %get3A_99 = vector.load %arg7[%get3A_97, %get3A_98] : memref<1x128xf32, #tpu.memory_space<vmem>>, vector<1x128xf32>
    %mul3A_100 = vector.broadcast %get3A_99 : vector<1x128xf32> to vector<1264x128xf32>
    %mul3A_101 = arith.mulf %mul3A_96, %mul3A_100 : vector<1264x128xf32>
    %get3A_102 = arith.constant 0 : index
    %get3A_103 = arith.constant 0 : index
    %get3A_104 = vector.load %arg8[%get3A_102, %get3A_103] : memref<1x128xf32, #tpu.memory_space<vmem>>, vector<1x128xf32>
    %add3A_105 = vector.broadcast %get3A_104 : vector<1x128xf32> to vector<1264x128xf32>
    %add3A_106 = arith.addf %mul3A_101, %add3A_105 : vector<1264x128xf32>
    %swap3A = arith.constant 0 : index
    %swap3A_107 = arith.constant 0 : index
    %swap3A_108 = vector.load %arg9[%swap3A, %swap3A_107] : memref<1264x128xf32, #tpu.memory_space<vmem>>, vector<1264x128xf32>
    tpu.vector_store %arg9[%swap3A, %swap3A_107], %add3A_106 {strides = array<i32>} : memref<1264x128xf32, #tpu.memory_space<vmem>>, vector<1264x128xf32>,
    return
  }
  func.func @transform_0(%arg0: i32) -> (i32, i32) {
    %c0_i32 = arith.constant 0 : i32
    %c0_i32_0 = arith.constant 0 : i32
    return %arg0, %c0_i32 : i32, i32
  }
  func.func @transform_1(%arg0: i32) -> (i32, i32) {
    %c0_i32 = arith.constant 0 : i32
    %c0_i32_0 = arith.constant 0 : i32
    %c0_i32_1 = arith.constant 0 : i32
    return %c0_i32, %c0_i32_0 : i32, i32
  }
  func.func @transform_2(%arg0: i32) -> (i32, i32) {
    %c0_i32 = arith.constant 0 : i32
    %c0_i32_0 = arith.constant 0 : i32
    return %arg0, %c0_i32 : i32, i32
  }
  func.func @transform_3(%arg0: i32) -> (i32, i32) {
    %c0_i32 = arith.constant 0 : i32
    %c0_i32_0 = arith.constant 0 : i32
    %c0_i32_1 = arith.constant 0 : i32
    return %c0_i32, %c0_i32_0 : i32, i32
  }
  func.func @transform_4(%arg0: i32) -> (i32, i32) {
    %c0_i32 = arith.constant 0 : i32
    %c0_i32_0 = arith.constant 0 : i32
    %c0_i32_1 = arith.constant 0 : i32
    return %c0_i32, %c0_i32_0 : i32, i32
  }
  func.func @transform_5(%arg0: i32) -> (i32, i32) {
    %c0_i32 = arith.constant 0 : i32
    %c0_i32_0 = arith.constant 0 : i32
    %c0_i32_1 = arith.constant 0 : i32
    return %c0_i32, %c0_i32_0 : i32, i32
  }
  func.func @transform_6(%arg0: i32) -> (i32, i32) {
    %c0_i32 = arith.constant 0 : i32
    %c0_i32_0 = arith.constant 0 : i32
    %c0_i32_1 = arith.constant 0 : i32
    return %c0_i32, %c0_i32_0 : i32, i32
  }
  func.func @transform_7(%arg0: i32) -> (i32, i32) {
    %c0_i32 = arith.constant 0 : i32
    %c0_i32_0 = arith.constant 0 : i32
    %c0_i32_1 = arith.constant 0 : i32
    return %c0_i32, %c0_i32_0 : i32, i32
  }
  func.func @transform_8(%arg0: i32) -> (i32, i32) {
    %c0_i32 = arith.constant 0 : i32
    %c0_i32_0 = arith.constant 0 : i32
    return %arg0, %c0_i32 : i32, i32
  }
}

</mosaic_0001>

<sc_bundles>
// kernel: kernel.20.cloned.1.call-start
scs
__scs_entry_jumppad:
0x0: {  	(pc) =	sbr.rel $0x88, $3  }
0x1: {  	(tag) =	ssettag $0x0;
	lr =	simm.s32 $0x1  }
0x2: {  	[smem:$0x3F97] =	sst lr;
	_ =	strace $0xD0000000  }
0x3: {  	_ = 	snop  }
0x4: {  	_ = 	snop  }
0x5: {  	_ = 	snop  }
0x6: {  	_ = 	snop  }
0x7: {  	_ = 	snop  }
__scs_overlays_trampoline_lowered:
0x8: {  	[smem:$0x3FA6] =	sst s0  }
0x9: {  	[smem:$0x3FA7] =	sst s1  }
0xa: {  	[smem:$0x3FA8] =	sst s2  }
0xb: {  	[smem:$0x3FA9] =	sst s3  }
0xc: {  	[smem:$0x3FAA] =	sst s4  }
0xd: {  	[smem:$0x3FAB] =	sst s5  }
0xe: {  	[smem:$0x3FAC] =	sst s6  }
0xf: {  	[smem:$0x3FAD] =	sst s7  }
0x10: {  	[smem:$0x3FAE] =	sst s8  }
0x11: {  	[smem:$0x3FAF] =	sst s9;
	s0 =	simm.s32 @!p0 $0x0  }
0x12: {  	s1 =	sld [smem:$0x3F95];
	s0 =	simm.s32 @p0 $0x1  }
0x13: {  	[smem:$0x3FB0] =	sst s0;
	s0 =	simm.s32 @!p1 $0x0  }
0x14: {  	s2 =	sld [smem:$0x3F94];
	s0 =	simm.s32 @p1 $0x1  }
0x15: {  	[smem:$0x3FB1] =	sst s0;
	s0 =	simm.s32 @!p2 $0x0  }
0x16: {  	s3 =	sld [smem:$0x3FDB];
	s0 =	simm.s32 @p2 $0x1  }
0x17: {  	s4 =	simm.s32 $0x1BF5;
	[smem:$0x3FB3] =	sst s0  }
0x18: {  	s0 =	sld [smem:$0x3F96];
	_ =	swait.ge [sflag:s4], $0x0  }
0x19: {  	s7 =	sld [smem:$0x3F97]  }
0x1a: {  	s8 =	sadd.s32 $0xFFFFE003, lr  }
0x1b: {  	s9 =	sadd.s32 $0xFFFFFEF7, lr;
	s5 =	simm.s32 $0xFFFFFFFF;
	p2 =	slt.u32 s8, $0xFFFFF086  }
0x1c: {  	p1 =	slt.u32 s9, $0xF7A;
	s5 =	simm.s32 @!p2 $0x0  }
0x1d: {  	s5 =	simm.s32 @p1 $0x1;
	p0 =	seq.s32 s7, s2  }
0x1e: {  	s7 =	smul.u32 @!p0 $0xF7A, s2;
	p2 =	seq.s32 @!p0 s5, $0x0  }
0x1f: {  	s9 =	smul.u32 $0xF7A, s1;
	s8 =	simm.s32 @!p0 $0x1BF5;
	p2 =	por !p2, p0  }
0x20: {  	[sflag:s8] =	ssyncset.s32 @!p0 $0xFFFFF086;
	s6 =	sadd.s32 @!p0 s3, s7;
	s7 =	simm.s32 @!p0 $0x108  }
0x21: {  	s3 =	sadd.s32 s3, s9;
	s6 =	sadd.s32 @!p0 $0x88, s6;
	s7 =	simm.s32 @p2 $0x1082  }
0x22: {  	[simem:s7], [sflag:s8] =	dma.local @!p0 [hbm:s6], $0xF7A  }
0x23: {  	s9 =	sor.u32 $0xD0000000, s2;
	s6 =	simm.s32 $0x108;
	_ =	swait.ge @!p0 [sflag:s8], $0x0  }
0x24: {  	s3 =	sadd.s32 $0x88, s3;
	s6 =	simm.s32 @!p1 $0x1082;
	[sflag:s4] =	ssyncset.s32 $0xFFFFF086  }
0x25: {  	[simem:s6], [sflag:s4] =	dma.local [hbm:s3], $0xF7A  }
0x26: {  	[smem:$0x3F97] =	sst s1;
	(tag) =	ssettag s2;
	_ =	strace s9  }
0x27: {  	s1 =	sld [smem:$0x3FA7]  }
0x28: {  	s2 =	sld [smem:$0x3FA8]  }
0x29: {  	s4 =	sld [smem:$0x3FAA]  }
0x2a: {  	p0 =	seq.s32 s5, $0x0;
	s5 =	sld [smem:$0x3FAB]  }
0x2b: {  	s6 =	sld [smem:$0x3FAC]  }
0x2c: {  	s7 =	sld [smem:$0x3FAD]  }
0x2d: {  	s3 =	simm.s32 $0x108;
	s8 =	sld [smem:$0x3FAE]  }
0x2e: {  	s3 =	simm.s32 @!p0 $0x1082;
	s9 =	sld [smem:$0x3FAF]  }
0x2f: {  	lr =	sadd.s32 s0, s3;
	s0 =	sld [smem:$0x3FA6]  }
0x30: {  	s3 =	sld [smem:$0x3FA9]  }
0x31: {  	[smem:$0x3FB2] =	sst s10  }
0x32: {  	s10 =	sld [smem:$0x3FB0];
	_ =	sdelay $0x3  }
0x33: {  	p0 =	seq.s32 s10, $0x1;
	s10 =	sld [smem:$0x3FB2];
	_ =	sdelay $0x3  }
0x34: {  	[smem:$0x3FB2] =	sst s10  }
0x35: {  	s10 =	sld [smem:$0x3FB1];
	_ =	sdelay $0x3  }
0x36: {  	p1 =	seq.s32 s10, $0x1;
	s10 =	sld [smem:$0x3FB2];
	_ =	sdelay $0x3  }
0x37: {  	[smem:$0x3FB2] =	sst s10  }
0x38: {  	s10 =	sld [smem:$0x3FB3]  }
0x39: {  	_ = 	snop;
	(pc) =	sbr.ind lr, $3  }
0x3a: {  	_ = 	snop  }
0x3b: {  	_ = 	snop  }
0x3c: {  	p2 =	seq.s32 s10, $0x1;
	s10 =	sld [smem:$0x3FB2]  }
0x3d: {  	_ =	shalt  }
0x3e: {  	_ =	shalt  }
0x3f: {  	_ =	shalt  }
0x40: {  	_ =	shalt  }
0x41: {  	_ =	shalt  }
0x42: {  	_ =	shalt  }
0x43: {  	_ =	shalt  }
0x44: {  	_ =	shalt  }
0x45: {  	_ =	shalt  }
0x46: {  	_ =	shalt  }
0x47: {  	_ =	shalt  }
0x48: {  	_ =	shalt  }
0x49: {  	_ =	shalt  }
0x4a: {  	_ =	shalt  }
0x4b: {  	_ =	shalt  }
0x4c: {  	_ =	shalt  }
0x4d: {  	_ =	shalt  }
0x4e: {  	_ =	shalt  }
0x4f: {  	_ =	shalt  }
0x50: {  	_ =	shalt  }
0x51: {  	_ =	shalt  }
0x52: {  	_ =	shalt  }
0x53: {  	_ =	shalt  }
0x54: {  	_ =	shalt  }
0x55: {  	_ =	shalt  }
0x56: {  	_ =	shalt  }
0x57: {  	_ =	shalt  }
0x58: {  	_ =	shalt  }
0x59: {  	_ =	shalt  }
0x5a: {  	_ =	shalt  }
0x5b: {  	_ =	shalt  }
0x5c: {  	_ =	shalt  }
0x5d: {  	_ =	shalt  }
0x5e: {  	_ =	shalt  }
0x5f: {  	_ =	shalt  }
0x60: {  	_ =	shalt  }
0x61: {  	_ =	shalt  }
0x62: {  	_ =	shalt  }
0x63: {  	_ =	shalt  }
0x64: {  	_ =	shalt  }
0x65: {  	_ =	shalt  }
0x66: {  	_ =	shalt  }
0x67: {  	_ =	shalt  }
0x68: {  	_ =	shalt  }
0x69: {  	_ =	shalt  }
0x6a: {  	_ =	shalt  }
0x6b: {  	_ =	shalt  }
0x6c: {  	_ =	shalt  }
0x6d: {  	_ =	shalt  }
0x6e: {  	_ =	shalt  }
0x6f: {  	_ =	shalt  }
0x70: {  	_ =	shalt  }
0x71: {  	_ =	shalt  }
0x72: {  	_ =	shalt  }
0x73: {  	_ =	shalt  }
0x74: {  	_ =	shalt  }
0x75: {  	_ =	shalt  }
0x76: {  	_ =	shalt  }
0x77: {  	_ =	shalt  }
0x78: {  	_ =	shalt  }
0x79: {  	_ =	shalt  }
0x7a: {  	_ =	shalt  }
0x7b: {  	_ =	shalt  }
0x7c: {  	_ =	shalt  }
0x7d: {  	_ =	shalt  }
0x7e: {  	_ =	shalt  }
0x7f: {  	_ =	shalt  }
0x80: {  	_ =	shalt  }
0x81: {  	_ =	shalt  }
0x82: {  	_ =	shalt  }
0x83: {  	_ =	shalt  }
0x84: {  	_ =	shalt  }
0x85: {  	_ =	shalt  }
0x86: {  	_ =	shalt  }
0x87: {  	_ =	shalt  }
.Lfunc_end0:
.L_simem_size_0:
called_computation_lowered:
.L_overlay_start_0:
0x88: {  	s2 =	sld [smem:$0x3FD9]  }
0x89: {  	s3 =	sld [smem:$0x3FFE];
	_ =	sdelay $0x1  }
0x8a: {  	s1 =	srdreg.scid  }
0x8b: {  	s0 =	sand.u32 $0x1, s1  }
0x8c: {  	s16 =	sshll.u32 s0, $0xA;
	s2 =	sadd.s32 s3, s2  }
0x8d: {  	s2 =	sadd.s32 s2, s16  }
0x8e: {  	[smem:$0x3FBE] =	sst s2  }
0x8f: {  	_ = 	snop  }
0x90: {  	(tm) =	ssettm $0x1  }
0x91: {  	s17 =	sld [smem:$0x3FFB];
	_ =	sdelay $0x3  }
0x92: {  	_ =	strace s17  }
0x93: {  	s2 =	sld [smem:$0x3FFC];
	_ =	sdelay $0x3  }
0x94: {  	_ =	strace s2  }
0x95: {  	s2 =	sld [smem:$0x3FFD];
	_ =	sdelay $0x3  }
0x96: {  	_ =	strace s2  }
0x97: {  	_ =	strace $0x8FFFFFFF  }
0x98: {  	s18 =	sld [smem:$0x3FDB];
	_ =	sdelay $0x1  }
0x99: {  	s19 =	simm.s32 $_scs_section_size  }
0x9a: {  	s4 =	simm.s32 $_size__tile_overlayer_lowered;
	s5 =	simm.s32 $_tile_overlayer_lowered  }
0x9b: {  	s22 =	simm.s32 $0x1BFF;
	s21 =	sshll.u32 s5, $0x1;
	s2 =	sadd.s32 s19, s18  }
0x9c: {  	s6 =	simm.s32 $0x0;
	s20 =	sshll.u32 s4, $0x1;
	s4 =	sadd.s32 s21, s2  }
0x9d: {  	[timem:s6], [sflag:s22] =	dma.local [hbm:s4], s20  }
0x9e: {  	_ =	swait.ge [sflag:s22], s20  }
0x9f: {  	s3 =	ssub.s32 $0x0, s20;
	[sflag:s22] =	ssyncset.done $0x0  }
0xa0: {  	[sflag:s22] =	ssyncadd.s32 s3;
	_ =	sdelay $0x1  }
0xa1: {  	s23 =	simm.s32 $0x1B8B  }
0xa2: {  	_ =	swait.ge [sflag:s23], $0x1  }
0xa3: {  	[sflag:s23] =	ssyncset.done $0x0  }
0xa4: {  	s25 =	simm.s32 $0x1B8E;
	s24 =	sld [smem:$0x3FFE];
	[sflag:s23] =	ssyncadd.s32 $0xFFFFFFFF  }
0xa5: {  	s26 =	simm.s32 $execute0_lowered;
	[smem:$0x3FD2] =	sst s25  }
0xa6: {  	s4 =	sshll.u32 s26, $0x1;
	_ =	strace $0x80000046;
	[dreg:$0x1] =	wrdreg $0xFFFFFFFF  }
0xa7: {  	s28 =	simm.s32 $_size_execute0_lowered;
	s2 =	sadd.s32 s2, s4;
	[dreg:$0x0] =	wrdreg $0x0  }
0xa8: {  	s4 =	sshll.u32 s28, $0x1;
	[dreg:$0x2] =	wrdreg s2  }
0xa9: {  	[dreg:$0x3] =	wrdreg s4  }
0xaa: {  	[dreg:$0x4] =	wrdreg $0xC0  }
0xab: {  	_ =	task [dreg:s6], $0x5FFFF  }
0xac: {  	[dreg:$0x1] =	wrdreg $0xFFFFFFFF  }
0xad: {  	[dreg:$0x0] =	wrdreg $0x60  }
0xae: {  	[dreg:$0x2] =	wrdreg s24  }
0xaf: {  	[dreg:$0x3] =	wrdreg $0x81000  }
0xb0: {  	[dreg:$0x4] =	wrdreg $0x9  }
0xb1: {  	_ =	task.clear_ibuf [dreg:s6], $0x5FFFF;
	_ =	strace $0x90000046  }
0xb2: {  	s29 =	simm.s32 $0x9;
	_ =	strace $0x80000048  }
0xb3: {  	_ =	swait.ge [sflag:s29], $0x1  }
0xb4: {  	[sflag:s29] =	ssyncadd.s32 $0xFFFFFFFF  }
0xb5: {  	_ =	strace $0x90000048  }
0xb6: {  	_ =	sfence  }
0xb7: {  	s30 =	sld [smem:$0x0];
	_ =	sdelay $0x2  }
0xb8: {  	s31 =	sshll.u32 s1, $0xD;
	s1 =	sshrl.u32 s1, $0x2  }
0xb9: {  	s3 =	sand.u32 $0x4000, s31;
	s1 =	sadd.s32 s1, s30  }
0xba: {  	s0 =	sor.u32 s3, s0;
	s1 =	sshll.u32 s1, $0x11  }
0xbb: {  	s0 =	sor.u32 s1, s0  }
0xbc: {  	s0 =	sadd.s32 $0x8F2B, s0  }
0xbd: {  	[sflag:s0] =	ssyncadd.remote.s32 $0x1  }
0xbe: {  	_ =	sfence.sel $0xFFFF  }
0xbf: {  	[dreg:$0x0] =	wrdreg $0xFFFFFFFF;
	(pc) =	sbr.abs _section_cstart, $3  }
0xc0: {  	[dreg:$0x1] =	wrdreg $0xFFFFFFFF  }
0xc1: {  	_ =	task.clear_ibuf [dreg:s6], $0x2FFFF;
	_ =	strace $0x9FFFFFFF  }
0xc2: {  	(tm) =	ssettm $0x7FFFFFFF  }
0xc3: {  	_ =	shalt  }
tec
execute0_lowered:
.L_overlay_start_1:
0x0: {  	(tag) =	ssettag $0x1  }
0x1: {  	s6 =	rddreg [dreg:$0x0];
	s0 =	srdreg.scid  }
0x2: {  	s2 =	rddreg [dreg:$0x1];
	s1 =	stileid.u32  }
0x3: {  	s3 =	simm.s32 $0x0;
	s18 =	simm.s32 $0x8000;
	s19 =	simm.s32 $0x8080  }
0x4: {  	s20 =	simm.s32 $0x1;
	s21 =	simm.s32 $0x80;
	s22 =	simm.s32 $0x2  }
0x5: {  	s11 =	sand.u32 $0x1, s0;
	s0 =	rddreg [dreg:$0x2];
	s7 =	smul.u32 $0x13C00, s1  }
0x6: {  	s25 =	simm.s32 $0x0;
	[smem:$0x7FF] =	sst s3;
	s8 =	smul.u32 $0x4F000, s1  }
0x7: {  	s4 =	sadd.s32 $0x12000, s6;
	s15 =	sadd.s32 $0x7800, s6;
	s17 =	smul.u32 $0x500, s1  }
0x8: {  	s23 =	sshll.u32 s1, $0x6;
	s5 =	smul.u32 $0x13C000, s11;
	_ =	strace $0x80000047  }
0x9: {  	s28 =	sshll.u32 s11, $0x4;
	s29 =	ssub.s32 $0x2, s11;
	s16 =	smul.u32 $0x5000, s11  }
0xa: {  	s23 =	sor.u32 $0x1C03, s23;
	s9 =	sor.u32 s1, s28;
	s30 =	sshrl.u32 s8, $0x2  }
0xb: {  	s31 =	sshrl.u32 s29, $0x1;
	s5 =	sadd.s32 s7, s5;
	s10 =	smul.u32 $0x500, s9  }
0xc: {  	s14 =	ssub.s32 s29, s31;
	s7 =	sshrl.u32 s5, $0x3;
	s5 =	sadd.s32 $0x11800, s6  }
0xd: {  	s14 =	smax.u32 s14, $0x1;
	s13 =	sadd.s32 s7, s6;
	s6 =	sadd.s32 s30, s2  }
0xe: {  	s10 =	sadd.s32 s15, s10;
	s15 =	sadd.s32 s16, s15;
	s16 =	simm.s32 $0x3  }
0xf: {  	s7 =	sadd.s32 $0x4000, s6;
	s8 =	sadd.s32 $0x8000, s6;
	s9 =	sadd.s32 $0xC000, s6  }
0x10: {  	s11 =	sadd.s32 $0x10000, s6;
	s12 =	sadd.s32 $0x10, s10;
	s13 =	sadd.s32 $0x12800, s13  }
0x11: {  	s15 =	sadd.s32 s17, s15;
	s17 =	simm.s32 $0x4000;
	s24 =	sshrl.u32 s6, $0x3  }
.LBB2_1:
0x12: {  	[tilespmem:s3], [sflag:$0x3] =	stream.linear.gather [hbm4b:s4+s3], $0x4000, $0x38;
	[tilespmem:$0x1BD00] =	vst v63  }
0x13: {  	_ =	swait.ge [sflag:s16], $0x4000  }
0x14: {  	[sflag:s16] =	ssyncset.done $0x0  }
0x15: {  	[sflag:s16] =	ssyncadd.s32 $0xFFFFC000  }
0x16: {  	[tilespmem:s17], [sflag:$0x3] =	stream.linear.gather [hbm4b:s5+s3], $0x4000, $0x38;
	[tilespmem:$0x1BD00] =	vst v63  }
0x17: {  	_ =	swait.ge [sflag:s16], $0x4000  }
0x18: {  	[sflag:s16] =	ssyncset.done $0x0  }
0x19: {  	[sflag:s16] =	ssyncadd.s32 $0xFFFFC000  }
0x1a: {  	[spmem:s6] =	stream.linear.scatter [tilespmem:s17], [sflag:$0x3], $0x4000, $0x38;
	[tilespmem:$0x1BD00] =	vst v63  }
0x1b: {  	_ =	swait.ge [sflag:s16], $0x4000  }
0x1c: {  	[sflag:s16] =	ssyncset.done $0x0  }
0x1d: {  	[sflag:s16] =	ssyncadd.s32 $0xFFFFC000  }
0x1e: {  	[spmem:s7] =	stream.linear.scatter [tilespmem:s17], [sflag:$0x3], $0x4000, $0x38;
	[tilespmem:$0x1BD00] =	vst v63  }
0x1f: {  	_ =	swait.ge [sflag:s16], $0x4000  }
0x20: {  	[sflag:s16] =	ssyncset.done $0x0  }
0x21: {  	[sflag:s16] =	ssyncadd.s32 $0xFFFFC000  }
0x22: {  	[spmem:s8] =	stream.linear.scatter [tilespmem:s17], [sflag:$0x3], $0x4000, $0x38;
	[tilespmem:$0x1BD00] =	vst v63  }
0x23: {  	_ =	swait.ge [sflag:s16], $0x4000  }
0x24: {  	[sflag:s16] =	ssyncset.done $0x0  }
0x25: {  	[sflag:s16] =	ssyncadd.s32 $0xFFFFC000  }
0x26: {  	[spmem:s9] =	stream.linear.scatter [tilespmem:s17], [sflag:$0x3], $0x4000, $0x38;
	[tilespmem:$0x1BD00] =	vst v63  }
0x27: {  	_ =	swait.ge [sflag:s16], $0x4000  }
0x28: {  	[sflag:s16] =	ssyncset.done $0x0  }
0x29: {  	[sflag:s16] =	ssyncadd.s32 $0xFFFFC000  }
0x2a: {  	[spmem:s11] =	stream.linear.scatter [tilespmem:s17], [sflag:$0x3], $0x3C00, $0x38;
	[tilespmem:$0x1BD00] =	vst v63  }
0x2b: {  	_ =	swait.ge [sflag:s16], $0x3C00  }
0x2c: {  	[sflag:s16] =	ssyncset.done $0x0  }
0x2d: {  	[sflag:s16] =	ssyncadd.s32 $0xFFFFC400  }
0x2e: {  	[tilespmem:s18], [sflag:$0x1] =	stream.linear.gather [hbm4b:s10+s3], $0x80, $0x38;
	[tilespmem:$0x1BD00] =	vst v63  }
0x2f: {  	_ = 	snop  }
0x30: {  	[tilespmem:s19], [sflag:$0x2] =	stream.linear.gather [hbm4b:s12+s3], $0x80, $0x38;
	[tilespmem:$0x1BD00] =	vst v63  }
0x31: {  	[bflag:$0x0] =	sbarrier.arrive $0xFFFF  }
0x32: {  	_ =	swait.ge [sflag:s20], $0x80  }
0x33: {  	[sflag:s20] =	ssyncset.done $0x0  }
0x34: {  	[sflag:s20] =	ssyncadd.s32 $0xFFFFFF80  }
0x35: {  	[spmem:s2] =	stream.indirect.scatter.add.f32 [tilespmem:s3], [sflag:$0x3], $0x80, s18, s21, $0xb8;
	[tilespmem:$0x1BD00] =	vst v63  }
0x36: {  	_ =	swait.ge [sflag:s16], $0x4000  }
0x37: {  	s28 =	sadd.s32 $0xFFFFFB20, s15;
	[sflag:s16] =	ssyncset.done $0x0  }
0x38: {  	s26 =	sadd.s32 $0x500, s28;
	[sflag:s16] =	ssyncadd.s32 $0xFFFFC000  }
0x39: {  	[tilespmem:s18], [sflag:$0x1] =	stream.linear.gather [hbm4b:s26+s3], $0x80, $0x38;
	[tilespmem:$0x1BD00] =	vst v63  }
0x3a: {  	_ =	swait.ge [sflag:s22], $0x80  }
0x3b: {  	[sflag:s22] =	ssyncset.done $0x0  }
0x3c: {  	[sflag:s22] =	ssyncadd.s32 $0xFFFFFF80  }
0x3d: {  	[spmem:s2] =	stream.indirect.scatter.add.f32 [tilespmem:s3], [sflag:$0x3], $0x80, s19, s21, $0xb8;
	[tilespmem:$0x1BD00] =	vst v63  }
0x3e: {  	_ =	swait.ge [sflag:s16], $0x4000  }
0x3f: {  	[sflag:s16] =	ssyncset.done $0x0  }
0x40: {  	s28 =	sadd.s32 $0x510, s28;
	s26 =	simm.s32 $0xFFFFFB40;
	[sflag:s16] =	ssyncadd.s32 $0xFFFFC000  }
.LBB2_2:
0x41: {  	[tilespmem:s19], [sflag:$0x2] =	stream.linear.gather [hbm4b:s28+s3], $0x80, $0x38;
	[tilespmem:$0x1BD00] =	vst v63  }
0x42: {  	s28 =	smov.u32 s26  }
0x43: {  	p0 =	sne.s32 s26, $0xFFFFFFE0;
	s26 =	sadd.s32 $0x20, s26;
	_ =	swait.ge [sflag:s20], $0x80  }
0x44: {  	[sflag:s20] =	ssyncset.done $0x0  }
0x45: {  	[sflag:s20] =	ssyncadd.s32 $0xFFFFFF80  }
0x46: {  	[spmem:s2] =	stream.indirect.scatter.add.f32 [tilespmem:s3], [sflag:$0x3], $0x80, s18, s21, $0xb8;
	[tilespmem:$0x1BD00] =	vst v63  }
0x47: {  	_ =	swait.ge [sflag:s16], $0x4000  }
0x48: {  	s28 =	sadd.s32 s28, s15;
	[sflag:s16] =	ssyncset.done $0x0  }
0x49: {  	s29 =	sadd.s32 $0x500, s28;
	[sflag:s16] =	ssyncadd.s32 $0xFFFFC000  }
0x4a: {  	[tilespmem:s18], [sflag:$0x1] =	stream.linear.gather [hbm4b:s29+s3], $0x80, $0x38;
	[tilespmem:$0x1BD00] =	vst v63  }
0x4b: {  	_ =	swait.ge [sflag:s22], $0x80  }
0x4c: {  	[sflag:s22] =	ssyncset.done $0x0  }
.Ltmp0:
0x4d: {  	[sflag:s22] =	ssyncadd.s32 $0xFFFFFF80;
	(pc) =	sbr.rel @p0 .LBB2_2-.Ltmp0, $4  }
0x4e: {  	[spmem:s2] =	stream.indirect.scatter.add.f32 [tilespmem:s3], [sflag:$0x3], $0x80, s19, s21, $0xb8;
	[tilespmem:$0x1BD00] =	vst v63  }
0x4f: {  	_ =	swait.ge [sflag:s16], $0x4000  }
0x50: {  	[sflag:s16] =	ssyncset.done $0x0  }
0x51: {  	s28 =	sadd.s32 $0x510, s28;
	[sflag:s16] =	ssyncadd.s32 $0xFFFFC000  }
0x52: {  	[tilespmem:s19], [sflag:$0x2] =	stream.linear.gather [hbm4b:s28+s3], $0x80, $0x38;
	[tilespmem:$0x1BD00] =	vst v63  }
0x53: {  	_ =	swait.ge [sflag:s20], $0x80  }
0x54: {  	[sflag:s20] =	ssyncset.done $0x0  }
0x55: {  	[sflag:s20] =	ssyncadd.s32 $0xFFFFFF80  }
0x56: {  	[spmem:s2] =	stream.indirect.scatter.add.f32 [tilespmem:s3], [sflag:$0x3], $0x80, s18, s21, $0xb8;
	[tilespmem:$0x1BD00] =	vst v63  }
0x57: {  	_ =	swait.ge [sflag:s16], $0x4000  }
0x58: {  	[sflag:s16] =	ssyncset.done $0x0  }
0x59: {  	[sflag:s16] =	ssyncadd.s32 $0xFFFFC000  }
0x5a: {  	_ =	swait.ge [sflag:s22], $0x80  }
0x5b: {  	[sflag:s22] =	ssyncset.done $0x0  }
0x5c: {  	[sflag:s22] =	ssyncadd.s32 $0xFFFFFF80  }
0x5d: {  	[spmem:s2] =	stream.indirect.scatter.add.f32 [tilespmem:s3], [sflag:$0x3], $0x80, s19, s21, $0xb8;
	[tilespmem:$0x1BD00] =	vst v63  }
0x5e: {  	_ =	swait.ge [sflag:s16], $0x4000  }
0x5f: {  	s25 =	sadd.s32 $0x1, s25;
	[sflag:s16] =	ssyncset.done $0x0  }
0x60: {  	p0 =	sne.s32 s25, s14;
	[sflag:s16] =	ssyncadd.s32 $0xFFFFC000  }
.Ltmp1:
0x61: {  	[bflag:$0x0] =	sbarrier.arrive $0xFFFF;
	(pc) =	sbr.rel @p0 .LBB2_1-.Ltmp1, $4  }
0x62: {  	[hbm:s13], [sflag:s23] =	dma.local [spmem:s24], $0x2780  }
0x63: {  	_ =	swait.ge [sflag:s16], $0x2780  }
0x64: {  	[sflag:s16] =	ssyncset.done $0x0  }
0x65: {  	[sflag:s16] =	ssyncadd.s32 $0xFFFFD880  }
0x66: {  	_ =	sfence.sel $0x180000  }
0x67: {  	[bflag:$0x0] =	sbarrier.arrive $0xFFFF  }
0x68: {  	p0 =	sne.s32 s1, $0x0;
	_ =	strace $0x90000047  }
0x69: {  	s0 =	sadd.s32 @!p0 $0x100000, s0;
	[bflag:$0x2] =	sbarrier.arrive $0xFFFF  }
0x6a: {  	[sflag:s0] =	ssyncadd.tile.s32 @!p0 $0x1;
	_ =	shalt  }
.Lfunc_end2:
_tile_overlayer_lowered:
.L_overlay_start_2:
0x6b: {  	(tag) =	ssettag $0x2  }
0x6c: {  	s0 =	rddreg [dreg:$0x0];
	s2 =	stileid.u32  }
0x6d: {  	s1 =	rddreg [dreg:$0x1];
	p0 =	sne.s32 s2, $0x0  }
0x6e: {  	s3 =	rddreg [dreg:$0x2];
	[bflag:$0x3] =	sbarrier.arrive $0xFFFF;
	s2 =	simm.s32 @!p0 $0x1C03  }
0x6f: {  	[timem:s3], [sflag:s2] =	dma.local @!p0 [hbm:s0], s1  }
0x70: {  	s0 =	simm.s32 @!p0 $0x3  }
0x71: {  	_ =	swait.ge @!p0 [sflag:s0], s1  }
0x72: {  	s1 =	ssub.s32 @!p0 $0x0, s1;
	[sflag:s0] =	ssyncset.done @!p0 $0x0  }
0x73: {  	[sflag:s0] =	ssyncadd.s32 @!p0 s1  }
0x74: {  	[bflag:$0x3] =	sbarrier.arrive $0xFFFF  }
0x75: {  	_ =	shalt  }

// kernel: kernel.23.cloned.1.call-start
scs
__scs_entry_jumppad:
0x0: {  	(pc) =	sbr.rel $0x88, $3  }
0x1: {  	(tag) =	ssettag $0x0;
	lr =	simm.s32 $0x1  }
0x2: {  	[smem:$0x3F97] =	sst lr;
	_ =	strace $0xD0000000  }
0x3: {  	_ = 	snop  }
0x4: {  	_ = 	snop  }
0x5: {  	_ = 	snop  }
0x6: {  	_ = 	snop  }
0x7: {  	_ = 	snop  }
__scs_overlays_trampoline_lowered:
0x8: {  	[smem:$0x3FA6] =	sst s0  }
0x9: {  	[smem:$0x3FA7] =	sst s1  }
0xa: {  	[smem:$0x3FA8] =	sst s2  }
0xb: {  	[smem:$0x3FA9] =	sst s3  }
0xc: {  	[smem:$0x3FAA] =	sst s4  }
0xd: {  	[smem:$0x3FAB] =	sst s5  }
0xe: {  	[smem:$0x3FAC] =	sst s6  }
0xf: {  	[smem:$0x3FAD] =	sst s7  }
0x10: {  	[smem:$0x3FAE] =	sst s8  }
0x11: {  	[smem:$0x3FAF] =	sst s9;
	s0 =	simm.s32 @!p0 $0x0  }
0x12: {  	s1 =	sld [smem:$0x3F95];
	s0 =	simm.s32 @p0 $0x1  }
0x13: {  	[smem:$0x3FB0] =	sst s0;
	s0 =	simm.s32 @!p1 $0x0  }
0x14: {  	s2 =	sld [smem:$0x3F94];
	s0 =	simm.s32 @p1 $0x1  }
0x15: {  	[smem:$0x3FB1] =	sst s0;
	s0 =	simm.s32 @!p2 $0x0  }
0x16: {  	s3 =	sld [smem:$0x3FDB];
	s0 =	simm.s32 @p2 $0x1  }
0x17: {  	s4 =	simm.s32 $0x1BF5;
	[smem:$0x3FB3] =	sst s0  }
0x18: {  	s0 =	sld [smem:$0x3F96];
	_ =	swait.ge [sflag:s4], $0x0  }
0x19: {  	s7 =	sld [smem:$0x3F97]  }
0x1a: {  	s8 =	sadd.s32 $0xFFFFE003, lr  }
0x1b: {  	s9 =	sadd.s32 $0xFFFFFEF7, lr;
	s5 =	simm.s32 $0xFFFFFFFF;
	p2 =	slt.u32 s8, $0xFFFFF086  }
0x1c: {  	p1 =	slt.u32 s9, $0xF7A;
	s5 =	simm.s32 @!p2 $0x0  }
0x1d: {  	s5 =	simm.s32 @p1 $0x1;
	p0 =	seq.s32 s7, s2  }
0x1e: {  	s7 =	smul.u32 @!p0 $0xF7A, s2;
	p2 =	seq.s32 @!p0 s5, $0x0  }
0x1f: {  	s9 =	smul.u32 $0xF7A, s1;
	s8 =	simm.s32 @!p0 $0x1BF5;
	p2 =	por !p2, p0  }
0x20: {  	[sflag:s8] =	ssyncset.s32 @!p0 $0xFFFFF086;
	s6 =	sadd.s32 @!p0 s3, s7;
	s7 =	simm.s32 @!p0 $0x108  }
0x21: {  	s3 =	sadd.s32 s3, s9;
	s6 =	sadd.s32 @!p0 $0x88, s6;
	s7 =	simm.s32 @p2 $0x1082  }
0x22: {  	[simem:s7], [sflag:s8] =	dma.local @!p0 [hbm:s6], $0xF7A  }
0x23: {  	s9 =	sor.u32 $0xD0000000, s2;
	s6 =	simm.s32 $0x108;
	_ =	swait.ge @!p0 [sflag:s8], $0x0  }
0x24: {  	s3 =	sadd.s32 $0x88, s3;
	s6 =	simm.s32 @!p1 $0x1082;
	[sflag:s4] =	ssyncset.s32 $0xFFFFF086  }
0x25: {  	[simem:s6], [sflag:s4] =	dma.local [hbm:s3], $0xF7A  }
0x26: {  	[smem:$0x3F97] =	sst s1;
	(tag) =	ssettag s2;
	_ =	strace s9  }
0x27: {  	s1 =	sld [smem:$0x3FA7]  }
0x28: {  	s2 =	sld [smem:$0x3FA8]  }
0x29: {  	s4 =	sld [smem:$0x3FAA]  }
0x2a: {  	p0 =	seq.s32 s5, $0x0;
	s5 =	sld [smem:$0x3FAB]  }
0x2b: {  	s6 =	sld [smem:$0x3FAC]  }
0x2c: {  	s7 =	sld [smem:$0x3FAD]  }
0x2d: {  	s3 =	simm.s32 $0x108;
	s8 =	sld [smem:$0x3FAE]  }
0x2e: {  	s3 =	simm.s32 @!p0 $0x1082;
	s9 =	sld [smem:$0x3FAF]  }
0x2f: {  	lr =	sadd.s32 s0, s3;
	s0 =	sld [smem:$0x3FA6]  }
0x30: {  	s3 =	sld [smem:$0x3FA9]  }
0x31: {  	[smem:$0x3FB2] =	sst s10  }
0x32: {  	s10 =	sld [smem:$0x3FB0];
	_ =	sdelay $0x3  }
0x33: {  	p0 =	seq.s32 s10, $0x1;
	s10 =	sld [smem:$0x3FB2];
	_ =	sdelay $0x3  }
0x34: {  	[smem:$0x3FB2] =	sst s10  }
0x35: {  	s10 =	sld [smem:$0x3FB1];
	_ =	sdelay $0x3  }
0x36: {  	p1 =	seq.s32 s10, $0x1;
	s10 =	sld [smem:$0x3FB2];
	_ =	sdelay $0x3  }
0x37: {  	[smem:$0x3FB2] =	sst s10  }
0x38: {  	s10 =	sld [smem:$0x3FB3]  }
0x39: {  	_ = 	snop;
	(pc) =	sbr.ind lr, $3  }
0x3a: {  	_ = 	snop  }
0x3b: {  	_ = 	snop  }
0x3c: {  	p2 =	seq.s32 s10, $0x1;
	s10 =	sld [smem:$0x3FB2]  }
0x3d: {  	_ =	shalt  }
0x3e: {  	_ =	shalt  }
0x3f: {  	_ =	shalt  }
0x40: {  	_ =	shalt  }
0x41: {  	_ =	shalt  }
0x42: {  	_ =	shalt  }
0x43: {  	_ =	shalt  }
0x44: {  	_ =	shalt  }
0x45: {  	_ =	shalt  }
0x46: {  	_ =	shalt  }
0x47: {  	_ =	shalt  }
0x48: {  	_ =	shalt  }
0x49: {  	_ =	shalt  }
0x4a: {  	_ =	shalt  }
0x4b: {  	_ =	shalt  }
0x4c: {  	_ =	shalt  }
0x4d: {  	_ =	shalt  }
0x4e: {  	_ =	shalt  }
0x4f: {  	_ =	shalt  }
0x50: {  	_ =	shalt  }
0x51: {  	_ =	shalt  }
0x52: {  	_ =	shalt  }
0x53: {  	_ =	shalt  }
0x54: {  	_ =	shalt  }
0x55: {  	_ =	shalt  }
0x56: {  	_ =	shalt  }
0x57: {  	_ =	shalt  }
0x58: {  	_ =	shalt  }
0x59: {  	_ =	shalt  }
0x5a: {  	_ =	shalt  }
0x5b: {  	_ =	shalt  }
0x5c: {  	_ =	shalt  }
0x5d: {  	_ =	shalt  }
0x5e: {  	_ =	shalt  }
0x5f: {  	_ =	shalt  }
0x60: {  	_ =	shalt  }
0x61: {  	_ =	shalt  }
0x62: {  	_ =	shalt  }
0x63: {  	_ =	shalt  }
0x64: {  	_ =	shalt  }
0x65: {  	_ =	shalt  }
0x66: {  	_ =	shalt  }
0x67: {  	_ =	shalt  }
0x68: {  	_ =	shalt  }
0x69: {  	_ =	shalt  }
0x6a: {  	_ =	shalt  }
0x6b: {  	_ =	shalt  }
0x6c: {  	_ =	shalt  }
0x6d: {  	_ =	shalt  }
0x6e: {  	_ =	shalt  }
0x6f: {  	_ =	shalt  }
0x70: {  	_ =	shalt  }
0x71: {  	_ =	shalt  }
0x72: {  	_ =	shalt  }
0x73: {  	_ =	shalt  }
0x74: {  	_ =	shalt  }
0x75: {  	_ =	shalt  }
0x76: {  	_ =	shalt  }
0x77: {  	_ =	shalt  }
0x78: {  	_ =	shalt  }
0x79: {  	_ =	shalt  }
0x7a: {  	_ =	shalt  }
0x7b: {  	_ =	shalt  }
0x7c: {  	_ =	shalt  }
0x7d: {  	_ =	shalt  }
0x7e: {  	_ =	shalt  }
0x7f: {  	_ =	shalt  }
0x80: {  	_ =	shalt  }
0x81: {  	_ =	shalt  }
0x82: {  	_ =	shalt  }
0x83: {  	_ =	shalt  }
0x84: {  	_ =	shalt  }
0x85: {  	_ =	shalt  }
0x86: {  	_ =	shalt  }
0x87: {  	_ =	shalt  }
.Lfunc_end0:
.L_simem_size_0:
called_computation.1_lowered:
.L_overlay_start_0:
0x88: {  	s2 =	sld [smem:$0x3FD9]  }
0x89: {  	s3 =	sld [smem:$0x3FFE];
	_ =	sdelay $0x1  }
0x8a: {  	s1 =	srdreg.scid  }
0x8b: {  	s0 =	sand.u32 $0x1, s1  }
0x8c: {  	s17 =	sshll.u32 s0, $0xA;
	s2 =	sadd.s32 s3, s2  }
0x8d: {  	s2 =	sadd.s32 s2, s17  }
0x8e: {  	[smem:$0x3FBE] =	sst s2  }
0x8f: {  	_ = 	snop  }
0x90: {  	s2 =	sld [smem:$0x3FD0];
	(tm) =	ssettm $0x1  }
0x91: {  	s18 =	sld [smem:$0x3FFB];
	_ =	sdelay $0x3  }
0x92: {  	_ =	strace s18  }
0x93: {  	s3 =	sld [smem:$0x3FFC];
	_ =	sdelay $0x3  }
0x94: {  	_ =	strace s3  }
0x95: {  	s3 =	sld [smem:$0x3FFD];
	_ =	sdelay $0x3  }
0x96: {  	_ =	strace s3  }
0x97: {  	_ =	strace $0x8FFFFFFF  }
0x98: {  	s19 =	sld [smem:$0x3FDB];
	_ =	sdelay $0x1  }
0x99: {  	s4 =	simm.s32 $_scs_section_size  }
0x9a: {  	s5 =	simm.s32 $_size__tile_overlayer_lowered;
	s6 =	simm.s32 $_tile_overlayer_lowered  }
0x9b: {  	s22 =	simm.s32 $0x1BFF;
	s21 =	sshll.u32 s6, $0x1;
	s3 =	sadd.s32 s4, s19  }
0x9c: {  	s7 =	simm.s32 $0x0;
	s20 =	sshll.u32 s5, $0x1;
	s5 =	sadd.s32 s21, s3  }
0x9d: {  	[timem:s7], [sflag:s22] =	dma.local [hbm:s5], s20  }
0x9e: {  	_ =	swait.ge [sflag:s22], s20  }
0x9f: {  	s4 =	ssub.s32 $0x0, s20;
	[sflag:s22] =	ssyncset.done $0x0  }
0xa0: {  	[sflag:s22] =	ssyncadd.s32 s4;
	_ =	sdelay $0x1  }
0xa1: {  	s23 =	simm.s32 $0x1B8B  }
0xa2: {  	_ =	swait.ge [sflag:s23], $0x1  }
0xa3: {  	[sflag:s23] =	ssyncset.done $0x0  }
0xa4: {  	s25 =	simm.s32 $0x1B8E;
	s24 =	sld [smem:$0x3FFE];
	[sflag:s23] =	ssyncadd.s32 $0xFFFFFFFF  }
0xa5: {  	s26 =	simm.s32 $execute0_lowered;
	[smem:$0x3FD2] =	sst s25  }
0xa6: {  	s5 =	sshll.u32 s26, $0x1;
	_ =	strace $0x80000049;
	[dreg:$0x1] =	wrdreg $0xFFFFFFFF  }
0xa7: {  	s28 =	simm.s32 $_size_execute0_lowered;
	s3 =	sadd.s32 s3, s5;
	[dreg:$0x0] =	wrdreg $0x0  }
0xa8: {  	s5 =	sshll.u32 s28, $0x1;
	[dreg:$0x2] =	wrdreg s3  }
0xa9: {  	[dreg:$0x3] =	wrdreg s5  }
0xaa: {  	[dreg:$0x4] =	wrdreg $0xC0  }
0xab: {  	_ =	task [dreg:s7], $0x5FFFF  }
0xac: {  	[dreg:$0x1] =	wrdreg $0xFFFFFFFF  }
0xad: {  	[dreg:$0x0] =	wrdreg $0x60  }
0xae: {  	[dreg:$0x2] =	wrdreg s24  }
0xaf: {  	[dreg:$0x3] =	wrdreg s2  }
0xb0: {  	[dreg:$0x4] =	wrdreg $0xA9000  }
0xb1: {  	[dreg:$0x5] =	wrdreg $0x9  }
0xb2: {  	_ =	task.clear_ibuf [dreg:s7], $0x6FFFF;
	_ =	strace $0x90000049  }
0xb3: {  	s29 =	simm.s32 $0x9;
	_ =	strace $0x8000004B  }
0xb4: {  	_ =	swait.ge [sflag:s29], $0x1  }
0xb5: {  	[sflag:s29] =	ssyncadd.s32 $0xFFFFFFFF  }
0xb6: {  	_ =	strace $0x9000004B  }
0xb7: {  	_ =	sfence  }
0xb8: {  	s30 =	sld [smem:$0x0];
	_ =	sdelay $0x2  }
0xb9: {  	s31 =	sshll.u32 s1, $0xD;
	s1 =	sshrl.u32 s1, $0x2  }
0xba: {  	s3 =	sand.u32 $0x4000, s31;
	s1 =	sadd.s32 s1, s30  }
0xbb: {  	s0 =	sor.u32 s3, s0;
	s1 =	sshll.u32 s1, $0x11  }
0xbc: {  	s0 =	sor.u32 s1, s0  }
0xbd: {  	s0 =	sadd.s32 $0x8F2B, s0  }
0xbe: {  	[sflag:s0] =	ssyncadd.remote.s32 $0x1  }
0xbf: {  	_ =	sfence.sel $0xFFFF  }
0xc0: {  	[dreg:$0x0] =	wrdreg $0xFFFFFFFF;
	(pc) =	sbr.abs _section_cstart, $3  }
0xc1: {  	[dreg:$0x1] =	wrdreg $0xFFFFFFFF  }
0xc2: {  	_ =	task.clear_ibuf [dreg:s7], $0x2FFFF;
	_ =	strace $0x9FFFFFFF  }
0xc3: {  	(tm) =	ssettm $0x7FFFFFFF  }
tec
execute0_lowered:
.L_overlay_start_1:
0x0: {  	(tag) =	ssettag $0x1  }
0x1: {  	s6 =	rddreg [dreg:$0x0]  }
0x2: {  	s7 =	rddreg [dreg:$0x1]  }
0x3: {  	s1 =	rddreg [dreg:$0x2]  }
0x4: {  	s3 =	simm.s32 $0x0;
	s2 =	srdreg.scid;
	s0 =	stileid.u32  }
0x5: {  	s18 =	simm.s32 $0x2800;
	s19 =	simm.s32 $0x80;
	s20 =	simm.s32 $0xA800  }
0x6: {  	s21 =	simm.s32 $0x6800;
	s22 =	simm.s32 $0xA880;
	s23 =	simm.s32 $0x1  }
0x7: {  	s24 =	simm.s32 $0x3;
	s25 =	simm.s32 $0x2;
	s9 =	smul.u32 $0x13C00, s0  }
0x8: {  	s28 =	simm.s32 $0x0;
	[smem:$0x7FF] =	sst s3;
	s29 =	smul.u32 $0x4F000, s0  }
0x9: {  	s10 =	sand.u32 $0x1, s2;
	s4 =	sadd.s32 $0x39800, s6;
	s16 =	smul.u32 $0x500, s0  }
0xa: {  	s14 =	sadd.s32 $0x7800, s6;
	s5 =	sadd.s32 $0x11800, s6;
	s8 =	smul.u32 $0x13C000, s10  }
0xb: {  	_ =	strace $0x8000004A;
	s11 =	sshll.u32 s10, $0x4;
	s12 =	ssub.s32 $0x2, s10  }
0xc: {  	s15 =	smul.u32 $0x5000, s10;
	s26 =	sor.u32 s0, s11;
	s30 =	sshrl.u32 s12, $0x1  }
0xd: {  	s31 =	sshrl.u32 s29, $0x2;
	s8 =	sadd.s32 s9, s8;
	s9 =	smul.u32 $0x500, s26  }
0xe: {  	s12 =	ssub.s32 s12, s30;
	s17 =	sadd.s32 s15, s14;
	s26 =	simm.s32 $0x4  }
0xf: {  	s8 =	sshrl.u32 s8, $0x3;
	s12 =	smax.u32 s12, $0x1;
	s16 =	sadd.s32 s16, s17  }
0x10: {  	s17 =	simm.s32 $0x5;
	s13 =	sadd.s32 s8, s6;
	s6 =	sadd.s32 s7, s9  }
0x11: {  	s7 =	sadd.s32 s31, s1;
	s9 =	sadd.s32 s14, s9;
	s16 =	sadd.s32 $0x30, s16  }
0x12: {  	s8 =	sadd.s32 $0x10000, s7;
	s10 =	sadd.s32 $0x10, s9;
	s11 =	sadd.s32 $0x88800, s13  }
0x13: {  	s13 =	sadd.s32 $0x4000, s7;
	s14 =	sadd.s32 $0x8000, s7;
	s15 =	sadd.s32 $0xC000, s7  }
.LBB2_1:
0x14: {  	[tilespmem:s3], [sflag:$0x5] =	stream.linear.gather [hbm4b:s6+s3], $0x2800, $0x38;
	[tilespmem:$0x1E500] =	vst v63  }
0x15: {  	_ =	swait.ge [sflag:s17], $0x2800  }
0x16: {  	[sflag:s17] =	ssyncset.done $0x0  }
0x17: {  	[sflag:s17] =	ssyncadd.s32 $0xFFFFD800  }
0x18: {  	[tilespmem:s18], [sflag:$0x5] =	stream.linear.gather [hbm4b:s5+s3], $0x4000, $0x38;
	[tilespmem:$0x1E500] =	vst v63  }
0x19: {  	_ =	swait.ge [sflag:s17], $0x4000  }
0x1a: {  	[sflag:s17] =	ssyncset.done $0x0  }
0x1b: {  	[sflag:s17] =	ssyncadd.s32 $0xFFFFC000  }
0x1c: {  	[spmem:s7] =	stream.linear.scatter [tilespmem:s18], [sflag:$0x5], $0x4000, $0x38;
	[tilespmem:$0x1E500] =	vst v63  }
0x1d: {  	_ =	swait.ge [sflag:s17], $0x4000  }
0x1e: {  	[sflag:s17] =	ssyncset.done $0x0  }
0x1f: {  	[sflag:s17] =	ssyncadd.s32 $0xFFFFC000  }
0x20: {  	[spmem:s13] =	stream.linear.scatter [tilespmem:s18], [sflag:$0x5], $0x4000, $0x38;
	[tilespmem:$0x1E500] =	vst v63  }
0x21: {  	_ =	swait.ge [sflag:s17], $0x4000  }
0x22: {  	[sflag:s17] =	ssyncset.done $0x0  }
0x23: {  	[sflag:s17] =	ssyncadd.s32 $0xFFFFC000  }
0x24: {  	[spmem:s14] =	stream.linear.scatter [tilespmem:s18], [sflag:$0x5], $0x4000, $0x38;
	[tilespmem:$0x1E500] =	vst v63  }
0x25: {  	_ =	swait.ge [sflag:s17], $0x4000  }
0x26: {  	[sflag:s17] =	ssyncset.done $0x0  }
0x27: {  	[sflag:s17] =	ssyncadd.s32 $0xFFFFC000  }
0x28: {  	[spmem:s15] =	stream.linear.scatter [tilespmem:s18], [sflag:$0x5], $0x4000, $0x38;
	[tilespmem:$0x1E500] =	vst v63  }
0x29: {  	_ =	swait.ge [sflag:s17], $0x4000  }
0x2a: {  	[sflag:s17] =	ssyncset.done $0x0  }
0x2b: {  	[sflag:s17] =	ssyncadd.s32 $0xFFFFC000  }
0x2c: {  	[spmem:s8] =	stream.linear.scatter [tilespmem:s18], [sflag:$0x5], $0x3C00, $0x38;
	[tilespmem:$0x1E500] =	vst v63  }
0x2d: {  	_ =	swait.ge [sflag:s17], $0x3C00  }
0x2e: {  	[sflag:s17] =	ssyncset.done $0x0  }
0x2f: {  	[sflag:s17] =	ssyncadd.s32 $0xFFFFC400  }
0x30: {  	[tilespmem:s18], [sflag:$0x1] =	stream.indirect.gather [hbm4b:s4+s19], $0x80, s3, s19, $0xb8;
	[tilespmem:$0x1E500] =	vst v63  }
0x31: {  	_ = 	snop  }
0x32: {  	[tilespmem:s20], [sflag:$0x3] =	stream.linear.gather [hbm4b:s9+s3], $0x80, $0x38;
	[tilespmem:$0x1E500] =	vst v63  }
0x33: {  	_ = 	snop  }
0x34: {  	[tilespmem:s21], [sflag:$0x2] =	stream.indirect.gather [hbm4b:s4+s19], $0x80, s19, s19, $0xb8;
	[tilespmem:$0x1E500] =	vst v63  }
0x35: {  	_ = 	snop  }
0x36: {  	[tilespmem:s22], [sflag:$0x4] =	stream.linear.gather [hbm4b:s10+s3], $0x80, $0x38;
	[tilespmem:$0x1E500] =	vst v63  }
0x37: {  	[bflag:$0x0] =	sbarrier.arrive $0xFFFF  }
0x38: {  	_ =	swait.ge [sflag:s23], $0x4000  }
0x39: {  	[sflag:s23] =	ssyncset.done $0x0  }
0x3a: {  	[sflag:s23] =	ssyncadd.s32 $0xFFFFC000  }
0x3b: {  	_ =	swait.ge [sflag:s24], $0x80  }
0x3c: {  	[sflag:s24] =	ssyncset.done $0x0  }
0x3d: {  	[sflag:s24] =	ssyncadd.s32 $0xFFFFFF80  }
0x3e: {  	[spmem:s1] =	stream.indirect.scatter.add.f32 [tilespmem:s18], [sflag:$0x5], $0x80, s20, s19, $0xb8;
	[tilespmem:$0x1E500] =	vst v63  }
0x3f: {  	_ =	swait.ge [sflag:s17], $0x4000  }
0x40: {  	[sflag:s17] =	ssyncset.done $0x0  }
0x41: {  	s29 =	simm.s32 $0x100;
	[sflag:s17] =	ssyncadd.s32 $0xFFFFC000  }
0x42: {  	[tilespmem:s18], [sflag:$0x1] =	stream.indirect.gather [hbm4b:s4+s19], $0x80, s29, s19, $0xb8;
	[tilespmem:$0x1E500] =	vst v63  }
0x43: {  	s29 =	sadd.s32 $0xFFFFFFF0, s16  }
0x44: {  	[tilespmem:s20], [sflag:$0x3] =	stream.linear.gather [hbm4b:s29+s3], $0x80, $0x38;
	[tilespmem:$0x1E500] =	vst v63  }
0x45: {  	_ =	swait.ge [sflag:s25], $0x4000  }
0x46: {  	[sflag:s25] =	ssyncset.done $0x0  }
0x47: {  	[sflag:s25] =	ssyncadd.s32 $0xFFFFC000  }
0x48: {  	_ =	swait.ge [sflag:s26], $0x80  }
0x49: {  	[sflag:s26] =	ssyncset.done $0x0  }
0x4a: {  	[sflag:s26] =	ssyncadd.s32 $0xFFFFFF80  }
0x4b: {  	[spmem:s1] =	stream.indirect.scatter.add.f32 [tilespmem:s21], [sflag:$0x5], $0x80, s22, s19, $0xb8;
	[tilespmem:$0x1E500] =	vst v63  }
0x4c: {  	_ =	swait.ge [sflag:s17], $0x4000  }
0x4d: {  	[sflag:s17] =	ssyncset.done $0x0  }
0x4e: {  	s29 =	simm.s32 $0x180;
	[sflag:s17] =	ssyncadd.s32 $0xFFFFC000  }
0x4f: {  	[tilespmem:s21], [sflag:$0x2] =	stream.indirect.gather [hbm4b:s4+s19], $0x80, s29, s19, $0xb8;
	[tilespmem:$0x1E500] =	vst v63  }
0x50: {  	s30 =	sadd.s32 $0x20, s16;
	s31 =	smov.u32 s16;
	s29 =	simm.s32 $0x400  }
.LBB2_2:
0x51: {  	[tilespmem:s22], [sflag:$0x4] =	stream.linear.gather [hbm4b:s31+s3], $0x80, $0x38;
	[tilespmem:$0x1E500] =	vst v63  }
0x52: {  	s0 =	smov.u32 s29;
	s31 =	smov.u32 s30  }
0x53: {  	p0 =	sne.s32 s29, $0x9800;
	s29 =	sadd.s32 $0x400, s29;
	_ =	swait.ge [sflag:s23], $0x4000  }
0x54: {  	[sflag:s23] =	ssyncset.done $0x0  }
0x55: {  	[sflag:s23] =	ssyncadd.s32 $0xFFFFC000  }
0x56: {  	_ =	swait.ge [sflag:s24], $0x80  }
0x57: {  	[sflag:s24] =	ssyncset.done $0x0  }
0x58: {  	[sflag:s24] =	ssyncadd.s32 $0xFFFFFF80  }
0x59: {  	[spmem:s1] =	stream.indirect.scatter.add.f32 [tilespmem:s18], [sflag:$0x5], $0x80, s20, s19, $0xb8;
	[tilespmem:$0x1E500] =	vst v63  }
0x5a: {  	_ =	swait.ge [sflag:s17], $0x4000  }
0x5b: {  	s0 =	sshra.s32 s0, $0x2;
	[sflag:s17] =	ssyncset.done $0x0  }
0x5c: {  	s2 =	sadd.s32 $0x100, s0;
	[sflag:s17] =	ssyncadd.s32 $0xFFFFC000  }
0x5d: {  	[tilespmem:s18], [sflag:$0x1] =	stream.indirect.gather [hbm4b:s4+s19], $0x80, s2, s19, $0xb8;
	[tilespmem:$0x1E500] =	vst v63  }
0x5e: {  	s2 =	sadd.s32 $0xFFFFFFF0, s30  }
0x5f: {  	[tilespmem:s20], [sflag:$0x3] =	stream.linear.gather [hbm4b:s2+s3], $0x80, $0x38;
	[tilespmem:$0x1E500] =	vst v63  }
0x60: {  	_ =	swait.ge [sflag:s25], $0x4000  }
0x61: {  	[sflag:s25] =	ssyncset.done $0x0  }
0x62: {  	[sflag:s25] =	ssyncadd.s32 $0xFFFFC000  }
0x63: {  	_ =	swait.ge [sflag:s26], $0x80  }
0x64: {  	[sflag:s26] =	ssyncset.done $0x0  }
0x65: {  	[sflag:s26] =	ssyncadd.s32 $0xFFFFFF80  }
0x66: {  	[spmem:s1] =	stream.indirect.scatter.add.f32 [tilespmem:s21], [sflag:$0x5], $0x80, s22, s19, $0xb8;
	[tilespmem:$0x1E500] =	vst v63  }
.Ltmp0:
0x67: {  	_ =	swait.ge [sflag:s17], $0x4000;
	(pc) =	sbr.rel @p0 .LBB2_2-.Ltmp0, $4  }
0x68: {  	[sflag:s17] =	ssyncset.done $0x0  }
0x69: {  	s0 =	sadd.s32 $0x180, s0;
	[sflag:s17] =	ssyncadd.s32 $0xFFFFC000  }
0x6a: {  	[tilespmem:s21], [sflag:$0x2] =	stream.indirect.gather [hbm4b:s4+s19], $0x80, s0, s19, $0xb8;
	[tilespmem:$0x1E500] =	vst v63  }
0x6b: {  	s30 =	sadd.s32 $0x20, s30  }
0x6c: {  	[tilespmem:s22], [sflag:$0x4] =	stream.linear.gather [hbm4b:s31+s3], $0x80, $0x38;
	[tilespmem:$0x1E500] =	vst v63  }
0x6d: {  	_ =	swait.ge [sflag:s23], $0x4000  }
0x6e: {  	[sflag:s23] =	ssyncset.done $0x0  }
0x6f: {  	[sflag:s23] =	ssyncadd.s32 $0xFFFFC000  }
0x70: {  	_ =	swait.ge [sflag:s24], $0x80  }
0x71: {  	[sflag:s24] =	ssyncset.done $0x0  }
0x72: {  	[sflag:s24] =	ssyncadd.s32 $0xFFFFFF80  }
0x73: {  	[spmem:s1] =	stream.indirect.scatter.add.f32 [tilespmem:s18], [sflag:$0x5], $0x80, s20, s19, $0xb8;
	[tilespmem:$0x1E500] =	vst v63  }
0x74: {  	_ =	swait.ge [sflag:s17], $0x4000  }
0x75: {  	[sflag:s17] =	ssyncset.done $0x0  }
0x76: {  	[sflag:s17] =	ssyncadd.s32 $0xFFFFC000  }
0x77: {  	_ =	swait.ge [sflag:s25], $0x4000  }
0x78: {  	[sflag:s25] =	ssyncset.done $0x0  }
0x79: {  	[sflag:s25] =	ssyncadd.s32 $0xFFFFC000  }
0x7a: {  	_ =	swait.ge [sflag:s26], $0x80  }
0x7b: {  	[sflag:s26] =	ssyncset.done $0x0  }
0x7c: {  	[sflag:s26] =	ssyncadd.s32 $0xFFFFFF80  }
0x7d: {  	[spmem:s1] =	stream.indirect.scatter.add.f32 [tilespmem:s21], [sflag:$0x5], $0x80, s22, s19, $0xb8;
	[tilespmem:$0x1E500] =	vst v63  }
0x7e: {  	s0 =	stileid.u32;
	_ =	swait.ge [sflag:s17], $0x4000  }
0x7f: {  	s2 =	sshrl.u32 s7, $0x3;
	s28 =	sadd.s32 $0x1, s28;
	[sflag:s17] =	ssyncset.done $0x0  }
0x80: {  	s0 =	sshll.u32 s0, $0x6;
	p0 =	sne.s32 s28, s12;
	[sflag:s17] =	ssyncadd.s32 $0xFFFFC000  }
.Ltmp1:
0x81: {  	s0 =	sor.u32 $0x1C05, s0;
	[bflag:$0x0] =	sbarrier.arrive $0xFFFF;
	(pc) =	sbr.rel @p0 .LBB2_1-.Ltmp1, $4  }
0x82: {  	[hbm:s11], [sflag:s0] =	dma.local [spmem:s2], $0x2780  }
0x83: {  	_ =	swait.ge [sflag:s17], $0x2780  }
0x84: {  	[sflag:s17] =	ssyncset.done $0x0  }
0x85: {  	[sflag:s17] =	ssyncadd.s32 $0xFFFFD880  }
0x86: {  	_ =	sfence.sel $0x180000  }
0x87: {  	[bflag:$0x0] =	sbarrier.arrive $0xFFFF  }
0x88: {  	_ =	strace $0x9000004A  }
0x89: {  	s0 =	stileid.u32;
	[bflag:$0x2] =	sbarrier.arrive $0xFFFF  }
0x8a: {  	p0 =	sne.s32 s0, $0x0;
	s0 =	rddreg [dreg:$0x3]  }
0x8b: {  	s0 =	sadd.s32 @!p0 $0x100000, s0  }
0x8c: {  	[sflag:s0] =	ssyncadd.tile.s32 @!p0 $0x1;
	_ =	shalt  }
.Lfunc_end2:
_tile_overlayer_lowered:
.L_overlay_start_2:
0x8d: {  	(tag) =	ssettag $0x2  }
0x8e: {  	s0 =	rddreg [dreg:$0x0];
	s2 =	stileid.u32  }
0x8f: {  	s1 =	rddreg [dreg:$0x1];
	p0 =	sne.s32 s2, $0x0  }
0x90: {  	s3 =	rddreg [dreg:$0x2];
	[bflag:$0x3] =	sbarrier.arrive $0xFFFF;
	s2 =	simm.s32 @!p0 $0x1C05  }
0x91: {  	[timem:s3], [sflag:s2] =	dma.local @!p0 [hbm:s0], s1  }
0x92: {  	s0 =	simm.s32 @!p0 $0x5  }
0x93: {  	_ =	swait.ge @!p0 [sflag:s0], s1  }
0x94: {  	s1 =	ssub.s32 @!p0 $0x0, s1;
	[sflag:s0] =	ssyncset.done @!p0 $0x0  }
0x95: {  	[sflag:s0] =	ssyncadd.s32 @!p0 s1  }
0x96: {  	[bflag:$0x3] =	sbarrier.arrive $0xFFFF  }
0x97: {  	_ =	shalt  }

// kernel: kernel.26.cloned.1.call-start
scs
__scs_entry_jumppad:
0x0: {  	(pc) =	sbr.rel $0x88, $3  }
0x1: {  	(tag) =	ssettag $0x0;
	lr =	simm.s32 $0x1  }
0x2: {  	[smem:$0x3F97] =	sst lr;
	_ =	strace $0xD0000000  }
0x3: {  	_ = 	snop  }
0x4: {  	_ = 	snop  }
0x5: {  	_ = 	snop  }
0x6: {  	_ = 	snop  }
0x7: {  	_ = 	snop  }
__scs_overlays_trampoline_lowered:
0x8: {  	[smem:$0x3FA6] =	sst s0  }
0x9: {  	[smem:$0x3FA7] =	sst s1  }
0xa: {  	[smem:$0x3FA8] =	sst s2  }
0xb: {  	[smem:$0x3FA9] =	sst s3  }
0xc: {  	[smem:$0x3FAA] =	sst s4  }
0xd: {  	[smem:$0x3FAB] =	sst s5  }
0xe: {  	[smem:$0x3FAC] =	sst s6  }
0xf: {  	[smem:$0x3FAD] =	sst s7  }
0x10: {  	[smem:$0x3FAE] =	sst s8  }
0x11: {  	[smem:$0x3FAF] =	sst s9;
	s0 =	simm.s32 @!p0 $0x0  }
0x12: {  	s1 =	sld [smem:$0x3F95];
	s0 =	simm.s32 @p0 $0x1  }
0x13: {  	[smem:$0x3FB0] =	sst s0;
	s0 =	simm.s32 @!p1 $0x0  }
0x14: {  	s2 =	sld [smem:$0x3F94];
	s0 =	simm.s32 @p1 $0x1  }
0x15: {  	[smem:$0x3FB1] =	sst s0;
	s0 =	simm.s32 @!p2 $0x0  }
0x16: {  	s3 =	sld [smem:$0x3FDB];
	s0 =	simm.s32 @p2 $0x1  }
0x17: {  	s4 =	simm.s32 $0x1BF5;
	[smem:$0x3FB3] =	sst s0  }
0x18: {  	s0 =	sld [smem:$0x3F96];
	_ =	swait.ge [sflag:s4], $0x0  }
0x19: {  	s7 =	sld [smem:$0x3F97]  }
0x1a: {  	s8 =	sadd.s32 $0xFFFFE003, lr  }
0x1b: {  	s9 =	sadd.s32 $0xFFFFFEF7, lr;
	s5 =	simm.s32 $0xFFFFFFFF;
	p2 =	slt.u32 s8, $0xFFFFF086  }
0x1c: {  	p1 =	slt.u32 s9, $0xF7A;
	s5 =	simm.s32 @!p2 $0x0  }
0x1d: {  	s5 =	simm.s32 @p1 $0x1;
	p0 =	seq.s32 s7, s2  }
0x1e: {  	s7 =	smul.u32 @!p0 $0xF7A, s2;
	p2 =	seq.s32 @!p0 s5, $0x0  }
0x1f: {  	s9 =	smul.u32 $0xF7A, s1;
	s8 =	simm.s32 @!p0 $0x1BF5;
	p2 =	por !p2, p0  }
0x20: {  	[sflag:s8] =	ssyncset.s32 @!p0 $0xFFFFF086;
	s6 =	sadd.s32 @!p0 s3, s7;
	s7 =	simm.s32 @!p0 $0x108  }
0x21: {  	s3 =	sadd.s32 s3, s9;
	s6 =	sadd.s32 @!p0 $0x88, s6;
	s7 =	simm.s32 @p2 $0x1082  }
0x22: {  	[simem:s7], [sflag:s8] =	dma.local @!p0 [hbm:s6], $0xF7A  }
0x23: {  	s9 =	sor.u32 $0xD0000000, s2;
	s6 =	simm.s32 $0x108;
	_ =	swait.ge @!p0 [sflag:s8], $0x0  }
0x24: {  	s3 =	sadd.s32 $0x88, s3;
	s6 =	simm.s32 @!p1 $0x1082;
	[sflag:s4] =	ssyncset.s32 $0xFFFFF086  }
0x25: {  	[simem:s6], [sflag:s4] =	dma.local [hbm:s3], $0xF7A  }
0x26: {  	[smem:$0x3F97] =	sst s1;
	(tag) =	ssettag s2;
	_ =	strace s9  }
0x27: {  	s1 =	sld [smem:$0x3FA7]  }
0x28: {  	s2 =	sld [smem:$0x3FA8]  }
0x29: {  	s4 =	sld [smem:$0x3FAA]  }
0x2a: {  	p0 =	seq.s32 s5, $0x0;
	s5 =	sld [smem:$0x3FAB]  }
0x2b: {  	s6 =	sld [smem:$0x3FAC]  }
0x2c: {  	s7 =	sld [smem:$0x3FAD]  }
0x2d: {  	s3 =	simm.s32 $0x108;
	s8 =	sld [smem:$0x3FAE]  }
0x2e: {  	s3 =	simm.s32 @!p0 $0x1082;
	s9 =	sld [smem:$0x3FAF]  }
0x2f: {  	lr =	sadd.s32 s0, s3;
	s0 =	sld [smem:$0x3FA6]  }
0x30: {  	s3 =	sld [smem:$0x3FA9]  }
0x31: {  	[smem:$0x3FB2] =	sst s10  }
0x32: {  	s10 =	sld [smem:$0x3FB0];
	_ =	sdelay $0x3  }
0x33: {  	p0 =	seq.s32 s10, $0x1;
	s10 =	sld [smem:$0x3FB2];
	_ =	sdelay $0x3  }
0x34: {  	[smem:$0x3FB2] =	sst s10  }
0x35: {  	s10 =	sld [smem:$0x3FB1];
	_ =	sdelay $0x3  }
0x36: {  	p1 =	seq.s32 s10, $0x1;
	s10 =	sld [smem:$0x3FB2];
	_ =	sdelay $0x3  }
0x37: {  	[smem:$0x3FB2] =	sst s10  }
0x38: {  	s10 =	sld [smem:$0x3FB3]  }
0x39: {  	_ = 	snop;
	(pc) =	sbr.ind lr, $3  }
0x3a: {  	_ = 	snop  }
0x3b: {  	_ = 	snop  }
0x3c: {  	p2 =	seq.s32 s10, $0x1;
	s10 =	sld [smem:$0x3FB2]  }
0x3d: {  	_ =	shalt  }
0x3e: {  	_ =	shalt  }
0x3f: {  	_ =	shalt  }
0x40: {  	_ =	shalt  }
0x41: {  	_ =	shalt  }
0x42: {  	_ =	shalt  }
0x43: {  	_ =	shalt  }
0x44: {  	_ =	shalt  }
0x45: {  	_ =	shalt  }
0x46: {  	_ =	shalt  }
0x47: {  	_ =	shalt  }
0x48: {  	_ =	shalt  }
0x49: {  	_ =	shalt  }
0x4a: {  	_ =	shalt  }
0x4b: {  	_ =	shalt  }
0x4c: {  	_ =	shalt  }
0x4d: {  	_ =	shalt  }
0x4e: {  	_ =	shalt  }
0x4f: {  	_ =	shalt  }
0x50: {  	_ =	shalt  }
0x51: {  	_ =	shalt  }
0x52: {  	_ =	shalt  }
0x53: {  	_ =	shalt  }
0x54: {  	_ =	shalt  }
0x55: {  	_ =	shalt  }
0x56: {  	_ =	shalt  }
0x57: {  	_ =	shalt  }
0x58: {  	_ =	shalt  }
0x59: {  	_ =	shalt  }
0x5a: {  	_ =	shalt  }
0x5b: {  	_ =	shalt  }
0x5c: {  	_ =	shalt  }
0x5d: {  	_ =	shalt  }
0x5e: {  	_ =	shalt  }
0x5f: {  	_ =	shalt  }
0x60: {  	_ =	shalt  }
0x61: {  	_ =	shalt  }
0x62: {  	_ =	shalt  }
0x63: {  	_ =	shalt  }
0x64: {  	_ =	shalt  }
0x65: {  	_ =	shalt  }
0x66: {  	_ =	shalt  }
0x67: {  	_ =	shalt  }
0x68: {  	_ =	shalt  }
0x69: {  	_ =	shalt  }
0x6a: {  	_ =	shalt  }
0x6b: {  	_ =	shalt  }
0x6c: {  	_ =	shalt  }
0x6d: {  	_ =	shalt  }
0x6e: {  	_ =	shalt  }
0x6f: {  	_ =	shalt  }
0x70: {  	_ =	shalt  }
0x71: {  	_ =	shalt  }
0x72: {  	_ =	shalt  }
0x73: {  	_ =	shalt  }
0x74: {  	_ =	shalt  }
0x75: {  	_ =	shalt  }
0x76: {  	_ =	shalt  }
0x77: {  	_ =	shalt  }
0x78: {  	_ =	shalt  }
0x79: {  	_ =	shalt  }
0x7a: {  	_ =	shalt  }
0x7b: {  	_ =	shalt  }
0x7c: {  	_ =	shalt  }
0x7d: {  	_ =	shalt  }
0x7e: {  	_ =	shalt  }
0x7f: {  	_ =	shalt  }
0x80: {  	_ =	shalt  }
0x81: {  	_ =	shalt  }
0x82: {  	_ =	shalt  }
0x83: {  	_ =	shalt  }
0x84: {  	_ =	shalt  }
0x85: {  	_ =	shalt  }
0x86: {  	_ =	shalt  }
0x87: {  	_ =	shalt  }
.Lfunc_end0:
.L_simem_size_0:
called_computation.2_lowered:
.L_overlay_start_0:
0x88: {  	s2 =	sld [smem:$0x3FD9]  }
0x89: {  	s3 =	sld [smem:$0x3FFE];
	_ =	sdelay $0x1  }
0x8a: {  	s1 =	srdreg.scid  }
0x8b: {  	s0 =	sand.u32 $0x1, s1  }
0x8c: {  	s17 =	sshll.u32 s0, $0xA;
	s2 =	sadd.s32 s3, s2  }
0x8d: {  	s2 =	sadd.s32 s2, s17  }
0x8e: {  	[smem:$0x3FBE] =	sst s2  }
0x8f: {  	_ = 	snop  }
0x90: {  	s2 =	sld [smem:$0x3FD0];
	(tm) =	ssettm $0x1  }
0x91: {  	s18 =	sld [smem:$0x3FFB];
	_ =	sdelay $0x3  }
0x92: {  	_ =	strace s18  }
0x93: {  	s3 =	sld [smem:$0x3FFC];
	_ =	sdelay $0x3  }
0x94: {  	_ =	strace s3  }
0x95: {  	s3 =	sld [smem:$0x3FFD];
	_ =	sdelay $0x3  }
0x96: {  	_ =	strace s3  }
0x97: {  	_ =	strace $0x8FFFFFFF  }
0x98: {  	s19 =	sld [smem:$0x3FDB];
	_ =	sdelay $0x1  }
0x99: {  	s4 =	simm.s32 $_scs_section_size  }
0x9a: {  	s5 =	simm.s32 $_size__tile_overlayer_lowered;
	s6 =	simm.s32 $_tile_overlayer_lowered  }
0x9b: {  	s22 =	simm.s32 $0x1BFF;
	s21 =	sshll.u32 s6, $0x1;
	s3 =	sadd.s32 s4, s19  }
0x9c: {  	s7 =	simm.s32 $0x0;
	s20 =	sshll.u32 s5, $0x1;
	s5 =	sadd.s32 s21, s3  }
0x9d: {  	[timem:s7], [sflag:s22] =	dma.local [hbm:s5], s20  }
0x9e: {  	_ =	swait.ge [sflag:s22], s20  }
0x9f: {  	s4 =	ssub.s32 $0x0, s20;
	[sflag:s22] =	ssyncset.done $0x0  }
0xa0: {  	[sflag:s22] =	ssyncadd.s32 s4;
	_ =	sdelay $0x1  }
0xa1: {  	s23 =	simm.s32 $0x1B8B  }
0xa2: {  	_ =	swait.ge [sflag:s23], $0x1  }
0xa3: {  	[sflag:s23] =	ssyncset.done $0x0  }
0xa4: {  	s25 =	simm.s32 $0x1B8E;
	s24 =	sld [smem:$0x3FFE];
	[sflag:s23] =	ssyncadd.s32 $0xFFFFFFFF  }
0xa5: {  	s26 =	simm.s32 $execute0_lowered;
	[smem:$0x3FD2] =	sst s25  }
0xa6: {  	s5 =	sshll.u32 s26, $0x1;
	_ =	strace $0x8000004C;
	[dreg:$0x1] =	wrdreg $0xFFFFFFFF  }
0xa7: {  	s28 =	simm.s32 $_size_execute0_lowered;
	s3 =	sadd.s32 s3, s5;
	[dreg:$0x0] =	wrdreg $0x0  }
0xa8: {  	s5 =	sshll.u32 s28, $0x1;
	[dreg:$0x2] =	wrdreg s3  }
0xa9: {  	[dreg:$0x3] =	wrdreg s5  }
0xaa: {  	[dreg:$0x4] =	wrdreg $0xC0  }
0xab: {  	_ =	task [dreg:s7], $0x5FFFF  }
0xac: {  	[dreg:$0x1] =	wrdreg $0xFFFFFFFF  }
0xad: {  	[dreg:$0x0] =	wrdreg $0x60  }
0xae: {  	[dreg:$0x2] =	wrdreg s24  }
0xaf: {  	[dreg:$0x3] =	wrdreg s2  }
0xb0: {  	[dreg:$0x4] =	wrdreg $0xA9000  }
0xb1: {  	[dreg:$0x5] =	wrdreg $0x9  }
0xb2: {  	_ =	task.clear_ibuf [dreg:s7], $0x6FFFF;
	_ =	strace $0x9000004C  }
0xb3: {  	s29 =	simm.s32 $0x9;
	_ =	strace $0x8000004E  }
0xb4: {  	_ =	swait.ge [sflag:s29], $0x1  }
0xb5: {  	[sflag:s29] =	ssyncadd.s32 $0xFFFFFFFF  }
0xb6: {  	_ =	strace $0x9000004E  }
0xb7: {  	_ =	sfence  }
0xb8: {  	s30 =	sld [smem:$0x0];
	_ =	sdelay $0x2  }
0xb9: {  	s31 =	sshll.u32 s1, $0xD;
	s1 =	sshrl.u32 s1, $0x2  }
0xba: {  	s3 =	sand.u32 $0x4000, s31;
	s1 =	sadd.s32 s1, s30  }
0xbb: {  	s0 =	sor.u32 s3, s0;
	s1 =	sshll.u32 s1, $0x11  }
0xbc: {  	s0 =	sor.u32 s1, s0  }
0xbd: {  	s0 =	sadd.s32 $0x8F2B, s0  }
0xbe: {  	[sflag:s0] =	ssyncadd.remote.s32 $0x1  }
0xbf: {  	_ =	sfence.sel $0xFFFF  }
0xc0: {  	[dreg:$0x0] =	wrdreg $0xFFFFFFFF;
	(pc) =	sbr.abs _section_cstart, $3  }
0xc1: {  	[dreg:$0x1] =	wrdreg $0xFFFFFFFF  }
0xc2: {  	_ =	task.clear_ibuf [dreg:s7], $0x2FFFF;
	_ =	strace $0x9FFFFFFF  }
0xc3: {  	(tm) =	ssettm $0x7FFFFFFF  }
tec
execute0_lowered:
.L_overlay_start_1:
0x0: {  	(tag) =	ssettag $0x1  }
0x1: {  	s6 =	rddreg [dreg:$0x0]  }
0x2: {  	s7 =	rddreg [dreg:$0x1]  }
0x3: {  	s1 =	rddreg [dreg:$0x2]  }
0x4: {  	s3 =	simm.s32 $0x0;
	s2 =	srdreg.scid;
	s0 =	stileid.u32  }
0x5: {  	s18 =	simm.s32 $0x2800;
	s19 =	simm.s32 $0x80;
	s20 =	simm.s32 $0xA800  }
0x6: {  	s21 =	simm.s32 $0x6800;
	s22 =	simm.s32 $0xA880;
	s23 =	simm.s32 $0x1  }
0x7: {  	s24 =	simm.s32 $0x3;
	s25 =	simm.s32 $0x2;
	s9 =	smul.u32 $0x13C00, s0  }
0x8: {  	s28 =	simm.s32 $0x0;
	[smem:$0x7FF] =	sst s3;
	s29 =	smul.u32 $0x4F000, s0  }
0x9: {  	s10 =	sand.u32 $0x1, s2;
	s4 =	sadd.s32 $0x39800, s6;
	s16 =	smul.u32 $0x500, s0  }
0xa: {  	s14 =	sadd.s32 $0x7800, s6;
	s5 =	sadd.s32 $0x11800, s6;
	s8 =	smul.u32 $0x13C000, s10  }
0xb: {  	_ =	strace $0x8000004D;
	s11 =	sshll.u32 s10, $0x4;
	s12 =	ssub.s32 $0x2, s10  }
0xc: {  	s15 =	smul.u32 $0x5000, s10;
	s26 =	sor.u32 s0, s11;
	s30 =	sshrl.u32 s12, $0x1  }
0xd: {  	s31 =	sshrl.u32 s29, $0x2;
	s8 =	sadd.s32 s9, s8;
	s9 =	smul.u32 $0x500, s26  }
0xe: {  	s12 =	ssub.s32 s12, s30;
	s17 =	sadd.s32 s15, s14;
	s26 =	simm.s32 $0x4  }
0xf: {  	s8 =	sshrl.u32 s8, $0x3;
	s12 =	smax.u32 s12, $0x1;
	s16 =	sadd.s32 s16, s17  }
0x10: {  	s17 =	simm.s32 $0x5;
	s13 =	sadd.s32 s8, s6;
	s6 =	sadd.s32 s7, s9  }
0x11: {  	s7 =	sadd.s32 s31, s1;
	s9 =	sadd.s32 s14, s9;
	s16 =	sadd.s32 $0x30, s16  }
0x12: {  	s8 =	sadd.s32 $0x10000, s7;
	s10 =	sadd.s32 $0x10, s9;
	s11 =	sadd.s32 $0x88800, s13  }
0x13: {  	s13 =	sadd.s32 $0x4000, s7;
	s14 =	sadd.s32 $0x8000, s7;
	s15 =	sadd.s32 $0xC000, s7  }
.LBB2_1:
0x14: {  	[tilespmem:s3], [sflag:$0x5] =	stream.linear.gather [hbm4b:s6+s3], $0x2800, $0x38;
	[tilespmem:$0x1E500] =	vst v63  }
0x15: {  	_ =	swait.ge [sflag:s17], $0x2800  }
0x16: {  	[sflag:s17] =	ssyncset.done $0x0  }
0x17: {  	[sflag:s17] =	ssyncadd.s32 $0xFFFFD800  }
0x18: {  	[tilespmem:s18], [sflag:$0x5] =	stream.linear.gather [hbm4b:s5+s3], $0x4000, $0x38;
	[tilespmem:$0x1E500] =	vst v63  }
0x19: {  	_ =	swait.ge [sflag:s17], $0x4000  }
0x1a: {  	[sflag:s17] =	ssyncset.done $0x0  }
0x1b: {  	[sflag:s17] =	ssyncadd.s32 $0xFFFFC000  }
0x1c: {  	[spmem:s7] =	stream.linear.scatter [tilespmem:s18], [sflag:$0x5], $0x4000, $0x38;
	[tilespmem:$0x1E500] =	vst v63  }
0x1d: {  	_ =	swait.ge [sflag:s17], $0x4000  }
0x1e: {  	[sflag:s17] =	ssyncset.done $0x0  }
0x1f: {  	[sflag:s17] =	ssyncadd.s32 $0xFFFFC000  }
0x20: {  	[spmem:s13] =	stream.linear.scatter [tilespmem:s18], [sflag:$0x5], $0x4000, $0x38;
	[tilespmem:$0x1E500] =	vst v63  }
0x21: {  	_ =	swait.ge [sflag:s17], $0x4000  }
0x22: {  	[sflag:s17] =	ssyncset.done $0x0  }
0x23: {  	[sflag:s17] =	ssyncadd.s32 $0xFFFFC000  }
0x24: {  	[spmem:s14] =	stream.linear.scatter [tilespmem:s18], [sflag:$0x5], $0x4000, $0x38;
	[tilespmem:$0x1E500] =	vst v63  }
0x25: {  	_ =	swait.ge [sflag:s17], $0x4000  }
0x26: {  	[sflag:s17] =	ssyncset.done $0x0  }
0x27: {  	[sflag:s17] =	ssyncadd.s32 $0xFFFFC000  }
0x28: {  	[spmem:s15] =	stream.linear.scatter [tilespmem:s18], [sflag:$0x5], $0x4000, $0x38;
	[tilespmem:$0x1E500] =	vst v63  }
0x29: {  	_ =	swait.ge [sflag:s17], $0x4000  }
0x2a: {  	[sflag:s17] =	ssyncset.done $0x0  }
0x2b: {  	[sflag:s17] =	ssyncadd.s32 $0xFFFFC000  }
0x2c: {  	[spmem:s8] =	stream.linear.scatter [tilespmem:s18], [sflag:$0x5], $0x3C00, $0x38;
	[tilespmem:$0x1E500] =	vst v63  }
0x2d: {  	_ =	swait.ge [sflag:s17], $0x3C00  }
0x2e: {  	[sflag:s17] =	ssyncset.done $0x0  }
0x2f: {  	[sflag:s17] =	ssyncadd.s32 $0xFFFFC400  }
0x30: {  	[tilespmem:s18], [sflag:$0x1] =	stream.indirect.gather [hbm4b:s4+s19], $0x80, s3, s19, $0xb8;
	[tilespmem:$0x1E500] =	vst v63  }
0x31: {  	_ = 	snop  }
0x32: {  	[tilespmem:s20], [sflag:$0x3] =	stream.linear.gather [hbm4b:s9+s3], $0x80, $0x38;
	[tilespmem:$0x1E500] =	vst v63  }
0x33: {  	_ = 	snop  }
0x34: {  	[tilespmem:s21], [sflag:$0x2] =	stream.indirect.gather [hbm4b:s4+s19], $0x80, s19, s19, $0xb8;
	[tilespmem:$0x1E500] =	vst v63  }
0x35: {  	_ = 	snop  }
0x36: {  	[tilespmem:s22], [sflag:$0x4] =	stream.linear.gather [hbm4b:s10+s3], $0x80, $0x38;
	[tilespmem:$0x1E500] =	vst v63  }
0x37: {  	[bflag:$0x0] =	sbarrier.arrive $0xFFFF  }
0x38: {  	_ =	swait.ge [sflag:s23], $0x4000  }
0x39: {  	[sflag:s23] =	ssyncset.done $0x0  }
0x3a: {  	[sflag:s23] =	ssyncadd.s32 $0xFFFFC000  }
0x3b: {  	_ =	swait.ge [sflag:s24], $0x80  }
0x3c: {  	[sflag:s24] =	ssyncset.done $0x0  }
0x3d: {  	[sflag:s24] =	ssyncadd.s32 $0xFFFFFF80  }
0x3e: {  	[spmem:s1] =	stream.indirect.scatter.add.f32 [tilespmem:s18], [sflag:$0x5], $0x80, s20, s19, $0xb8;
	[tilespmem:$0x1E500] =	vst v63  }
0x3f: {  	_ =	swait.ge [sflag:s17], $0x4000  }
0x40: {  	[sflag:s17] =	ssyncset.done $0x0  }
0x41: {  	s29 =	simm.s32 $0x100;
	[sflag:s17] =	ssyncadd.s32 $0xFFFFC000  }
0x42: {  	[tilespmem:s18], [sflag:$0x1] =	stream.indirect.gather [hbm4b:s4+s19], $0x80, s29, s19, $0xb8;
	[tilespmem:$0x1E500] =	vst v63  }
0x43: {  	s29 =	sadd.s32 $0xFFFFFFF0, s16  }
0x44: {  	[tilespmem:s20], [sflag:$0x3] =	stream.linear.gather [hbm4b:s29+s3], $0x80, $0x38;
	[tilespmem:$0x1E500] =	vst v63  }
0x45: {  	_ =	swait.ge [sflag:s25], $0x4000  }
0x46: {  	[sflag:s25] =	ssyncset.done $0x0  }
0x47: {  	[sflag:s25] =	ssyncadd.s32 $0xFFFFC000  }
0x48: {  	_ =	swait.ge [sflag:s26], $0x80  }
0x49: {  	[sflag:s26] =	ssyncset.done $0x0  }
0x4a: {  	[sflag:s26] =	ssyncadd.s32 $0xFFFFFF80  }
0x4b: {  	[spmem:s1] =	stream.indirect.scatter.add.f32 [tilespmem:s21], [sflag:$0x5], $0x80, s22, s19, $0xb8;
	[tilespmem:$0x1E500] =	vst v63  }
0x4c: {  	_ =	swait.ge [sflag:s17], $0x4000  }
0x4d: {  	[sflag:s17] =	ssyncset.done $0x0  }
0x4e: {  	s29 =	simm.s32 $0x180;
	[sflag:s17] =	ssyncadd.s32 $0xFFFFC000  }
0x4f: {  	[tilespmem:s21], [sflag:$0x2] =	stream.indirect.gather [hbm4b:s4+s19], $0x80, s29, s19, $0xb8;
	[tilespmem:$0x1E500] =	vst v63  }
0x50: {  	s30 =	sadd.s32 $0x20, s16;
	s31 =	smov.u32 s16;
	s29 =	simm.s32 $0x400  }
.LBB2_2:
0x51: {  	[tilespmem:s22], [sflag:$0x4] =	stream.linear.gather [hbm4b:s31+s3], $0x80, $0x38;
	[tilespmem:$0x1E500] =	vst v63  }
0x52: {  	s0 =	smov.u32 s29;
	s31 =	smov.u32 s30  }
0x53: {  	p0 =	sne.s32 s29, $0x9800;
	s29 =	sadd.s32 $0x400, s29;
	_ =	swait.ge [sflag:s23], $0x4000  }
0x54: {  	[sflag:s23] =	ssyncset.done $0x0  }
0x55: {  	[sflag:s23] =	ssyncadd.s32 $0xFFFFC000  }
0x56: {  	_ =	swait.ge [sflag:s24], $0x80  }
0x57: {  	[sflag:s24] =	ssyncset.done $0x0  }
0x58: {  	[sflag:s24] =	ssyncadd.s32 $0xFFFFFF80  }
0x59: {  	[spmem:s1] =	stream.indirect.scatter.add.f32 [tilespmem:s18], [sflag:$0x5], $0x80, s20, s19, $0xb8;
	[tilespmem:$0x1E500] =	vst v63  }
0x5a: {  	_ =	swait.ge [sflag:s17], $0x4000  }
0x5b: {  	s0 =	sshra.s32 s0, $0x2;
	[sflag:s17] =	ssyncset.done $0x0  }
0x5c: {  	s2 =	sadd.s32 $0x100, s0;
	[sflag:s17] =	ssyncadd.s32 $0xFFFFC000  }
0x5d: {  	[tilespmem:s18], [sflag:$0x1] =	stream.indirect.gather [hbm4b:s4+s19], $0x80, s2, s19, $0xb8;
	[tilespmem:$0x1E500] =	vst v63  }
0x5e: {  	s2 =	sadd.s32 $0xFFFFFFF0, s30  }
0x5f: {  	[tilespmem:s20], [sflag:$0x3] =	stream.linear.gather [hbm4b:s2+s3], $0x80, $0x38;
	[tilespmem:$0x1E500] =	vst v63  }
0x60: {  	_ =	swait.ge [sflag:s25], $0x4000  }
0x61: {  	[sflag:s25] =	ssyncset.done $0x0  }
0x62: {  	[sflag:s25] =	ssyncadd.s32 $0xFFFFC000  }
0x63: {  	_ =	swait.ge [sflag:s26], $0x80  }
0x64: {  	[sflag:s26] =	ssyncset.done $0x0  }
0x65: {  	[sflag:s26] =	ssyncadd.s32 $0xFFFFFF80  }
0x66: {  	[spmem:s1] =	stream.indirect.scatter.add.f32 [tilespmem:s21], [sflag:$0x5], $0x80, s22, s19, $0xb8;
	[tilespmem:$0x1E500] =	vst v63  }
.Ltmp0:
0x67: {  	_ =	swait.ge [sflag:s17], $0x4000;
	(pc) =	sbr.rel @p0 .LBB2_2-.Ltmp0, $4  }
0x68: {  	[sflag:s17] =	ssyncset.done $0x0  }
0x69: {  	s0 =	sadd.s32 $0x180, s0;
	[sflag:s17] =	ssyncadd.s32 $0xFFFFC000  }
0x6a: {  	[tilespmem:s21], [sflag:$0x2] =	stream.indirect.gather [hbm4b:s4+s19], $0x80, s0, s19, $0xb8;
	[tilespmem:$0x1E500] =	vst v63  }
0x6b: {  	s30 =	sadd.s32 $0x20, s30  }
0x6c: {  	[tilespmem:s22], [sflag:$0x4] =	stream.linear.gather [hbm4b:s31+s3], $0x80, $0x38;
	[tilespmem:$0x1E500] =	vst v63  }
0x6d: {  	_ =	swait.ge [sflag:s23], $0x4000  }
0x6e: {  	[sflag:s23] =	ssyncset.done $0x0  }
0x6f: {  	[sflag:s23] =	ssyncadd.s32 $0xFFFFC000  }
0x70: {  	_ =	swait.ge [sflag:s24], $0x80  }
0x71: {  	[sflag:s24] =	ssyncset.done $0x0  }
0x72: {  	[sflag:s24] =	ssyncadd.s32 $0xFFFFFF80  }
0x73: {  	[spmem:s1] =	stream.indirect.scatter.add.f32 [tilespmem:s18], [sflag:$0x5], $0x80, s20, s19, $0xb8;
	[tilespmem:$0x1E500] =	vst v63  }
0x74: {  	_ =	swait.ge [sflag:s17], $0x4000  }
0x75: {  	[sflag:s17] =	ssyncset.done $0x0  }
0x76: {  	[sflag:s17] =	ssyncadd.s32 $0xFFFFC000  }
0x77: {  	_ =	swait.ge [sflag:s25], $0x4000  }
0x78: {  	[sflag:s25] =	ssyncset.done $0x0  }
0x79: {  	[sflag:s25] =	ssyncadd.s32 $0xFFFFC000  }
0x7a: {  	_ =	swait.ge [sflag:s26], $0x80  }
0x7b: {  	[sflag:s26] =	ssyncset.done $0x0  }
0x7c: {  	[sflag:s26] =	ssyncadd.s32 $0xFFFFFF80  }
0x7d: {  	[spmem:s1] =	stream.indirect.scatter.add.f32 [tilespmem:s21], [sflag:$0x5], $0x80, s22, s19, $0xb8;
	[tilespmem:$0x1E500] =	vst v63  }
0x7e: {  	s0 =	stileid.u32;
	_ =	swait.ge [sflag:s17], $0x4000  }
0x7f: {  	s2 =	sshrl.u32 s7, $0x3;
	s28 =	sadd.s32 $0x1, s28;
	[sflag:s17] =	ssyncset.done $0x0  }
0x80: {  	s0 =	sshll.u32 s0, $0x6;
	p0 =	sne.s32 s28, s12;
	[sflag:s17] =	ssyncadd.s32 $0xFFFFC000  }
.Ltmp1:
0x81: {  	s0 =	sor.u32 $0x1C05, s0;
	[bflag:$0x0] =	sbarrier.arrive $0xFFFF;
	(pc) =	sbr.rel @p0 .LBB2_1-.Ltmp1, $4  }
0x82: {  	[hbm:s11], [sflag:s0] =	dma.local [spmem:s2], $0x2780  }
0x83: {  	_ =	swait.ge [sflag:s17], $0x2780  }
0x84: {  	[sflag:s17] =	ssyncset.done $0x0  }
0x85: {  	[sflag:s17] =	ssyncadd.s32 $0xFFFFD880  }
0x86: {  	_ =	sfence.sel $0x180000  }
0x87: {  	[bflag:$0x0] =	sbarrier.arrive $0xFFFF  }
0x88: {  	_ =	strace $0x9000004D  }
0x89: {  	s0 =	stileid.u32;
	[bflag:$0x2] =	sbarrier.arrive $0xFFFF  }
0x8a: {  	p0 =	sne.s32 s0, $0x0;
	s0 =	rddreg [dreg:$0x3]  }
0x8b: {  	s0 =	sadd.s32 @!p0 $0x100000, s0  }
0x8c: {  	[sflag:s0] =	ssyncadd.tile.s32 @!p0 $0x1;
	_ =	shalt  }
.Lfunc_end2:
_tile_overlayer_lowered:
.L_overlay_start_2:
0x8d: {  	(tag) =	ssettag $0x2  }
0x8e: {  	s0 =	rddreg [dreg:$0x0];
	s2 =	stileid.u32  }
0x8f: {  	s1 =	rddreg [dreg:$0x1];
	p0 =	sne.s32 s2, $0x0  }
0x90: {  	s3 =	rddreg [dreg:$0x2];
	[bflag:$0x3] =	sbarrier.arrive $0xFFFF;
	s2 =	simm.s32 @!p0 $0x1C05  }
0x91: {  	[timem:s3], [sflag:s2] =	dma.local @!p0 [hbm:s0], s1  }
0x92: {  	s0 =	simm.s32 @!p0 $0x5  }
0x93: {  	_ =	swait.ge @!p0 [sflag:s0], s1  }
0x94: {  	s1 =	ssub.s32 @!p0 $0x0, s1;
	[sflag:s0] =	ssyncset.done @!p0 $0x0  }
0x95: {  	[sflag:s0] =	ssyncadd.s32 @!p0 s1  }
0x96: {  	[bflag:$0x3] =	sbarrier.arrive $0xFFFF  }
0x97: {  	_ =	shalt  }

// kernel: kernel.29.cloned.1.call-start
scs
__scs_entry_jumppad:
0x0: {  	(pc) =	sbr.rel $0x88, $3  }
0x1: {  	(tag) =	ssettag $0x0;
	lr =	simm.s32 $0x1  }
0x2: {  	[smem:$0x3F97] =	sst lr;
	_ =	strace $0xD0000000  }
0x3: {  	_ = 	snop  }
0x4: {  	_ = 	snop  }
0x5: {  	_ = 	snop  }
0x6: {  	_ = 	snop  }
0x7: {  	_ = 	snop  }
__scs_overlays_trampoline_lowered:
0x8: {  	[smem:$0x3FA6] =	sst s0  }
0x9: {  	[smem:$0x3FA7] =	sst s1  }
0xa: {  	[smem:$0x3FA8] =	sst s2  }
0xb: {  	[smem:$0x3FA9] =	sst s3  }
0xc: {  	[smem:$0x3FAA] =	sst s4  }
0xd: {  	[smem:$0x3FAB] =	sst s5  }
0xe: {  	[smem:$0x3FAC] =	sst s6  }
0xf: {  	[smem:$0x3FAD] =	sst s7  }
0x10: {  	[smem:$0x3FAE] =	sst s8  }
0x11: {  	[smem:$0x3FAF] =	sst s9;
	s0 =	simm.s32 @!p0 $0x0  }
0x12: {  	s1 =	sld [smem:$0x3F95];
	s0 =	simm.s32 @p0 $0x1  }
0x13: {  	[smem:$0x3FB0] =	sst s0;
	s0 =	simm.s32 @!p1 $0x0  }
0x14: {  	s2 =	sld [smem:$0x3F94];
	s0 =	simm.s32 @p1 $0x1  }
0x15: {  	[smem:$0x3FB1] =	sst s0;
	s0 =	simm.s32 @!p2 $0x0  }
0x16: {  	s3 =	sld [smem:$0x3FDB];
	s0 =	simm.s32 @p2 $0x1  }
0x17: {  	s4 =	simm.s32 $0x1BF5;
	[smem:$0x3FB3] =	sst s0  }
0x18: {  	s0 =	sld [smem:$0x3F96];
	_ =	swait.ge [sflag:s4], $0x0  }
0x19: {  	s7 =	sld [smem:$0x3F97]  }
0x1a: {  	s8 =	sadd.s32 $0xFFFFE003, lr  }
0x1b: {  	s9 =	sadd.s32 $0xFFFFFEF7, lr;
	s5 =	simm.s32 $0xFFFFFFFF;
	p2 =	slt.u32 s8, $0xFFFFF086  }
0x1c: {  	p1 =	slt.u32 s9, $0xF7A;
	s5 =	simm.s32 @!p2 $0x0  }
0x1d: {  	s5 =	simm.s32 @p1 $0x1;
	p0 =	seq.s32 s7, s2  }
0x1e: {  	s7 =	smul.u32 @!p0 $0xF7A, s2;
	p2 =	seq.s32 @!p0 s5, $0x0  }
0x1f: {  	s9 =	smul.u32 $0xF7A, s1;
	s8 =	simm.s32 @!p0 $0x1BF5;
	p2 =	por !p2, p0  }
0x20: {  	[sflag:s8] =	ssyncset.s32 @!p0 $0xFFFFF086;
	s6 =	sadd.s32 @!p0 s3, s7;
	s7 =	simm.s32 @!p0 $0x108  }
0x21: {  	s3 =	sadd.s32 s3, s9;
	s6 =	sadd.s32 @!p0 $0x88, s6;
	s7 =	simm.s32 @p2 $0x1082  }
0x22: {  	[simem:s7], [sflag:s8] =	dma.local @!p0 [hbm:s6], $0xF7A  }
0x23: {  	s9 =	sor.u32 $0xD0000000, s2;
	s6 =	simm.s32 $0x108;
	_ =	swait.ge @!p0 [sflag:s8], $0x0  }
0x24: {  	s3 =	sadd.s32 $0x88, s3;
	s6 =	simm.s32 @!p1 $0x1082;
	[sflag:s4] =	ssyncset.s32 $0xFFFFF086  }
0x25: {  	[simem:s6], [sflag:s4] =	dma.local [hbm:s3], $0xF7A  }
0x26: {  	[smem:$0x3F97] =	sst s1;
	(tag) =	ssettag s2;
	_ =	strace s9  }
0x27: {  	s1 =	sld [smem:$0x3FA7]  }
0x28: {  	s2 =	sld [smem:$0x3FA8]  }
0x29: {  	s4 =	sld [smem:$0x3FAA]  }
0x2a: {  	p0 =	seq.s32 s5, $0x0;
	s5 =	sld [smem:$0x3FAB]  }
0x2b: {  	s6 =	sld [smem:$0x3FAC]  }
0x2c: {  	s7 =	sld [smem:$0x3FAD]  }
0x2d: {  	s3 =	simm.s32 $0x108;
	s8 =	sld [smem:$0x3FAE]  }
0x2e: {  	s3 =	simm.s32 @!p0 $0x1082;
	s9 =	sld [smem:$0x3FAF]  }
0x2f: {  	lr =	sadd.s32 s0, s3;
	s0 =	sld [smem:$0x3FA6]  }
0x30: {  	s3 =	sld [smem:$0x3FA9]  }
0x31: {  	[smem:$0x3FB2] =	sst s10  }
0x32: {  	s10 =	sld [smem:$0x3FB0];
	_ =	sdelay $0x3  }
0x33: {  	p0 =	seq.s32 s10, $0x1;
	s10 =	sld [smem:$0x3FB2];
	_ =	sdelay $0x3  }
0x34: {  	[smem:$0x3FB2] =	sst s10  }
0x35: {  	s10 =	sld [smem:$0x3FB1];
	_ =	sdelay $0x3  }
0x36: {  	p1 =	seq.s32 s10, $0x1;
	s10 =	sld [smem:$0x3FB2];
	_ =	sdelay $0x3  }
0x37: {  	[smem:$0x3FB2] =	sst s10  }
0x38: {  	s10 =	sld [smem:$0x3FB3]  }
0x39: {  	_ = 	snop;
	(pc) =	sbr.ind lr, $3  }
0x3a: {  	_ = 	snop  }
0x3b: {  	_ = 	snop  }
0x3c: {  	p2 =	seq.s32 s10, $0x1;
	s10 =	sld [smem:$0x3FB2]  }
0x3d: {  	_ =	shalt  }
0x3e: {  	_ =	shalt  }
0x3f: {  	_ =	shalt  }
0x40: {  	_ =	shalt  }
0x41: {  	_ =	shalt  }
0x42: {  	_ =	shalt  }
0x43: {  	_ =	shalt  }
0x44: {  	_ =	shalt  }
0x45: {  	_ =	shalt  }
0x46: {  	_ =	shalt  }
0x47: {  	_ =	shalt  }
0x48: {  	_ =	shalt  }
0x49: {  	_ =	shalt  }
0x4a: {  	_ =	shalt  }
0x4b: {  	_ =	shalt  }
0x4c: {  	_ =	shalt  }
0x4d: {  	_ =	shalt  }
0x4e: {  	_ =	shalt  }
0x4f: {  	_ =	shalt  }
0x50: {  	_ =	shalt  }
0x51: {  	_ =	shalt  }
0x52: {  	_ =	shalt  }
0x53: {  	_ =	shalt  }
0x54: {  	_ =	shalt  }
0x55: {  	_ =	shalt  }
0x56: {  	_ =	shalt  }
0x57: {  	_ =	shalt  }
0x58: {  	_ =	shalt  }
0x59: {  	_ =	shalt  }
0x5a: {  	_ =	shalt  }
0x5b: {  	_ =	shalt  }
0x5c: {  	_ =	shalt  }
0x5d: {  	_ =	shalt  }
0x5e: {  	_ =	shalt  }
0x5f: {  	_ =	shalt  }
0x60: {  	_ =	shalt  }
0x61: {  	_ =	shalt  }
0x62: {  	_ =	shalt  }
0x63: {  	_ =	shalt  }
0x64: {  	_ =	shalt  }
0x65: {  	_ =	shalt  }
0x66: {  	_ =	shalt  }
0x67: {  	_ =	shalt  }
0x68: {  	_ =	shalt  }
0x69: {  	_ =	shalt  }
0x6a: {  	_ =	shalt  }
0x6b: {  	_ =	shalt  }
0x6c: {  	_ =	shalt  }
0x6d: {  	_ =	shalt  }
0x6e: {  	_ =	shalt  }
0x6f: {  	_ =	shalt  }
0x70: {  	_ =	shalt  }
0x71: {  	_ =	shalt  }
0x72: {  	_ =	shalt  }
0x73: {  	_ =	shalt  }
0x74: {  	_ =	shalt  }
0x75: {  	_ =	shalt  }
0x76: {  	_ =	shalt  }
0x77: {  	_ =	shalt  }
0x78: {  	_ =	shalt  }
0x79: {  	_ =	shalt  }
0x7a: {  	_ =	shalt  }
0x7b: {  	_ =	shalt  }
0x7c: {  	_ =	shalt  }
0x7d: {  	_ =	shalt  }
0x7e: {  	_ =	shalt  }
0x7f: {  	_ =	shalt  }
0x80: {  	_ =	shalt  }
0x81: {  	_ =	shalt  }
0x82: {  	_ =	shalt  }
0x83: {  	_ =	shalt  }
0x84: {  	_ =	shalt  }
0x85: {  	_ =	shalt  }
0x86: {  	_ =	shalt  }
0x87: {  	_ =	shalt  }
.Lfunc_end0:
.L_simem_size_0:
called_computation.3_lowered:
.L_overlay_start_0:
0x88: {  	s2 =	sld [smem:$0x3FD9]  }
0x89: {  	s3 =	sld [smem:$0x3FFE];
	_ =	sdelay $0x1  }
0x8a: {  	s1 =	srdreg.scid  }
0x8b: {  	s0 =	sand.u32 $0x1, s1  }
0x8c: {  	s17 =	sshll.u32 s0, $0xA;
	s2 =	sadd.s32 s3, s2  }
0x8d: {  	s2 =	sadd.s32 s2, s17  }
0x8e: {  	[smem:$0x3FBE] =	sst s2  }
0x8f: {  	_ = 	snop  }
0x90: {  	s2 =	sld [smem:$0x3FD0];
	(tm) =	ssettm $0x1  }
0x91: {  	s18 =	sld [smem:$0x3FFB];
	_ =	sdelay $0x3  }
0x92: {  	_ =	strace s18  }
0x93: {  	s3 =	sld [smem:$0x3FFC];
	_ =	sdelay $0x3  }
0x94: {  	_ =	strace s3  }
0x95: {  	s3 =	sld [smem:$0x3FFD];
	_ =	sdelay $0x3  }
0x96: {  	_ =	strace s3  }
0x97: {  	_ =	strace $0x8FFFFFFF  }
0x98: {  	s19 =	sld [smem:$0x3FDB];
	_ =	sdelay $0x1  }
0x99: {  	s4 =	simm.s32 $_scs_section_size  }
0x9a: {  	s5 =	simm.s32 $_size__tile_overlayer_lowered;
	s6 =	simm.s32 $_tile_overlayer_lowered  }
0x9b: {  	s22 =	simm.s32 $0x1BFF;
	s21 =	sshll.u32 s6, $0x1;
	s3 =	sadd.s32 s4, s19  }
0x9c: {  	s7 =	simm.s32 $0x0;
	s20 =	sshll.u32 s5, $0x1;
	s5 =	sadd.s32 s21, s3  }
0x9d: {  	[timem:s7], [sflag:s22] =	dma.local [hbm:s5], s20  }
0x9e: {  	_ =	swait.ge [sflag:s22], s20  }
0x9f: {  	s4 =	ssub.s32 $0x0, s20;
	[sflag:s22] =	ssyncset.done $0x0  }
0xa0: {  	[sflag:s22] =	ssyncadd.s32 s4;
	_ =	sdelay $0x1  }
0xa1: {  	s23 =	simm.s32 $0x1B8B  }
0xa2: {  	_ =	swait.ge [sflag:s23], $0x1  }
0xa3: {  	[sflag:s23] =	ssyncset.done $0x0  }
0xa4: {  	s25 =	simm.s32 $0x1B8E;
	s24 =	sld [smem:$0x3FFE];
	[sflag:s23] =	ssyncadd.s32 $0xFFFFFFFF  }
0xa5: {  	s26 =	simm.s32 $execute0_lowered;
	[smem:$0x3FD2] =	sst s25  }
0xa6: {  	s5 =	sshll.u32 s26, $0x1;
	_ =	strace $0x8000004F;
	[dreg:$0x1] =	wrdreg $0xFFFFFFFF  }
0xa7: {  	s28 =	simm.s32 $_size_execute0_lowered;
	s3 =	sadd.s32 s3, s5;
	[dreg:$0x0] =	wrdreg $0x0  }
0xa8: {  	s5 =	sshll.u32 s28, $0x1;
	[dreg:$0x2] =	wrdreg s3  }
0xa9: {  	[dreg:$0x3] =	wrdreg s5  }
0xaa: {  	[dreg:$0x4] =	wrdreg $0xC0  }
0xab: {  	_ =	task [dreg:s7], $0x5FFFF  }
0xac: {  	[dreg:$0x1] =	wrdreg $0xFFFFFFFF  }
0xad: {  	[dreg:$0x0] =	wrdreg $0x60  }
0xae: {  	[dreg:$0x2] =	wrdreg s24  }
0xaf: {  	[dreg:$0x3] =	wrdreg s2  }
0xb0: {  	[dreg:$0x4] =	wrdreg $0xA9000  }
0xb1: {  	[dreg:$0x5] =	wrdreg $0x9  }
0xb2: {  	_ =	task.clear_ibuf [dreg:s7], $0x6FFFF;
	_ =	strace $0x9000004F  }
0xb3: {  	s29 =	simm.s32 $0x9;
	_ =	strace $0x80000051  }
0xb4: {  	_ =	swait.ge [sflag:s29], $0x1  }
0xb5: {  	[sflag:s29] =	ssyncadd.s32 $0xFFFFFFFF  }
0xb6: {  	_ =	strace $0x90000051  }
0xb7: {  	_ =	sfence  }
0xb8: {  	s30 =	sld [smem:$0x0];
	_ =	sdelay $0x2  }
0xb9: {  	s31 =	sshll.u32 s1, $0xD;
	s1 =	sshrl.u32 s1, $0x2  }
0xba: {  	s3 =	sand.u32 $0x4000, s31;
	s1 =	sadd.s32 s1, s30  }
0xbb: {  	s0 =	sor.u32 s3, s0;
	s1 =	sshll.u32 s1, $0x11  }
0xbc: {  	s0 =	sor.u32 s1, s0  }
0xbd: {  	s0 =	sadd.s32 $0x8F2B, s0  }
0xbe: {  	[sflag:s0] =	ssyncadd.remote.s32 $0x1  }
0xbf: {  	_ =	sfence.sel $0xFFFF  }
0xc0: {  	[dreg:$0x0] =	wrdreg $0xFFFFFFFF;
	(pc) =	sbr.abs _section_cstart, $3  }
0xc1: {  	[dreg:$0x1] =	wrdreg $0xFFFFFFFF  }
0xc2: {  	_ =	task.clear_ibuf [dreg:s7], $0x2FFFF;
	_ =	strace $0x9FFFFFFF  }
0xc3: {  	(tm) =	ssettm $0x7FFFFFFF  }
tec
execute0_lowered:
.L_overlay_start_1:
0x0: {  	(tag) =	ssettag $0x1  }
0x1: {  	s6 =	rddreg [dreg:$0x0]  }
0x2: {  	s7 =	rddreg [dreg:$0x1]  }
0x3: {  	s1 =	rddreg [dreg:$0x2]  }
0x4: {  	s3 =	simm.s32 $0x0;
	s2 =	srdreg.scid;
	s0 =	stileid.u32  }
0x5: {  	s18 =	simm.s32 $0x2800;
	s19 =	simm.s32 $0x80;
	s20 =	simm.s32 $0xA800  }
0x6: {  	s21 =	simm.s32 $0x6800;
	s22 =	simm.s32 $0xA880;
	s23 =	simm.s32 $0x1  }
0x7: {  	s24 =	simm.s32 $0x3;
	s25 =	simm.s32 $0x2;
	s9 =	smul.u32 $0x13C00, s0  }
0x8: {  	s28 =	simm.s32 $0x0;
	[smem:$0x7FF] =	sst s3;
	s29 =	smul.u32 $0x4F000, s0  }
0x9: {  	s10 =	sand.u32 $0x1, s2;
	s4 =	sadd.s32 $0x39800, s6;
	s16 =	smul.u32 $0x500, s0  }
0xa: {  	s14 =	sadd.s32 $0x7800, s6;
	s5 =	sadd.s32 $0x11800, s6;
	s8 =	smul.u32 $0x13C000, s10  }
0xb: {  	_ =	strace $0x80000050;
	s11 =	sshll.u32 s10, $0x4;
	s12 =	ssub.s32 $0x2, s10  }
0xc: {  	s15 =	smul.u32 $0x5000, s10;
	s26 =	sor.u32 s0, s11;
	s30 =	sshrl.u32 s12, $0x1  }
0xd: {  	s31 =	sshrl.u32 s29, $0x2;
	s8 =	sadd.s32 s9, s8;
	s9 =	smul.u32 $0x500, s26  }
0xe: {  	s12 =	ssub.s32 s12, s30;
	s17 =	sadd.s32 s15, s14;
	s26 =	simm.s32 $0x4  }
0xf: {  	s8 =	sshrl.u32 s8, $0x3;
	s12 =	smax.u32 s12, $0x1;
	s16 =	sadd.s32 s16, s17  }
0x10: {  	s17 =	simm.s32 $0x5;
	s13 =	sadd.s32 s8, s6;
	s6 =	sadd.s32 s7, s9  }
0x11: {  	s7 =	sadd.s32 s31, s1;
	s9 =	sadd.s32 s14, s9;
	s16 =	sadd.s32 $0x30, s16  }
0x12: {  	s8 =	sadd.s32 $0x10000, s7;
	s10 =	sadd.s32 $0x10, s9;
	s11 =	sadd.s32 $0x88800, s13  }
0x13: {  	s13 =	sadd.s32 $0x4000, s7;
	s14 =	sadd.s32 $0x8000, s7;
	s15 =	sadd.s32 $0xC000, s7  }
.LBB2_1:
0x14: {  	[tilespmem:s3], [sflag:$0x5] =	stream.linear.gather [hbm4b:s6+s3], $0x2800, $0x38;
	[tilespmem:$0x1E500] =	vst v63  }
0x15: {  	_ =	swait.ge [sflag:s17], $0x2800  }
0x16: {  	[sflag:s17] =	ssyncset.done $0x0  }
0x17: {  	[sflag:s17] =	ssyncadd.s32 $0xFFFFD800  }
0x18: {  	[tilespmem:s18], [sflag:$0x5] =	stream.linear.gather [hbm4b:s5+s3], $0x4000, $0x38;
	[tilespmem:$0x1E500] =	vst v63  }
0x19: {  	_ =	swait.ge [sflag:s17], $0x4000  }
0x1a: {  	[sflag:s17] =	ssyncset.done $0x0  }
0x1b: {  	[sflag:s17] =	ssyncadd.s32 $0xFFFFC000  }
0x1c: {  	[spmem:s7] =	stream.linear.scatter [tilespmem:s18], [sflag:$0x5], $0x4000, $0x38;
	[tilespmem:$0x1E500] =	vst v63  }
0x1d: {  	_ =	swait.ge [sflag:s17], $0x4000  }
0x1e: {  	[sflag:s17] =	ssyncset.done $0x0  }
0x1f: {  	[sflag:s17] =	ssyncadd.s32 $0xFFFFC000  }
0x20: {  	[spmem:s13] =	stream.linear.scatter [tilespmem:s18], [sflag:$0x5], $0x4000, $0x38;
	[tilespmem:$0x1E500] =	vst v63  }
0x21: {  	_ =	swait.ge [sflag:s17], $0x4000  }
0x22: {  	[sflag:s17] =	ssyncset.done $0x0  }
0x23: {  	[sflag:s17] =	ssyncadd.s32 $0xFFFFC000  }
0x24: {  	[spmem:s14] =	stream.linear.scatter [tilespmem:s18], [sflag:$0x5], $0x4000, $0x38;
	[tilespmem:$0x1E500] =	vst v63  }
0x25: {  	_ =	swait.ge [sflag:s17], $0x4000  }
0x26: {  	[sflag:s17] =	ssyncset.done $0x0  }
0x27: {  	[sflag:s17] =	ssyncadd.s32 $0xFFFFC000  }
0x28: {  	[spmem:s15] =	stream.linear.scatter [tilespmem:s18], [sflag:$0x5], $0x4000, $0x38;
	[tilespmem:$0x1E500] =	vst v63  }
0x29: {  	_ =	swait.ge [sflag:s17], $0x4000  }
0x2a: {  	[sflag:s17] =	ssyncset.done $0x0  }
0x2b: {  	[sflag:s17] =	ssyncadd.s32 $0xFFFFC000  }
0x2c: {  	[spmem:s8] =	stream.linear.scatter [tilespmem:s18], [sflag:$0x5], $0x3C00, $0x38;
	[tilespmem:$0x1E500] =	vst v63  }
0x2d: {  	_ =	swait.ge [sflag:s17], $0x3C00  }
0x2e: {  	[sflag:s17] =	ssyncset.done $0x0  }
0x2f: {  	[sflag:s17] =	ssyncadd.s32 $0xFFFFC400  }
0x30: {  	[tilespmem:s18], [sflag:$0x1] =	stream.indirect.gather [hbm4b:s4+s19], $0x80, s3, s19, $0xb8;
	[tilespmem:$0x1E500] =	vst v63  }
0x31: {  	_ = 	snop  }
0x32: {  	[tilespmem:s20], [sflag:$0x3] =	stream.linear.gather [hbm4b:s9+s3], $0x80, $0x38;
	[tilespmem:$0x1E500] =	vst v63  }
0x33: {  	_ = 	snop  }
0x34: {  	[tilespmem:s21], [sflag:$0x2] =	stream.indirect.gather [hbm4b:s4+s19], $0x80, s19, s19, $0xb8;
	[tilespmem:$0x1E500] =	vst v63  }
0x35: {  	_ = 	snop  }
0x36: {  	[tilespmem:s22], [sflag:$0x4] =	stream.linear.gather [hbm4b:s10+s3], $0x80, $0x38;
	[tilespmem:$0x1E500] =	vst v63  }
0x37: {  	[bflag:$0x0] =	sbarrier.arrive $0xFFFF  }
0x38: {  	_ =	swait.ge [sflag:s23], $0x4000  }
0x39: {  	[sflag:s23] =	ssyncset.done $0x0  }
0x3a: {  	[sflag:s23] =	ssyncadd.s32 $0xFFFFC000  }
0x3b: {  	_ =	swait.ge [sflag:s24], $0x80  }
0x3c: {  	[sflag:s24] =	ssyncset.done $0x0  }
0x3d: {  	[sflag:s24] =	ssyncadd.s32 $0xFFFFFF80  }
0x3e: {  	[spmem:s1] =	stream.indirect.scatter.add.f32 [tilespmem:s18], [sflag:$0x5], $0x80, s20, s19, $0xb8;
	[tilespmem:$0x1E500] =	vst v63  }
0x3f: {  	_ =	swait.ge [sflag:s17], $0x4000  }
0x40: {  	[sflag:s17] =	ssyncset.done $0x0  }
0x41: {  	s29 =	simm.s32 $0x100;
	[sflag:s17] =	ssyncadd.s32 $0xFFFFC000  }
0x42: {  	[tilespmem:s18], [sflag:$0x1] =	stream.indirect.gather [hbm4b:s4+s19], $0x80, s29, s19, $0xb8;
	[tilespmem:$0x1E500] =	vst v63  }
0x43: {  	s29 =	sadd.s32 $0xFFFFFFF0, s16  }
0x44: {  	[tilespmem:s20], [sflag:$0x3] =	stream.linear.gather [hbm4b:s29+s3], $0x80, $0x38;
	[tilespmem:$0x1E500] =	vst v63  }
0x45: {  	_ =	swait.ge [sflag:s25], $0x4000  }
0x46: {  	[sflag:s25] =	ssyncset.done $0x0  }
0x47: {  	[sflag:s25] =	ssyncadd.s32 $0xFFFFC000  }
0x48: {  	_ =	swait.ge [sflag:s26], $0x80  }
0x49: {  	[sflag:s26] =	ssyncset.done $0x0  }
0x4a: {  	[sflag:s26] =	ssyncadd.s32 $0xFFFFFF80  }
0x4b: {  	[spmem:s1] =	stream.indirect.scatter.add.f32 [tilespmem:s21], [sflag:$0x5], $0x80, s22, s19, $0xb8;
	[tilespmem:$0x1E500] =	vst v63  }
0x4c: {  	_ =	swait.ge [sflag:s17], $0x4000  }
0x4d: {  	[sflag:s17] =	ssyncset.done $0x0  }
0x4e: {  	s29 =	simm.s32 $0x180;
	[sflag:s17] =	ssyncadd.s32 $0xFFFFC000  }
0x4f: {  	[tilespmem:s21], [sflag:$0x2] =	stream.indirect.gather [hbm4b:s4+s19], $0x80, s29, s19, $0xb8;
	[tilespmem:$0x1E500] =	vst v63  }
0x50: {  	s30 =	sadd.s32 $0x20, s16;
	s31 =	smov.u32 s16;
	s29 =	simm.s32 $0x400  }
.LBB2_2:
0x51: {  	[tilespmem:s22], [sflag:$0x4] =	stream.linear.gather [hbm4b:s31+s3], $0x80, $0x38;
	[tilespmem:$0x1E500] =	vst v63  }
0x52: {  	s0 =	smov.u32 s29;
	s31 =	smov.u32 s30  }
0x53: {  	p0 =	sne.s32 s29, $0x9800;
	s29 =	sadd.s32 $0x400, s29;
	_ =	swait.ge [sflag:s23], $0x4000  }
0x54: {  	[sflag:s23] =	ssyncset.done $0x0  }
0x55: {  	[sflag:s23] =	ssyncadd.s32 $0xFFFFC000  }
0x56: {  	_ =	swait.ge [sflag:s24], $0x80  }
0x57: {  	[sflag:s24] =	ssyncset.done $0x0  }
0x58: {  	[sflag:s24] =	ssyncadd.s32 $0xFFFFFF80  }
0x59: {  	[spmem:s1] =	stream.indirect.scatter.add.f32 [tilespmem:s18], [sflag:$0x5], $0x80, s20, s19, $0xb8;
	[tilespmem:$0x1E500] =	vst v63  }
0x5a: {  	_ =	swait.ge [sflag:s17], $0x4000  }
0x5b: {  	s0 =	sshra.s32 s0, $0x2;
	[sflag:s17] =	ssyncset.done $0x0  }
0x5c: {  	s2 =	sadd.s32 $0x100, s0;
	[sflag:s17] =	ssyncadd.s32 $0xFFFFC000  }
0x5d: {  	[tilespmem:s18], [sflag:$0x1] =	stream.indirect.gather [hbm4b:s4+s19], $0x80, s2, s19, $0xb8;
	[tilespmem:$0x1E500] =	vst v63  }
0x5e: {  	s2 =	sadd.s32 $0xFFFFFFF0, s30  }
0x5f: {  	[tilespmem:s20], [sflag:$0x3] =	stream.linear.gather [hbm4b:s2+s3], $0x80, $0x38;
	[tilespmem:$0x1E500] =	vst v63  }
0x60: {  	_ =	swait.ge [sflag:s25], $0x4000  }
0x61: {  	[sflag:s25] =	ssyncset.done $0x0  }
0x62: {  	[sflag:s25] =	ssyncadd.s32 $0xFFFFC000  }
0x63: {  	_ =	swait.ge [sflag:s26], $0x80  }
0x64: {  	[sflag:s26] =	ssyncset.done $0x0  }
0x65: {  	[sflag:s26] =	ssyncadd.s32 $0xFFFFFF80  }
0x66: {  	[spmem:s1] =	stream.indirect.scatter.add.f32 [tilespmem:s21], [sflag:$0x5], $0x80, s22, s19, $0xb8;
	[tilespmem:$0x1E500] =	vst v63  }
.Ltmp0:
0x67: {  	_ =	swait.ge [sflag:s17], $0x4000;
	(pc) =	sbr.rel @p0 .LBB2_2-.Ltmp0, $4  }
0x68: {  	[sflag:s17] =	ssyncset.done $0x0  }
0x69: {  	s0 =	sadd.s32 $0x180, s0;
	[sflag:s17] =	ssyncadd.s32 $0xFFFFC000  }
0x6a: {  	[tilespmem:s21], [sflag:$0x2] =	stream.indirect.gather [hbm4b:s4+s19], $0x80, s0, s19, $0xb8;
	[tilespmem:$0x1E500] =	vst v63  }
0x6b: {  	s30 =	sadd.s32 $0x20, s30  }
0x6c: {  	[tilespmem:s22], [sflag:$0x4] =	stream.linear.gather [hbm4b:s31+s3], $0x80, $0x38;
	[tilespmem:$0x1E500] =	vst v63  }
0x6d: {  	_ =	swait.ge [sflag:s23], $0x4000  }
0x6e: {  	[sflag:s23] =	ssyncset.done $0x0  }
0x6f: {  	[sflag:s23] =	ssyncadd.s32 $0xFFFFC000  }
0x70: {  	_ =	swait.ge [sflag:s24], $0x80  }
0x71: {  	[sflag:s24] =	ssyncset.done $0x0  }
0x72: {  	[sflag:s24] =	ssyncadd.s32 $0xFFFFFF80  }
0x73: {  	[spmem:s1] =	stream.indirect.scatter.add.f32 [tilespmem:s18], [sflag:$0x5], $0x80, s20, s19, $0xb8;
	[tilespmem:$0x1E500] =	vst v63  }
0x74: {  	_ =	swait.ge [sflag:s17], $0x4000  }
0x75: {  	[sflag:s17] =	ssyncset.done $0x0  }
0x76: {  	[sflag:s17] =	ssyncadd.s32 $0xFFFFC000  }
0x77: {  	_ =	swait.ge [sflag:s25], $0x4000  }
0x78: {  	[sflag:s25] =	ssyncset.done $0x0  }
0x79: {  	[sflag:s25] =	ssyncadd.s32 $0xFFFFC000  }
0x7a: {  	_ =	swait.ge [sflag:s26], $0x80  }
0x7b: {  	[sflag:s26] =	ssyncset.done $0x0  }
0x7c: {  	[sflag:s26] =	ssyncadd.s32 $0xFFFFFF80  }
0x7d: {  	[spmem:s1] =	stream.indirect.scatter.add.f32 [tilespmem:s21], [sflag:$0x5], $0x80, s22, s19, $0xb8;
	[tilespmem:$0x1E500] =	vst v63  }
0x7e: {  	s0 =	stileid.u32;
	_ =	swait.ge [sflag:s17], $0x4000  }
0x7f: {  	s2 =	sshrl.u32 s7, $0x3;
	s28 =	sadd.s32 $0x1, s28;
	[sflag:s17] =	ssyncset.done $0x0  }
0x80: {  	s0 =	sshll.u32 s0, $0x6;
	p0 =	sne.s32 s28, s12;
	[sflag:s17] =	ssyncadd.s32 $0xFFFFC000  }
.Ltmp1:
0x81: {  	s0 =	sor.u32 $0x1C05, s0;
	[bflag:$0x0] =	sbarrier.arrive $0xFFFF;
	(pc) =	sbr.rel @p0 .LBB2_1-.Ltmp1, $4  }
0x82: {  	[hbm:s11], [sflag:s0] =	dma.local [spmem:s2], $0x2780  }
0x83: {  	_ =	swait.ge [sflag:s17], $0x2780  }
0x84: {  	[sflag:s17] =	ssyncset.done $0x0  }
0x85: {  	[sflag:s17] =	ssyncadd.s32 $0xFFFFD880  }
0x86: {  	_ =	sfence.sel $0x180000  }
0x87: {  	[bflag:$0x0] =	sbarrier.arrive $0xFFFF  }
0x88: {  	_ =	strace $0x90000050  }
0x89: {  	s0 =	stileid.u32;
	[bflag:$0x2] =	sbarrier.arrive $0xFFFF  }
0x8a: {  	p0 =	sne.s32 s0, $0x0;
	s0 =	rddreg [dreg:$0x3]  }
0x8b: {  	s0 =	sadd.s32 @!p0 $0x100000, s0  }
0x8c: {  	[sflag:s0] =	ssyncadd.tile.s32 @!p0 $0x1;
	_ =	shalt  }
.Lfunc_end2:
_tile_overlayer_lowered:
.L_overlay_start_2:
0x8d: {  	(tag) =	ssettag $0x2  }
0x8e: {  	s0 =	rddreg [dreg:$0x0];
	s2 =	stileid.u32  }
0x8f: {  	s1 =	rddreg [dreg:$0x1];
	p0 =	sne.s32 s2, $0x0  }
0x90: {  	s3 =	rddreg [dreg:$0x2];
	[bflag:$0x3] =	sbarrier.arrive $0xFFFF;
	s2 =	simm.s32 @!p0 $0x1C05  }
0x91: {  	[timem:s3], [sflag:s2] =	dma.local @!p0 [hbm:s0], s1  }
0x92: {  	s0 =	simm.s32 @!p0 $0x5  }
0x93: {  	_ =	swait.ge @!p0 [sflag:s0], s1  }
0x94: {  	s1 =	ssub.s32 @!p0 $0x0, s1;
	[sflag:s0] =	ssyncset.done @!p0 $0x0  }
0x95: {  	[sflag:s0] =	ssyncadd.s32 @!p0 s1  }
0x96: {  	[bflag:$0x3] =	sbarrier.arrive $0xFFFF  }
0x97: {  	_ =	shalt  }

// kernel: kernel.32.cloned.1.call-start
scs
__scs_entry_jumppad:
0x0: {  	(pc) =	sbr.rel $0x88, $3  }
0x1: {  	(tag) =	ssettag $0x0;
	lr =	simm.s32 $0x1  }
0x2: {  	[smem:$0x3F97] =	sst lr;
	_ =	strace $0xD0000000  }
0x3: {  	_ = 	snop  }
0x4: {  	_ = 	snop  }
0x5: {  	_ = 	snop  }
0x6: {  	_ = 	snop  }
0x7: {  	_ = 	snop  }
__scs_overlays_trampoline_lowered:
0x8: {  	[smem:$0x3FA6] =	sst s0  }
0x9: {  	[smem:$0x3FA7] =	sst s1  }
0xa: {  	[smem:$0x3FA8] =	sst s2  }
0xb: {  	[smem:$0x3FA9] =	sst s3  }
0xc: {  	[smem:$0x3FAA] =	sst s4  }
0xd: {  	[smem:$0x3FAB] =	sst s5  }
0xe: {  	[smem:$0x3FAC] =	sst s6  }
0xf: {  	[smem:$0x3FAD] =	sst s7  }
0x10: {  	[smem:$0x3FAE] =	sst s8  }
0x11: {  	[smem:$0x3FAF] =	sst s9;
	s0 =	simm.s32 @!p0 $0x0  }
0x12: {  	s1 =	sld [smem:$0x3F95];
	s0 =	simm.s32 @p0 $0x1  }
0x13: {  	[smem:$0x3FB0] =	sst s0;
	s0 =	simm.s32 @!p1 $0x0  }
0x14: {  	s2 =	sld [smem:$0x3F94];
	s0 =	simm.s32 @p1 $0x1  }
0x15: {  	[smem:$0x3FB1] =	sst s0;
	s0 =	simm.s32 @!p2 $0x0  }
0x16: {  	s3 =	sld [smem:$0x3FDB];
	s0 =	simm.s32 @p2 $0x1  }
0x17: {  	s4 =	simm.s32 $0x1BF5;
	[smem:$0x3FB3] =	sst s0  }
0x18: {  	s0 =	sld [smem:$0x3F96];
	_ =	swait.ge [sflag:s4], $0x0  }
0x19: {  	s7 =	sld [smem:$0x3F97]  }
0x1a: {  	s8 =	sadd.s32 $0xFFFFE003, lr  }
0x1b: {  	s9 =	sadd.s32 $0xFFFFFEF7, lr;
	s5 =	simm.s32 $0xFFFFFFFF;
	p2 =	slt.u32 s8, $0xFFFFF086  }
0x1c: {  	p1 =	slt.u32 s9, $0xF7A;
	s5 =	simm.s32 @!p2 $0x0  }
0x1d: {  	s5 =	simm.s32 @p1 $0x1;
	p0 =	seq.s32 s7, s2  }
0x1e: {  	s7 =	smul.u32 @!p0 $0xF7A, s2;
	p2 =	seq.s32 @!p0 s5, $0x0  }
0x1f: {  	s9 =	smul.u32 $0xF7A, s1;
	s8 =	simm.s32 @!p0 $0x1BF5;
	p2 =	por !p2, p0  }
0x20: {  	[sflag:s8] =	ssyncset.s32 @!p0 $0xFFFFF086;
	s6 =	sadd.s32 @!p0 s3, s7;
	s7 =	simm.s32 @!p0 $0x108  }
0x21: {  	s3 =	sadd.s32 s3, s9;
	s6 =	sadd.s32 @!p0 $0x88, s6;
	s7 =	simm.s32 @p2 $0x1082  }
0x22: {  	[simem:s7], [sflag:s8] =	dma.local @!p0 [hbm:s6], $0xF7A  }
0x23: {  	s9 =	sor.u32 $0xD0000000, s2;
	s6 =	simm.s32 $0x108;
	_ =	swait.ge @!p0 [sflag:s8], $0x0  }
0x24: {  	s3 =	sadd.s32 $0x88, s3;
	s6 =	simm.s32 @!p1 $0x1082;
	[sflag:s4] =	ssyncset.s32 $0xFFFFF086  }
0x25: {  	[simem:s6], [sflag:s4] =	dma.local [hbm:s3], $0xF7A  }
0x26: {  	[smem:$0x3F97] =	sst s1;
	(tag) =	ssettag s2;
	_ =	strace s9  }
0x27: {  	s1 =	sld [smem:$0x3FA7]  }
0x28: {  	s2 =	sld [smem:$0x3FA8]  }
0x29: {  	s4 =	sld [smem:$0x3FAA]  }
0x2a: {  	p0 =	seq.s32 s5, $0x0;
	s5 =	sld [smem:$0x3FAB]  }
0x2b: {  	s6 =	sld [smem:$0x3FAC]  }
0x2c: {  	s7 =	sld [smem:$0x3FAD]  }
0x2d: {  	s3 =	simm.s32 $0x108;
	s8 =	sld [smem:$0x3FAE]  }
0x2e: {  	s3 =	simm.s32 @!p0 $0x1082;
	s9 =	sld [smem:$0x3FAF]  }
0x2f: {  	lr =	sadd.s32 s0, s3;
	s0 =	sld [smem:$0x3FA6]  }
0x30: {  	s3 =	sld [smem:$0x3FA9]  }
0x31: {  	[smem:$0x3FB2] =	sst s10  }
0x32: {  	s10 =	sld [smem:$0x3FB0];
	_ =	sdelay $0x3  }
0x33: {  	p0 =	seq.s32 s10, $0x1;
	s10 =	sld [smem:$0x3FB2];
	_ =	sdelay $0x3  }
0x34: {  	[smem:$0x3FB2] =	sst s10  }
0x35: {  	s10 =	sld [smem:$0x3FB1];
	_ =	sdelay $0x3  }
0x36: {  	p1 =	seq.s32 s10, $0x1;
	s10 =	sld [smem:$0x3FB2];
	_ =	sdelay $0x3  }
0x37: {  	[smem:$0x3FB2] =	sst s10  }
0x38: {  	s10 =	sld [smem:$0x3FB3]  }
0x39: {  	_ = 	snop;
	(pc) =	sbr.ind lr, $3  }
0x3a: {  	_ = 	snop  }
0x3b: {  	_ = 	snop  }
0x3c: {  	p2 =	seq.s32 s10, $0x1;
	s10 =	sld [smem:$0x3FB2]  }
0x3d: {  	_ =	shalt  }
0x3e: {  	_ =	shalt  }
0x3f: {  	_ =	shalt  }
0x40: {  	_ =	shalt  }
0x41: {  	_ =	shalt  }
0x42: {  	_ =	shalt  }
0x43: {  	_ =	shalt  }
0x44: {  	_ =	shalt  }
0x45: {  	_ =	shalt  }
0x46: {  	_ =	shalt  }
0x47: {  	_ =	shalt  }
0x48: {  	_ =	shalt  }
0x49: {  	_ =	shalt  }
0x4a: {  	_ =	shalt  }
0x4b: {  	_ =	shalt  }
0x4c: {  	_ =	shalt  }
0x4d: {  	_ =	shalt  }
0x4e: {  	_ =	shalt  }
0x4f: {  	_ =	shalt  }
0x50: {  	_ =	shalt  }
0x51: {  	_ =	shalt  }
0x52: {  	_ =	shalt  }
0x53: {  	_ =	shalt  }
0x54: {  	_ =	shalt  }
0x55: {  	_ =	shalt  }
0x56: {  	_ =	shalt  }
0x57: {  	_ =	shalt  }
0x58: {  	_ =	shalt  }
0x59: {  	_ =	shalt  }
0x5a: {  	_ =	shalt  }
0x5b: {  	_ =	shalt  }
0x5c: {  	_ =	shalt  }
0x5d: {  	_ =	shalt  }
0x5e: {  	_ =	shalt  }
0x5f: {  	_ =	shalt  }
0x60: {  	_ =	shalt  }
0x61: {  	_ =	shalt  }
0x62: {  	_ =	shalt  }
0x63: {  	_ =	shalt  }
0x64: {  	_ =	shalt  }
0x65: {  	_ =	shalt  }
0x66: {  	_ =	shalt  }
0x67: {  	_ =	shalt  }
0x68: {  	_ =	shalt  }
0x69: {  	_ =	shalt  }
0x6a: {  	_ =	shalt  }
0x6b: {  	_ =	shalt  }
0x6c: {  	_ =	shalt  }
0x6d: {  	_ =	shalt  }
0x6e: {  	_ =	shalt  }
0x6f: {  	_ =	shalt  }
0x70: {  	_ =	shalt  }
0x71: {  	_ =	shalt  }
0x72: {  	_ =	shalt  }
0x73: {  	_ =	shalt  }
0x74: {  	_ =	shalt  }
0x75: {  	_ =	shalt  }
0x76: {  	_ =	shalt  }
0x77: {  	_ =	shalt  }
0x78: {  	_ =	shalt  }
0x79: {  	_ =	shalt  }
0x7a: {  	_ =	shalt  }
0x7b: {  	_ =	shalt  }
0x7c: {  	_ =	shalt  }
0x7d: {  	_ =	shalt  }
0x7e: {  	_ =	shalt  }
0x7f: {  	_ =	shalt  }
0x80: {  	_ =	shalt  }
0x81: {  	_ =	shalt  }
0x82: {  	_ =	shalt  }
0x83: {  	_ =	shalt  }
0x84: {  	_ =	shalt  }
0x85: {  	_ =	shalt  }
0x86: {  	_ =	shalt  }
0x87: {  	_ =	shalt  }
.Lfunc_end0:
.L_simem_size_0:
called_computation.4_lowered:
.L_overlay_start_0:
0x88: {  	s2 =	sld [smem:$0x3FD9]  }
0x89: {  	s3 =	sld [smem:$0x3FFE];
	_ =	sdelay $0x1  }
0x8a: {  	s1 =	srdreg.scid  }
0x8b: {  	s0 =	sand.u32 $0x1, s1  }
0x8c: {  	s17 =	sshll.u32 s0, $0xA;
	s2 =	sadd.s32 s3, s2  }
0x8d: {  	s2 =	sadd.s32 s2, s17  }
0x8e: {  	[smem:$0x3FBE] =	sst s2  }
0x8f: {  	_ = 	snop  }
0x90: {  	s2 =	sld [smem:$0x3FD0];
	(tm) =	ssettm $0x1  }
0x91: {  	s18 =	sld [smem:$0x3FFB];
	_ =	sdelay $0x3  }
0x92: {  	_ =	strace s18  }
0x93: {  	s3 =	sld [smem:$0x3FFC];
	_ =	sdelay $0x3  }
0x94: {  	_ =	strace s3  }
0x95: {  	s3 =	sld [smem:$0x3FFD];
	_ =	sdelay $0x3  }
0x96: {  	_ =	strace s3  }
0x97: {  	_ =	strace $0x8FFFFFFF  }
0x98: {  	s19 =	sld [smem:$0x3FDB];
	_ =	sdelay $0x1  }
0x99: {  	s4 =	simm.s32 $_scs_section_size  }
0x9a: {  	s5 =	simm.s32 $_size__tile_overlayer_lowered;
	s6 =	simm.s32 $_tile_overlayer_lowered  }
0x9b: {  	s22 =	simm.s32 $0x1BFF;
	s21 =	sshll.u32 s6, $0x1;
	s3 =	sadd.s32 s4, s19  }
0x9c: {  	s7 =	simm.s32 $0x0;
	s20 =	sshll.u32 s5, $0x1;
	s5 =	sadd.s32 s21, s3  }
0x9d: {  	[timem:s7], [sflag:s22] =	dma.local [hbm:s5], s20  }
0x9e: {  	_ =	swait.ge [sflag:s22], s20  }
0x9f: {  	s4 =	ssub.s32 $0x0, s20;
	[sflag:s22] =	ssyncset.done $0x0  }
0xa0: {  	[sflag:s22] =	ssyncadd.s32 s4;
	_ =	sdelay $0x1  }
0xa1: {  	s23 =	simm.s32 $0x1B8B  }
0xa2: {  	_ =	swait.ge [sflag:s23], $0x1  }
0xa3: {  	[sflag:s23] =	ssyncset.done $0x0  }
0xa4: {  	s25 =	simm.s32 $0x1B8E;
	s24 =	sld [smem:$0x3FFE];
	[sflag:s23] =	ssyncadd.s32 $0xFFFFFFFF  }
0xa5: {  	s26 =	simm.s32 $execute0_lowered;
	[smem:$0x3FD2] =	sst s25  }
0xa6: {  	s5 =	sshll.u32 s26, $0x1;
	_ =	strace $0x80000052;
	[dreg:$0x1] =	wrdreg $0xFFFFFFFF  }
0xa7: {  	s28 =	simm.s32 $_size_execute0_lowered;
	s3 =	sadd.s32 s3, s5;
	[dreg:$0x0] =	wrdreg $0x0  }
0xa8: {  	s5 =	sshll.u32 s28, $0x1;
	[dreg:$0x2] =	wrdreg s3  }
0xa9: {  	[dreg:$0x3] =	wrdreg s5  }
0xaa: {  	[dreg:$0x4] =	wrdreg $0xC0  }
0xab: {  	_ =	task [dreg:s7], $0x5FFFF  }
0xac: {  	[dreg:$0x1] =	wrdreg $0xFFFFFFFF  }
0xad: {  	[dreg:$0x0] =	wrdreg $0x60  }
0xae: {  	[dreg:$0x2] =	wrdreg s24  }
0xaf: {  	[dreg:$0x3] =	wrdreg s2  }
0xb0: {  	[dreg:$0x4] =	wrdreg $0xA9000  }
0xb1: {  	[dreg:$0x5] =	wrdreg $0x9  }
0xb2: {  	_ =	task.clear_ibuf [dreg:s7], $0x6FFFF;
	_ =	strace $0x90000052  }
0xb3: {  	s29 =	simm.s32 $0x9;
	_ =	strace $0x80000054  }
0xb4: {  	_ =	swait.ge [sflag:s29], $0x1  }
0xb5: {  	[sflag:s29] =	ssyncadd.s32 $0xFFFFFFFF  }
0xb6: {  	_ =	strace $0x90000054  }
0xb7: {  	_ =	sfence  }
0xb8: {  	s30 =	sld [smem:$0x0];
	_ =	sdelay $0x2  }
0xb9: {  	s31 =	sshll.u32 s1, $0xD;
	s1 =	sshrl.u32 s1, $0x2  }
0xba: {  	s3 =	sand.u32 $0x4000, s31;
	s1 =	sadd.s32 s1, s30  }
0xbb: {  	s0 =	sor.u32 s3, s0;
	s1 =	sshll.u32 s1, $0x11  }
0xbc: {  	s0 =	sor.u32 s1, s0  }
0xbd: {  	s0 =	sadd.s32 $0x8F2B, s0  }
0xbe: {  	[sflag:s0] =	ssyncadd.remote.s32 $0x1  }
0xbf: {  	_ =	sfence.sel $0xFFFF  }
0xc0: {  	[dreg:$0x0] =	wrdreg $0xFFFFFFFF;
	(pc) =	sbr.abs _section_cstart, $3  }
0xc1: {  	[dreg:$0x1] =	wrdreg $0xFFFFFFFF  }
0xc2: {  	_ =	task.clear_ibuf [dreg:s7], $0x2FFFF;
	_ =	strace $0x9FFFFFFF  }
0xc3: {  	(tm) =	ssettm $0x7FFFFFFF  }
tec
execute0_lowered:
.L_overlay_start_1:
0x0: {  	(tag) =	ssettag $0x1  }
0x1: {  	s6 =	rddreg [dreg:$0x0]  }
0x2: {  	s7 =	rddreg [dreg:$0x1]  }
0x3: {  	s1 =	rddreg [dreg:$0x2]  }
0x4: {  	s3 =	simm.s32 $0x0;
	s2 =	srdreg.scid;
	s0 =	stileid.u32  }
0x5: {  	s18 =	simm.s32 $0x2800;
	s19 =	simm.s32 $0x80;
	s20 =	simm.s32 $0xA800  }
0x6: {  	s21 =	simm.s32 $0x6800;
	s22 =	simm.s32 $0xA880;
	s23 =	simm.s32 $0x1  }
0x7: {  	s24 =	simm.s32 $0x3;
	s25 =	simm.s32 $0x2;
	s9 =	smul.u32 $0x13C00, s0  }
0x8: {  	s28 =	simm.s32 $0x0;
	[smem:$0x7FF] =	sst s3;
	s29 =	smul.u32 $0x4F000, s0  }
0x9: {  	s10 =	sand.u32 $0x1, s2;
	s4 =	sadd.s32 $0x39800, s6;
	s16 =	smul.u32 $0x500, s0  }
0xa: {  	s14 =	sadd.s32 $0x7800, s6;
	s5 =	sadd.s32 $0x11800, s6;
	s8 =	smul.u32 $0x13C000, s10  }
0xb: {  	_ =	strace $0x80000053;
	s11 =	sshll.u32 s10, $0x4;
	s12 =	ssub.s32 $0x2, s10  }
0xc: {  	s15 =	smul.u32 $0x5000, s10;
	s26 =	sor.u32 s0, s11;
	s30 =	sshrl.u32 s12, $0x1  }
0xd: {  	s31 =	sshrl.u32 s29, $0x2;
	s8 =	sadd.s32 s9, s8;
	s9 =	smul.u32 $0x500, s26  }
0xe: {  	s12 =	ssub.s32 s12, s30;
	s17 =	sadd.s32 s15, s14;
	s26 =	simm.s32 $0x4  }
0xf: {  	s8 =	sshrl.u32 s8, $0x3;
	s12 =	smax.u32 s12, $0x1;
	s16 =	sadd.s32 s16, s17  }
0x10: {  	s17 =	simm.s32 $0x5;
	s13 =	sadd.s32 s8, s6;
	s6 =	sadd.s32 s7, s9  }
0x11: {  	s7 =	sadd.s32 s31, s1;
	s9 =	sadd.s32 s14, s9;
	s16 =	sadd.s32 $0x30, s16  }
0x12: {  	s8 =	sadd.s32 $0x10000, s7;
	s10 =	sadd.s32 $0x10, s9;
	s11 =	sadd.s32 $0x61000, s13  }
0x13: {  	s13 =	sadd.s32 $0x4000, s7;
	s14 =	sadd.s32 $0x8000, s7;
	s15 =	sadd.s32 $0xC000, s7  }
.LBB2_1:
0x14: {  	[tilespmem:s3], [sflag:$0x5] =	stream.linear.gather [hbm4b:s6+s3], $0x2800, $0x38;
	[tilespmem:$0x1E500] =	vst v63  }
0x15: {  	_ =	swait.ge [sflag:s17], $0x2800  }
0x16: {  	[sflag:s17] =	ssyncset.done $0x0  }
0x17: {  	[sflag:s17] =	ssyncadd.s32 $0xFFFFD800  }
0x18: {  	[tilespmem:s18], [sflag:$0x5] =	stream.linear.gather [hbm4b:s5+s3], $0x4000, $0x38;
	[tilespmem:$0x1E500] =	vst v63  }
0x19: {  	_ =	swait.ge [sflag:s17], $0x4000  }
0x1a: {  	[sflag:s17] =	ssyncset.done $0x0  }
0x1b: {  	[sflag:s17] =	ssyncadd.s32 $0xFFFFC000  }
0x1c: {  	[spmem:s7] =	stream.linear.scatter [tilespmem:s18], [sflag:$0x5], $0x4000, $0x38;
	[tilespmem:$0x1E500] =	vst v63  }
0x1d: {  	_ =	swait.ge [sflag:s17], $0x4000  }
0x1e: {  	[sflag:s17] =	ssyncset.done $0x0  }
0x1f: {  	[sflag:s17] =	ssyncadd.s32 $0xFFFFC000  }
0x20: {  	[spmem:s13] =	stream.linear.scatter [tilespmem:s18], [sflag:$0x5], $0x4000, $0x38;
	[tilespmem:$0x1E500] =	vst v63  }
0x21: {  	_ =	swait.ge [sflag:s17], $0x4000  }
0x22: {  	[sflag:s17] =	ssyncset.done $0x0  }
0x23: {  	[sflag:s17] =	ssyncadd.s32 $0xFFFFC000  }
0x24: {  	[spmem:s14] =	stream.linear.scatter [tilespmem:s18], [sflag:$0x5], $0x4000, $0x38;
	[tilespmem:$0x1E500] =	vst v63  }
0x25: {  	_ =	swait.ge [sflag:s17], $0x4000  }
0x26: {  	[sflag:s17] =	ssyncset.done $0x0  }
0x27: {  	[sflag:s17] =	ssyncadd.s32 $0xFFFFC000  }
0x28: {  	[spmem:s15] =	stream.linear.scatter [tilespmem:s18], [sflag:$0x5], $0x4000, $0x38;
	[tilespmem:$0x1E500] =	vst v63  }
0x29: {  	_ =	swait.ge [sflag:s17], $0x4000  }
0x2a: {  	[sflag:s17] =	ssyncset.done $0x0  }
0x2b: {  	[sflag:s17] =	ssyncadd.s32 $0xFFFFC000  }
0x2c: {  	[spmem:s8] =	stream.linear.scatter [tilespmem:s18], [sflag:$0x5], $0x3C00, $0x38;
	[tilespmem:$0x1E500] =	vst v63  }
0x2d: {  	_ =	swait.ge [sflag:s17], $0x3C00  }
0x2e: {  	[sflag:s17] =	ssyncset.done $0x0  }
0x2f: {  	[sflag:s17] =	ssyncadd.s32 $0xFFFFC400  }
0x30: {  	[tilespmem:s18], [sflag:$0x1] =	stream.indirect.gather [hbm4b:s4+s19], $0x80, s3, s19, $0xb8;
	[tilespmem:$0x1E500] =	vst v63  }
0x31: {  	_ = 	snop  }
0x32: {  	[tilespmem:s20], [sflag:$0x3] =	stream.linear.gather [hbm4b:s9+s3], $0x80, $0x38;
	[tilespmem:$0x1E500] =	vst v63  }
0x33: {  	_ = 	snop  }
0x34: {  	[tilespmem:s21], [sflag:$0x2] =	stream.indirect.gather [hbm4b:s4+s19], $0x80, s19, s19, $0xb8;
	[tilespmem:$0x1E500] =	vst v63  }
0x35: {  	_ = 	snop  }
0x36: {  	[tilespmem:s22], [sflag:$0x4] =	stream.linear.gather [hbm4b:s10+s3], $0x80, $0x38;
	[tilespmem:$0x1E500] =	vst v63  }
0x37: {  	[bflag:$0x0] =	sbarrier.arrive $0xFFFF  }
0x38: {  	_ =	swait.ge [sflag:s23], $0x4000  }
0x39: {  	[sflag:s23] =	ssyncset.done $0x0  }
0x3a: {  	[sflag:s23] =	ssyncadd.s32 $0xFFFFC000  }
0x3b: {  	_ =	swait.ge [sflag:s24], $0x80  }
0x3c: {  	[sflag:s24] =	ssyncset.done $0x0  }
0x3d: {  	[sflag:s24] =	ssyncadd.s32 $0xFFFFFF80  }
0x3e: {  	[spmem:s1] =	stream.indirect.scatter.add.f32 [tilespmem:s18], [sflag:$0x5], $0x80, s20, s19, $0xb8;
	[tilespmem:$0x1E500] =	vst v63  }
0x3f: {  	_ =	swait.ge [sflag:s17], $0x4000  }
0x40: {  	[sflag:s17] =	ssyncset.done $0x0  }
0x41: {  	s29 =	simm.s32 $0x100;
	[sflag:s17] =	ssyncadd.s32 $0xFFFFC000  }
0x42: {  	[tilespmem:s18], [sflag:$0x1] =	stream.indirect.gather [hbm4b:s4+s19], $0x80, s29, s19, $0xb8;
	[tilespmem:$0x1E500] =	vst v63  }
0x43: {  	s29 =	sadd.s32 $0xFFFFFFF0, s16  }
0x44: {  	[tilespmem:s20], [sflag:$0x3] =	stream.linear.gather [hbm4b:s29+s3], $0x80, $0x38;
	[tilespmem:$0x1E500] =	vst v63  }
0x45: {  	_ =	swait.ge [sflag:s25], $0x4000  }
0x46: {  	[sflag:s25] =	ssyncset.done $0x0  }
0x47: {  	[sflag:s25] =	ssyncadd.s32 $0xFFFFC000  }
0x48: {  	_ =	swait.ge [sflag:s26], $0x80  }
0x49: {  	[sflag:s26] =	ssyncset.done $0x0  }
0x4a: {  	[sflag:s26] =	ssyncadd.s32 $0xFFFFFF80  }
0x4b: {  	[spmem:s1] =	stream.indirect.scatter.add.f32 [tilespmem:s21], [sflag:$0x5], $0x80, s22, s19, $0xb8;
	[tilespmem:$0x1E500] =	vst v63  }
0x4c: {  	_ =	swait.ge [sflag:s17], $0x4000  }
0x4d: {  	[sflag:s17] =	ssyncset.done $0x0  }
0x4e: {  	s29 =	simm.s32 $0x180;
	[sflag:s17] =	ssyncadd.s32 $0xFFFFC000  }
0x4f: {  	[tilespmem:s21], [sflag:$0x2] =	stream.indirect.gather [hbm4b:s4+s19], $0x80, s29, s19, $0xb8;
	[tilespmem:$0x1E500] =	vst v63  }
0x50: {  	s30 =	sadd.s32 $0x20, s16;
	s31 =	smov.u32 s16;
	s29 =	simm.s32 $0x400  }
.LBB2_2:
0x51: {  	[tilespmem:s22], [sflag:$0x4] =	stream.linear.gather [hbm4b:s31+s3], $0x80, $0x38;
	[tilespmem:$0x1E500] =	vst v63  }
0x52: {  	s0 =	smov.u32 s29;
	s31 =	smov.u32 s30  }
0x53: {  	p0 =	sne.s32 s29, $0x9800;
	s29 =	sadd.s32 $0x400, s29;
	_ =	swait.ge [sflag:s23], $0x4000  }
0x54: {  	[sflag:s23] =	ssyncset.done $0x0  }
0x55: {  	[sflag:s23] =	ssyncadd.s32 $0xFFFFC000  }
0x56: {  	_ =	swait.ge [sflag:s24], $0x80  }
0x57: {  	[sflag:s24] =	ssyncset.done $0x0  }
0x58: {  	[sflag:s24] =	ssyncadd.s32 $0xFFFFFF80  }
0x59: {  	[spmem:s1] =	stream.indirect.scatter.add.f32 [tilespmem:s18], [sflag:$0x5], $0x80, s20, s19, $0xb8;
	[tilespmem:$0x1E500] =	vst v63  }
0x5a: {  	_ =	swait.ge [sflag:s17], $0x4000  }
0x5b: {  	s0 =	sshra.s32 s0, $0x2;
	[sflag:s17] =	ssyncset.done $0x0  }
0x5c: {  	s2 =	sadd.s32 $0x100, s0;
	[sflag:s17] =	ssyncadd.s32 $0xFFFFC000  }
0x5d: {  	[tilespmem:s18], [sflag:$0x1] =	stream.indirect.gather [hbm4b:s4+s19], $0x80, s2, s19, $0xb8;
	[tilespmem:$0x1E500] =	vst v63  }
0x5e: {  	s2 =	sadd.s32 $0xFFFFFFF0, s30  }
0x5f: {  	[tilespmem:s20], [sflag:$0x3] =	stream.linear.gather [hbm4b:s2+s3], $0x80, $0x38;
	[tilespmem:$0x1E500] =	vst v63  }
0x60: {  	_ =	swait.ge [sflag:s25], $0x4000  }
0x61: {  	[sflag:s25] =	ssyncset.done $0x0  }
0x62: {  	[sflag:s25] =	ssyncadd.s32 $0xFFFFC000  }
0x63: {  	_ =	swait.ge [sflag:s26], $0x80  }
0x64: {  	[sflag:s26] =	ssyncset.done $0x0  }
0x65: {  	[sflag:s26] =	ssyncadd.s32 $0xFFFFFF80  }
0x66: {  	[spmem:s1] =	stream.indirect.scatter.add.f32 [tilespmem:s21], [sflag:$0x5], $0x80, s22, s19, $0xb8;
	[tilespmem:$0x1E500] =	vst v63  }
.Ltmp0:
0x67: {  	_ =	swait.ge [sflag:s17], $0x4000;
	(pc) =	sbr.rel @p0 .LBB2_2-.Ltmp0, $4  }
0x68: {  	[sflag:s17] =	ssyncset.done $0x0  }
0x69: {  	s0 =	sadd.s32 $0x180, s0;
	[sflag:s17] =	ssyncadd.s32 $0xFFFFC000  }
0x6a: {  	[tilespmem:s21], [sflag:$0x2] =	stream.indirect.gather [hbm4b:s4+s19], $0x80, s0, s19, $0xb8;
	[tilespmem:$0x1E500] =	vst v63  }
0x6b: {  	s30 =	sadd.s32 $0x20, s30  }
0x6c: {  	[tilespmem:s22], [sflag:$0x4] =	stream.linear.gather [hbm4b:s31+s3], $0x80, $0x38;
	[tilespmem:$0x1E500] =	vst v63  }
0x6d: {  	_ =	swait.ge [sflag:s23], $0x4000  }
0x6e: {  	[sflag:s23] =	ssyncset.done $0x0  }
0x6f: {  	[sflag:s23] =	ssyncadd.s32 $0xFFFFC000  }
0x70: {  	_ =	swait.ge [sflag:s24], $0x80  }
0x71: {  	[sflag:s24] =	ssyncset.done $0x0  }
0x72: {  	[sflag:s24] =	ssyncadd.s32 $0xFFFFFF80  }
0x73: {  	[spmem:s1] =	stream.indirect.scatter.add.f32 [tilespmem:s18], [sflag:$0x5], $0x80, s20, s19, $0xb8;
	[tilespmem:$0x1E500] =	vst v63  }
0x74: {  	_ =	swait.ge [sflag:s17], $0x4000  }
0x75: {  	[sflag:s17] =	ssyncset.done $0x0  }
0x76: {  	[sflag:s17] =	ssyncadd.s32 $0xFFFFC000  }
0x77: {  	_ =	swait.ge [sflag:s25], $0x4000  }
0x78: {  	[sflag:s25] =	ssyncset.done $0x0  }
0x79: {  	[sflag:s25] =	ssyncadd.s32 $0xFFFFC000  }
0x7a: {  	_ =	swait.ge [sflag:s26], $0x80  }
0x7b: {  	[sflag:s26] =	ssyncset.done $0x0  }
0x7c: {  	[sflag:s26] =	ssyncadd.s32 $0xFFFFFF80  }
0x7d: {  	[spmem:s1] =	stream.indirect.scatter.add.f32 [tilespmem:s21], [sflag:$0x5], $0x80, s22, s19, $0xb8;
	[tilespmem:$0x1E500] =	vst v63  }
0x7e: {  	s0 =	stileid.u32;
	_ =	swait.ge [sflag:s17], $0x4000  }
0x7f: {  	s2 =	sshrl.u32 s7, $0x3;
	s28 =	sadd.s32 $0x1, s28;
	[sflag:s17] =	ssyncset.done $0x0  }
0x80: {  	s0 =	sshll.u32 s0, $0x6;
	p0 =	sne.s32 s28, s12;
	[sflag:s17] =	ssyncadd.s32 $0xFFFFC000  }
.Ltmp1:
0x81: {  	s0 =	sor.u32 $0x1C05, s0;
	[bflag:$0x0] =	sbarrier.arrive $0xFFFF;
	(pc) =	sbr.rel @p0 .LBB2_1-.Ltmp1, $4  }
0x82: {  	[hbm:s11], [sflag:s0] =	dma.local [spmem:s2], $0x2780  }
0x83: {  	_ =	swait.ge [sflag:s17], $0x2780  }
0x84: {  	[sflag:s17] =	ssyncset.done $0x0  }
0x85: {  	[sflag:s17] =	ssyncadd.s32 $0xFFFFD880  }
0x86: {  	_ =	sfence.sel $0x180000  }
0x87: {  	[bflag:$0x0] =	sbarrier.arrive $0xFFFF  }
0x88: {  	_ =	strace $0x90000053  }
0x89: {  	s0 =	stileid.u32;
	[bflag:$0x2] =	sbarrier.arrive $0xFFFF  }
0x8a: {  	p0 =	sne.s32 s0, $0x0;
	s0 =	rddreg [dreg:$0x3]  }
0x8b: {  	s0 =	sadd.s32 @!p0 $0x100000, s0  }
0x8c: {  	[sflag:s0] =	ssyncadd.tile.s32 @!p0 $0x1;
	_ =	shalt  }
.Lfunc_end2:
_tile_overlayer_lowered:
.L_overlay_start_2:
0x8d: {  	(tag) =	ssettag $0x2  }
0x8e: {  	s0 =	rddreg [dreg:$0x0];
	s2 =	stileid.u32  }
0x8f: {  	s1 =	rddreg [dreg:$0x1];
	p0 =	sne.s32 s2, $0x0  }
0x90: {  	s3 =	rddreg [dreg:$0x2];
	[bflag:$0x3] =	sbarrier.arrive $0xFFFF;
	s2 =	simm.s32 @!p0 $0x1C05  }
0x91: {  	[timem:s3], [sflag:s2] =	dma.local @!p0 [hbm:s0], s1  }
0x92: {  	s0 =	simm.s32 @!p0 $0x5  }
0x93: {  	_ =	swait.ge @!p0 [sflag:s0], s1  }
0x94: {  	s1 =	ssub.s32 @!p0 $0x0, s1;
	[sflag:s0] =	ssyncset.done @!p0 $0x0  }
0x95: {  	[sflag:s0] =	ssyncadd.s32 @!p0 s1  }
0x96: {  	[bflag:$0x3] =	sbarrier.arrive $0xFFFF  }
0x97: {  	_ =	shalt  }

</sc_bundles>
